<compile_context>
chip_gen: v7x
topology: tpu7x:2x2x1
jax: 0.10.2.dev20260603
libtpu: 0.0.44.dev20260713+nightly
codegen_flags: <defaults>
</compile_context>

<pallas_src>
import dataclasses
import functools

import jax
import jax.numpy as jnp
from jax import lax
from jax.experimental import pallas as pl
from jax.experimental.pallas import tpu as pltpu
from jax.experimental.pallas import tpu_sc as plsc

N_EXPERTS = 64
TOP_K = 8
N_GROUP = 8
TOPK_GROUP = 4
PER_GROUP = N_EXPERTS // N_GROUP

NUM_WORKERS = 32
LANES = 16

INT_MIN = -(2**31)


def _gate_scores_body(n_sub, wtb, x_ref, w_ref, b_ref, out_ref):
    logits = lax.dot_general(
        w_ref[...].astype(jnp.bfloat16),
        x_ref[...].astype(jnp.bfloat16),
        (((1,), (1,)), ((), ())),
        preferred_element_type=jnp.float32,
    )
    scores = jax.nn.sigmoid(logits) + b_ref[...]
    for k in range(n_sub):
        out_ref[k] = scores[:, k * wtb : (k + 1) * wtb]


def _gate_scores(x, w, bias, tokens_per_worker, gemm_tokens, chunk_tokens, goff):
    n_tokens, d = x.shape
    wtb = tokens_per_worker
    gtb = gemm_tokens
    n_sub = gtb // wtb
    grid = chunk_tokens // gtb
    return pl.pallas_call(
        functools.partial(_gate_scores_body, n_sub, wtb),
        grid=(grid,),
        in_specs=[
            pl.BlockSpec((gtb, d), lambda i: (i + goff, 0)),
            pl.BlockSpec((N_EXPERTS, d), lambda i: (0, 0)),
            pl.BlockSpec((N_EXPERTS, 1), lambda i: (0, 0)),
        ],
        out_specs=pl.BlockSpec((n_sub, N_EXPERTS, wtb), lambda i: (i, 0, 0)),
        out_shape=jax.ShapeDtypeStruct(
            (chunk_tokens // wtb, N_EXPERTS, wtb), jnp.float32
        ),
        compiler_params=pltpu.CompilerParams(
            dimension_semantics=("parallel",),
        ),
    )(x, w, bias)


SORT8 = [
    (0, 1), (2, 3), (4, 5), (6, 7),
    (0, 2), (1, 3), (4, 6), (5, 7),
    (1, 2), (5, 6), (0, 4), (3, 7),
    (1, 5), (2, 6),
    (1, 4), (3, 6),
    (2, 4), (3, 5),
    (3, 4),
]
MERGE8 = [
    (0, 4), (1, 5), (2, 6), (3, 7),
    (0, 2), (1, 3), (4, 6), (5, 7),
    (0, 1), (2, 3), (4, 5), (6, 7),
]


def _sort8_desc(vs):
    vs = list(vs)
    for i, j in SORT8:
        a, b = vs[i], vs[j]
        vs[i] = jnp.maximum(a, b)
        vs[j] = jnp.minimum(a, b)
    return vs


def _merge_top8(a, b):
    m = [jnp.maximum(a[i], b[7 - i]) for i in range(8)]
    for i, j in MERGE8:
        x, y = m[i], m[j]
        m[i] = jnp.maximum(x, y)
        m[j] = jnp.minimum(x, y)
    return m


def _route_body(tb, scores_hbm, w_hbm, i_hbm, sc_v, wout_v, iout_v, sem0, sem1):
    wid = lax.axis_index("s") * 2 + lax.axis_index("c")
    pltpu.sync_copy(scores_hbm.at[wid], sc_v)

    lanes = lax.iota(jnp.int32, LANES)

    @pl.loop(0, tb // LANES)
    def _chunk(ci):
        tok = ci * LANES
        toki = tok + lanes

        gkeys = []
        for g in range(N_GROUP):
            v = sc_v[g * PER_GROUP, pl.ds(tok, LANES)]
            for j in range(1, PER_GROUP):
                v = jnp.maximum(v, sc_v[g * PER_GROUP + j, pl.ds(tok, LANES)])
            ki = (plsc.bitcast(v, jnp.int32) & ~7) | (N_GROUP - 1 - g)
            gkeys.append(plsc.bitcast(ki, jnp.float32))

        gsorted = _sort8_desc(gkeys)
        sel_groups = [
            (N_GROUP - 1)
            - (plsc.bitcast(gsorted[i], jnp.int32) & (N_GROUP - 1))
            for i in range(TOPK_GROUP)
        ]

        group_sorted = []
        for sg in sel_groups:
            ebase = sg * PER_GROUP
            ekeys = []
            for j in range(PER_GROUP):
                e = ebase + j
                s = plsc.load_gather(sc_v, [e, toki])
                ki = (plsc.bitcast(s, jnp.int32) & ~63) | ((N_EXPERTS - 1) - e)
                ekeys.append(plsc.bitcast(ki, jnp.float32))
            group_sorted.append(_sort8_desc(ekeys))

        s01 = _merge_top8(group_sorted[0], group_sorted[1])
        s23 = _merge_top8(group_sorted[2], group_sorted[3])
        top = _merge_top8(s01, s23)

        sel_scores, sel_ids = [], []
        ssum = jnp.zeros((LANES,), jnp.float32)
        for p in range(TOP_K):
            ti = plsc.bitcast(top[p], jnp.int32)
            sel_ids.append((N_EXPERTS - 1) - (ti & (N_EXPERTS - 1)))
            sval = plsc.bitcast(ti & ~63, jnp.float32)
            sel_scores.append(sval)
            ssum = ssum + sval

        inv = 1.0 / (ssum + 1e-6)
        obase = toki * TOP_K
        for p in range(TOP_K):
            plsc.store_scatter(wout_v, [obase + p], sel_scores[p] * inv)
            plsc.store_scatter(iout_v, [obase + p], sel_ids[p])

    out_sl = pl.ds(wid * (tb * TOP_K), tb * TOP_K)
    cpw = pltpu.make_async_copy(wout_v, w_hbm.at[out_sl], sem0)
    cpi = pltpu.make_async_copy(iout_v, i_hbm.at[out_sl], sem1)
    cpw.start()
    cpi.start()
    cpw.wait()
    cpi.wait()


def _route(scores_blocked, tb):
    n_tokens = NUM_WORKERS * tb
    mesh = plsc.VectorSubcoreMesh(core_axis_name="c", subcore_axis_name="s")
    cp = pltpu.CompilerParams()
    if "needs_layout_passes" in pltpu.CompilerParams.__dataclass_fields__:
        cp = dataclasses.replace(cp, needs_layout_passes=False)
    return pl.kernel(
        functools.partial(_route_body, tb),
        out_type=[
            jax.ShapeDtypeStruct((n_tokens * TOP_K,), jnp.float32),
            jax.ShapeDtypeStruct((n_tokens * TOP_K,), jnp.int32),
        ],
        mesh=mesh,
        scratch_types=[
            pltpu.VMEM((N_EXPERTS, tb), jnp.float32),
            pltpu.VMEM((tb * TOP_K,), jnp.float32),
            pltpu.VMEM((tb * TOP_K,), jnp.int32),
            pltpu.SemaphoreType.DMA,
            pltpu.SemaphoreType.DMA,
        ],
        compiler_params=cp,
    )(scores_blocked)


CHUNK_TOKENS = ((4096, 512), (4096, 512))


def kernel(hidden_states, W, e_score_correction_bias):
    b, s, d = hidden_states.shape
    n_tokens = b * s
    x = hidden_states.reshape(n_tokens, d)
    bias = e_score_correction_bias.reshape(N_EXPERTS, 1)
    w_parts, i_parts = [], []
    tok_off = 0
    for chunk, gtb in CHUNK_TOKENS:
        tb = chunk // NUM_WORKERS
        scores_blocked = _gate_scores(
            x, W, bias, tb, gtb, chunk, tok_off // gtb
        )
        wts, idx = _route(scores_blocked, tb)
        w_parts.append(wts)
        i_parts.append(idx)
        tok_off += chunk
    weights = jnp.concatenate(w_parts)
    indices = jnp.concatenate(i_parts)
    return (
        weights.reshape(b, s, TOP_K),
        indices.reshape(b, s, TOP_K),
    )

# --- scband reference (transcript-rebuilt; emitter-appended) ---
"""Pipeline reference for scband-deep-seek-mo-egate-12627203850988 (READ-ONLY COPY).

The authoritative reference and input builder live on the scoring server;
editing this copy changes nothing except your own understanding.
"""

import jax, jax.numpy as jnp
import numpy as np

N_EXPERTS = 64
TOP_K = 8
N_GROUP = 8
TOPK_GROUP = 4
HIDDEN = 4096


def setup_inputs(seed: int = 0) -> dict:
    key = jax.random.key(seed)
    k1, k2 = jax.random.split(key, 2)
    hidden_states = jax.random.normal(k1, (2, 4096, HIDDEN), dtype=jnp.float32)
    # nn.Linear(hidden_size, n_routed_experts, bias=False) weight: [E, hidden]
    W = jax.random.normal(k2, (N_EXPERTS, HIDDEN), dtype=jnp.float32) * 0.02
    e_score_correction_bias = jnp.zeros((N_EXPERTS,), dtype=jnp.float32)
    return {
        "hidden_states": hidden_states,
        "W": W,
        "e_score_correction_bias": e_score_correction_bias,
    }


def reference(hidden_states, W, e_score_correction_bias):
    B, S, D = hidden_states.shape
    x = hidden_states.reshape(-1, D)
    logits = x @ W.T
    scores = jax.nn.sigmoid(logits) + e_score_correction_bias
    per_group = N_EXPERTS // N_GROUP
    scores_reshaped = scores.reshape(-1, N_GROUP, per_group)
    group_scores = scores_reshaped.max(axis=-1)
    _, selected_groups = jax.lax.top_k(group_scores, TOPK_GROUP)
    # scatter 1.0 into the selected groups (groups are distinct -> one_hot sum works)
    group_mask = jax.nn.one_hot(selected_groups, N_GROUP, dtype=scores.dtype).sum(axis=1)
    mask = jnp.broadcast_to(
        group_mask[:, :, None], (group_mask.shape[0], N_GROUP, per_group)
    ).reshape(-1, N_EXPERTS)
    masked_scores = scores * mask
    weights, indices = jax.lax.top_k(masked_scores, TOP_K)
    weights = weights / (weights.sum(axis=-1, keepdims=True) + 1e-06)
    return weights.reshape(B, S, -1), indices.reshape(B, S, -1)

if __name__ == "__main__":
    import jax
    _d = setup_inputs()
    print(jax.jit(kernel)(*tuple(_d.values())))

</pallas_src>

<mosaic_0001>
#map = affine_map<(d0, d1) -> (0, 0, 0)>
#map1 = affine_map<(d0, d1) -> (0)>
module attributes {stable_mosaic.version = 14 : i64} {
  func.func @_route_body(%arg0: i32, %arg1: i32, %arg2: memref<32x64x128xf32, #tpu.memory_space<hbm>>, %arg3: memref<32768xf32, #tpu.memory_space<hbm>>, %arg4: memref<32768xi32, #tpu.memory_space<hbm>>, %arg5: memref<64x128xf32, #tpu.memory_space<vmem>>, %arg6: memref<1024xf32, #tpu.memory_space<vmem>>, %arg7: memref<1024xi32, #tpu.memory_space<vmem>>, %arg8: memref<!tpu.dma_semaphore, #tpu.memory_space<semaphore_mem>>, %arg9: memref<!tpu.dma_semaphore, #tpu.memory_space<semaphore_mem>>) attributes {dimension_semantics = [#tpu.dimension_semantics<core_parallel>, #tpu.dimension_semantics<subcore_parallel>], iteration_bounds = array<i64: 2, 16>, scalar_prefetch = 0 : i64, scratch_operands = 5 : i64, tpu.core_type = #tpu.core_type<sc_vector_subcore>, window_params = [{transform_indices = #map}, {transform_indices = #map1}, {transform_indices = #map1}]} {
    %mul3A = arith.constant 2 : i32
    %mul3A_0 = arith.muli %arg1, %mul3A : i32
    %add3A = arith.addi %mul3A_0, %arg0 : i32
    "tpu.region"() ({
      %run_scoped3A = tpu.sem_alloc : memref<!tpu.dma_semaphore, #tpu.memory_space<semaphore_mem>>
      %dma_start3A_13 = arith.constant 0 : i32
      %dma_start3A_14 = arith.constant 0 : i32
      %dma_start3A_15 = tpu.memref_slice %arg2[%add3A, %dma_start3A_13, %dma_start3A_14] : memref<32x64x128xf32, #tpu.memory_space<hbm>> -> memref<1x64x128xf32, #tpu.memory_space<hbm>>
      %dma_start3A_16 = tpu.memref_squeeze %dma_start3A_15 : memref<1x64x128xf32, #tpu.memory_space<hbm>> -> memref<64x128xf32, #tpu.memory_space<hbm>>
      %dma_start3A_17 = arith.constant 0 : i32
      %dma_start3A_18 = arith.constant 0 : i32
      %dma_start3A_19 = tpu.memref_slice %arg2[%add3A, %dma_start3A_17, %dma_start3A_18] : memref<32x64x128xf32, #tpu.memory_space<hbm>> -> memref<1x64x128xf32, #tpu.memory_space<hbm>>
      %dma_start3A_20 = tpu.memref_squeeze %dma_start3A_19 : memref<1x64x128xf32, #tpu.memory_space<hbm>> -> memref<64x128xf32, #tpu.memory_space<hbm>>
      tpu.enqueue_dma source(%dma_start3A_20 : memref<64x128xf32, #tpu.memory_space<hbm>>) target(%arg5 : memref<64x128xf32, #tpu.memory_space<vmem>>) target_semaphore(%run_scoped3A : memref<!tpu.dma_semaphore, #tpu.memory_space<semaphore_mem>>)
      %dma_wait3A_21 = arith.constant 0 : i32
      %dma_wait3A_22 = arith.constant 0 : i32
      %dma_wait3A_23 = tpu.memref_slice %arg2[%add3A, %dma_wait3A_21, %dma_wait3A_22] : memref<32x64x128xf32, #tpu.memory_space<hbm>> -> memref<1x64x128xf32, #tpu.memory_space<hbm>>
      %dma_wait3A_24 = tpu.memref_squeeze %dma_wait3A_23 : memref<1x64x128xf32, #tpu.memory_space<hbm>> -> memref<64x128xf32, #tpu.memory_space<hbm>>
      %dma_wait3A_25 = arith.constant 0 : i32
      %dma_wait3A_26 = arith.constant 0 : i32
      %dma_wait3A_27 = tpu.memref_slice %arg2[%add3A, %dma_wait3A_25, %dma_wait3A_26] : memref<32x64x128xf32, #tpu.memory_space<hbm>> -> memref<1x64x128xf32, #tpu.memory_space<hbm>>
      %dma_wait3A_28 = tpu.memref_squeeze %dma_wait3A_27 : memref<1x64x128xf32, #tpu.memory_space<hbm>> -> memref<64x128xf32, #tpu.memory_space<hbm>>
      tpu.wait_dma2 semaphore(%run_scoped3A : memref<!tpu.dma_semaphore, #tpu.memory_space<semaphore_mem>>) src(%dma_wait3A_28 : memref<64x128xf32, #tpu.memory_space<hbm>>) dst(%arg5 : memref<64x128xf32, #tpu.memory_space<vmem>>)
      tpu.yield
    }) : () -> ()
    %iota3A = tpu.iota {dimensions = array<i32: 0>} : vector<16xi32>
    %scan3A = arith.constant 0 : i32
    %scan3A_1 = arith.constant 8 : i32
    %scan3A_2 = arith.addi %scan3A, %scan3A_1 : i32
    %scan3A_3 = arith.constant 1 : i32
    scf.for %scan3A_13 = %scan3A to %scan3A_2 step %scan3A_3  : i32 {
      %mul3A_14 = arith.constant 1 : i32
      %mul3A_15 = arith.muli %scan3A_13, %mul3A_14 : i32
      %add3A_16 = arith.constant 0 : i32
      %add3A_17 = arith.addi %add3A_16, %mul3A_15 : i32
      %mul3A_18 = arith.constant 16 : i32
      %mul3A_19 = arith.muli %add3A_17, %mul3A_18 : i32
      %add3A_20 = vector.broadcast %mul3A_19 : i32 to vector<16xi32>
      %add3A_21 = arith.addi %add3A_20, %iota3A : vector<16xi32>
      %get3A = arith.constant 0 : i32
      %get3A_22 = arith.index_cast %get3A : i32 to index
      %get3A_23 = arith.index_cast %mul3A_19 : i32 to index
      %get3A_24 = tpu.vector_load %arg5[%get3A_22, %get3A_23] {strides = array<i32>} : memref<64x128xf32, #tpu.memory_space<vmem>>, vector<16xf32>,
      %get3A_25 = arith.constant 1 : i32
      %get3A_26 = arith.index_cast %get3A_25 : i32 to index
      %get3A_27 = arith.index_cast %mul3A_19 : i32 to index
      %get3A_28 = tpu.vector_load %arg5[%get3A_26, %get3A_27] {strides = array<i32>} : memref<64x128xf32, #tpu.memory_space<vmem>>, vector<16xf32>,
      %max3A = arith.maximumf %get3A_24, %get3A_28 : vector<16xf32>
      %get3A_29 = arith.constant 2 : i32
      %get3A_30 = arith.index_cast %get3A_29 : i32 to index
      %get3A_31 = arith.index_cast %mul3A_19 : i32 to index
      %get3A_32 = tpu.vector_load %arg5[%get3A_30, %get3A_31] {strides = array<i32>} : memref<64x128xf32, #tpu.memory_space<vmem>>, vector<16xf32>,
      %max3A_33 = arith.maximumf %max3A, %get3A_32 : vector<16xf32>
      %get3A_34 = arith.constant 3 : i32
      %get3A_35 = arith.index_cast %get3A_34 : i32 to index
      %get3A_36 = arith.index_cast %mul3A_19 : i32 to index
      %get3A_37 = tpu.vector_load %arg5[%get3A_35, %get3A_36] {strides = array<i32>} : memref<64x128xf32, #tpu.memory_space<vmem>>, vector<16xf32>,
      %max3A_38 = arith.maximumf %max3A_33, %get3A_37 : vector<16xf32>
      %get3A_39 = arith.constant 4 : i32
      %get3A_40 = arith.index_cast %get3A_39 : i32 to index
      %get3A_41 = arith.index_cast %mul3A_19 : i32 to index
      %get3A_42 = tpu.vector_load %arg5[%get3A_40, %get3A_41] {strides = array<i32>} : memref<64x128xf32, #tpu.memory_space<vmem>>, vector<16xf32>,
      %max3A_43 = arith.maximumf %max3A_38, %get3A_42 : vector<16xf32>
      %get3A_44 = arith.constant 5 : i32
      %get3A_45 = arith.index_cast %get3A_44 : i32 to index
      %get3A_46 = arith.index_cast %mul3A_19 : i32 to index
      %get3A_47 = tpu.vector_load %arg5[%get3A_45, %get3A_46] {strides = array<i32>} : memref<64x128xf32, #tpu.memory_space<vmem>>, vector<16xf32>,
      %max3A_48 = arith.maximumf %max3A_43, %get3A_47 : vector<16xf32>
      %get3A_49 = arith.constant 6 : i32
      %get3A_50 = arith.index_cast %get3A_49 : i32 to index
      %get3A_51 = arith.index_cast %mul3A_19 : i32 to index
      %get3A_52 = tpu.vector_load %arg5[%get3A_50, %get3A_51] {strides = array<i32>} : memref<64x128xf32, #tpu.memory_space<vmem>>, vector<16xf32>,
      %max3A_53 = arith.maximumf %max3A_48, %get3A_52 : vector<16xf32>
      %get3A_54 = arith.constant 7 : i32
      %get3A_55 = arith.index_cast %get3A_54 : i32 to index
      %get3A_56 = arith.index_cast %mul3A_19 : i32 to index
      %get3A_57 = tpu.vector_load %arg5[%get3A_55, %get3A_56] {strides = array<i32>} : memref<64x128xf32, #tpu.memory_space<vmem>>, vector<16xf32>,
      %max3A_58 = arith.maximumf %max3A_53, %get3A_57 : vector<16xf32>
      %bitcast3A = vector.bitcast %max3A_58 : vector<16xf32> to vector<16xi32>
      %and3A = arith.constant -8 : i32
      %and3A_59 = vector.broadcast %and3A : i32 to vector<16xi32>
      %and3A_60 = arith.andi %bitcast3A, %and3A_59 : vector<16xi32>
      %or3A = arith.constant 7 : i32
      %or3A_61 = vector.broadcast %or3A : i32 to vector<16xi32>
      %or3A_62 = arith.ori %and3A_60, %or3A_61 : vector<16xi32>
      %bitcast3A_63 = vector.bitcast %or3A_62 : vector<16xi32> to vector<16xf32>
      %get3A_64 = arith.constant 8 : i32
      %get3A_65 = arith.index_cast %get3A_64 : i32 to index
      %get3A_66 = arith.index_cast %mul3A_19 : i32 to index
      %get3A_67 = tpu.vector_load %arg5[%get3A_65, %get3A_66] {strides = array<i32>} : memref<64x128xf32, #tpu.memory_space<vmem>>, vector<16xf32>,
      %get3A_68 = arith.constant 9 : i32
      %get3A_69 = arith.index_cast %get3A_68 : i32 to index
      %get3A_70 = arith.index_cast %mul3A_19 : i32 to index
      %get3A_71 = tpu.vector_load %arg5[%get3A_69, %get3A_70] {strides = array<i32>} : memref<64x128xf32, #tpu.memory_space<vmem>>, vector<16xf32>,
      %max3A_72 = arith.maximumf %get3A_67, %get3A_71 : vector<16xf32>
      %get3A_73 = arith.constant 10 : i32
      %get3A_74 = arith.index_cast %get3A_73 : i32 to index
      %get3A_75 = arith.index_cast %mul3A_19 : i32 to index
      %get3A_76 = tpu.vector_load %arg5[%get3A_74, %get3A_75] {strides = array<i32>} : memref<64x128xf32, #tpu.memory_space<vmem>>, vector<16xf32>,
      %max3A_77 = arith.maximumf %max3A_72, %get3A_76 : vector<16xf32>
      %get3A_78 = arith.constant 11 : i32
      %get3A_79 = arith.index_cast %get3A_78 : i32 to index
      %get3A_80 = arith.index_cast %mul3A_19 : i32 to index
      %get3A_81 = tpu.vector_load %arg5[%get3A_79, %get3A_80] {strides = array<i32>} : memref<64x128xf32, #tpu.memory_space<vmem>>, vector<16xf32>,
      %max3A_82 = arith.maximumf %max3A_77, %get3A_81 : vector<16xf32>
      %get3A_83 = arith.constant 12 : i32
      %get3A_84 = arith.index_cast %get3A_83 : i32 to index
      %get3A_85 = arith.index_cast %mul3A_19 : i32 to index
      %get3A_86 = tpu.vector_load %arg5[%get3A_84, %get3A_85] {strides = array<i32>} : memref<64x128xf32, #tpu.memory_space<vmem>>, vector<16xf32>,
      %max3A_87 = arith.maximumf %max3A_82, %get3A_86 : vector<16xf32>
      %get3A_88 = arith.constant 13 : i32
      %get3A_89 = arith.index_cast %get3A_88 : i32 to index
      %get3A_90 = arith.index_cast %mul3A_19 : i32 to index
      %get3A_91 = tpu.vector_load %arg5[%get3A_89, %get3A_90] {strides = array<i32>} : memref<64x128xf32, #tpu.memory_space<vmem>>, vector<16xf32>,
      %max3A_92 = arith.maximumf %max3A_87, %get3A_91 : vector<16xf32>
      %get3A_93 = arith.constant 14 : i32
      %get3A_94 = arith.index_cast %get3A_93 : i32 to index
      %get3A_95 = arith.index_cast %mul3A_19 : i32 to index
      %get3A_96 = tpu.vector_load %arg5[%get3A_94, %get3A_95] {strides = array<i32>} : memref<64x128xf32, #tpu.memory_space<vmem>>, vector<16xf32>,
      %max3A_97 = arith.maximumf %max3A_92, %get3A_96 : vector<16xf32>
      %get3A_98 = arith.constant 15 : i32
      %get3A_99 = arith.index_cast %get3A_98 : i32 to index
      %get3A_100 = arith.index_cast %mul3A_19 : i32 to index
      %get3A_101 = tpu.vector_load %arg5[%get3A_99, %get3A_100] {strides = array<i32>} : memref<64x128xf32, #tpu.memory_space<vmem>>, vector<16xf32>,
      %max3A_102 = arith.maximumf %max3A_97, %get3A_101 : vector<16xf32>
      %bitcast3A_103 = vector.bitcast %max3A_102 : vector<16xf32> to vector<16xi32>
      %and3A_104 = arith.constant -8 : i32
      %and3A_105 = vector.broadcast %and3A_104 : i32 to vector<16xi32>
      %and3A_106 = arith.andi %bitcast3A_103, %and3A_105 : vector<16xi32>
      %or3A_107 = arith.constant 6 : i32
      %or3A_108 = vector.broadcast %or3A_107 : i32 to vector<16xi32>
      %or3A_109 = arith.ori %and3A_106, %or3A_108 : vector<16xi32>
      %bitcast3A_110 = vector.bitcast %or3A_109 : vector<16xi32> to vector<16xf32>
      %get3A_111 = arith.constant 16 : i32
      %get3A_112 = arith.index_cast %get3A_111 : i32 to index
      %get3A_113 = arith.index_cast %mul3A_19 : i32 to index
      %get3A_114 = tpu.vector_load %arg5[%get3A_112, %get3A_113] {strides = array<i32>} : memref<64x128xf32, #tpu.memory_space<vmem>>, vector<16xf32>,
      %get3A_115 = arith.constant 17 : i32
      %get3A_116 = arith.index_cast %get3A_115 : i32 to index
      %get3A_117 = arith.index_cast %mul3A_19 : i32 to index
      %get3A_118 = tpu.vector_load %arg5[%get3A_116, %get3A_117] {strides = array<i32>} : memref<64x128xf32, #tpu.memory_space<vmem>>, vector<16xf32>,
      %max3A_119 = arith.maximumf %get3A_114, %get3A_118 : vector<16xf32>
      %get3A_120 = arith.constant 18 : i32
      %get3A_121 = arith.index_cast %get3A_120 : i32 to index
      %get3A_122 = arith.index_cast %mul3A_19 : i32 to index
      %get3A_123 = tpu.vector_load %arg5[%get3A_121, %get3A_122] {strides = array<i32>} : memref<64x128xf32, #tpu.memory_space<vmem>>, vector<16xf32>,
      %max3A_124 = arith.maximumf %max3A_119, %get3A_123 : vector<16xf32>
      %get3A_125 = arith.constant 19 : i32
      %get3A_126 = arith.index_cast %get3A_125 : i32 to index
      %get3A_127 = arith.index_cast %mul3A_19 : i32 to index
      %get3A_128 = tpu.vector_load %arg5[%get3A_126, %get3A_127] {strides = array<i32>} : memref<64x128xf32, #tpu.memory_space<vmem>>, vector<16xf32>,
      %max3A_129 = arith.maximumf %max3A_124, %get3A_128 : vector<16xf32>
      %get3A_130 = arith.constant 20 : i32
      %get3A_131 = arith.index_cast %get3A_130 : i32 to index
      %get3A_132 = arith.index_cast %mul3A_19 : i32 to index
      %get3A_133 = tpu.vector_load %arg5[%get3A_131, %get3A_132] {strides = array<i32>} : memref<64x128xf32, #tpu.memory_space<vmem>>, vector<16xf32>,
      %max3A_134 = arith.maximumf %max3A_129, %get3A_133 : vector<16xf32>
      %get3A_135 = arith.constant 21 : i32
      %get3A_136 = arith.index_cast %get3A_135 : i32 to index
      %get3A_137 = arith.index_cast %mul3A_19 : i32 to index
      %get3A_138 = tpu.vector_load %arg5[%get3A_136, %get3A_137] {strides = array<i32>} : memref<64x128xf32, #tpu.memory_space<vmem>>, vector<16xf32>,
      %max3A_139 = arith.maximumf %max3A_134, %get3A_138 : vector<16xf32>
      %get3A_140 = arith.constant 22 : i32
      %get3A_141 = arith.index_cast %get3A_140 : i32 to index
      %get3A_142 = arith.index_cast %mul3A_19 : i32 to index
      %get3A_143 = tpu.vector_load %arg5[%get3A_141, %get3A_142] {strides = array<i32>} : memref<64x128xf32, #tpu.memory_space<vmem>>, vector<16xf32>,
      %max3A_144 = arith.maximumf %max3A_139, %get3A_143 : vector<16xf32>
      %get3A_145 = arith.constant 23 : i32
      %get3A_146 = arith.index_cast %get3A_145 : i32 to index
      %get3A_147 = arith.index_cast %mul3A_19 : i32 to index
      %get3A_148 = tpu.vector_load %arg5[%get3A_146, %get3A_147] {strides = array<i32>} : memref<64x128xf32, #tpu.memory_space<vmem>>, vector<16xf32>,
      %max3A_149 = arith.maximumf %max3A_144, %get3A_148 : vector<16xf32>
      %bitcast3A_150 = vector.bitcast %max3A_149 : vector<16xf32> to vector<16xi32>
      %and3A_151 = arith.constant -8 : i32
      %and3A_152 = vector.broadcast %and3A_151 : i32 to vector<16xi32>
      %and3A_153 = arith.andi %bitcast3A_150, %and3A_152 : vector<16xi32>
      %or3A_154 = arith.constant 5 : i32
      %or3A_155 = vector.broadcast %or3A_154 : i32 to vector<16xi32>
      %or3A_156 = arith.ori %and3A_153, %or3A_155 : vector<16xi32>
      %bitcast3A_157 = vector.bitcast %or3A_156 : vector<16xi32> to vector<16xf32>
      %get3A_158 = arith.constant 24 : i32
      %get3A_159 = arith.index_cast %get3A_158 : i32 to index
      %get3A_160 = arith.index_cast %mul3A_19 : i32 to index
      %get3A_161 = tpu.vector_load %arg5[%get3A_159, %get3A_160] {strides = array<i32>} : memref<64x128xf32, #tpu.memory_space<vmem>>, vector<16xf32>,
      %get3A_162 = arith.constant 25 : i32
      %get3A_163 = arith.index_cast %get3A_162 : i32 to index
      %get3A_164 = arith.index_cast %mul3A_19 : i32 to index
      %get3A_165 = tpu.vector_load %arg5[%get3A_163, %get3A_164] {strides = array<i32>} : memref<64x128xf32, #tpu.memory_space<vmem>>, vector<16xf32>,
      %max3A_166 = arith.maximumf %get3A_161, %get3A_165 : vector<16xf32>
      %get3A_167 = arith.constant 26 : i32
      %get3A_168 = arith.index_cast %get3A_167 : i32 to index
      %get3A_169 = arith.index_cast %mul3A_19 : i32 to index
      %get3A_170 = tpu.vector_load %arg5[%get3A_168, %get3A_169] {strides = array<i32>} : memref<64x128xf32, #tpu.memory_space<vmem>>, vector<16xf32>,
      %max3A_171 = arith.maximumf %max3A_166, %get3A_170 : vector<16xf32>
      %get3A_172 = arith.constant 27 : i32
      %get3A_173 = arith.index_cast %get3A_172 : i32 to index
      %get3A_174 = arith.index_cast %mul3A_19 : i32 to index
      %get3A_175 = tpu.vector_load %arg5[%get3A_173, %get3A_174] {strides = array<i32>} : memref<64x128xf32, #tpu.memory_space<vmem>>, vector<16xf32>,
      %max3A_176 = arith.maximumf %max3A_171, %get3A_175 : vector<16xf32>
      %get3A_177 = arith.constant 28 : i32
      %get3A_178 = arith.index_cast %get3A_177 : i32 to index
      %get3A_179 = arith.index_cast %mul3A_19 : i32 to index
      %get3A_180 = tpu.vector_load %arg5[%get3A_178, %get3A_179] {strides = array<i32>} : memref<64x128xf32, #tpu.memory_space<vmem>>, vector<16xf32>,
      %max3A_181 = arith.maximumf %max3A_176, %get3A_180 : vector<16xf32>
      %get3A_182 = arith.constant 29 : i32
      %get3A_183 = arith.index_cast %get3A_182 : i32 to index
      %get3A_184 = arith.index_cast %mul3A_19 : i32 to index
      %get3A_185 = tpu.vector_load %arg5[%get3A_183, %get3A_184] {strides = array<i32>} : memref<64x128xf32, #tpu.memory_space<vmem>>, vector<16xf32>,
      %max3A_186 = arith.maximumf %max3A_181, %get3A_185 : vector<16xf32>
      %get3A_187 = arith.constant 30 : i32
      %get3A_188 = arith.index_cast %get3A_187 : i32 to index
      %get3A_189 = arith.index_cast %mul3A_19 : i32 to index
      %get3A_190 = tpu.vector_load %arg5[%get3A_188, %get3A_189] {strides = array<i32>} : memref<64x128xf32, #tpu.memory_space<vmem>>, vector<16xf32>,
      %max3A_191 = arith.maximumf %max3A_186, %get3A_190 : vector<16xf32>
      %get3A_192 = arith.constant 31 : i32
      %get3A_193 = arith.index_cast %get3A_192 : i32 to index
      %get3A_194 = arith.index_cast %mul3A_19 : i32 to index
      %get3A_195 = tpu.vector_load %arg5[%get3A_193, %get3A_194] {strides = array<i32>} : memref<64x128xf32, #tpu.memory_space<vmem>>, vector<16xf32>,
      %max3A_196 = arith.maximumf %max3A_191, %get3A_195 : vector<16xf32>
      %bitcast3A_197 = vector.bitcast %max3A_196 : vector<16xf32> to vector<16xi32>
      %and3A_198 = arith.constant -8 : i32
      %and3A_199 = vector.broadcast %and3A_198 : i32 to vector<16xi32>
      %and3A_200 = arith.andi %bitcast3A_197, %and3A_199 : vector<16xi32>
      %or3A_201 = arith.constant 4 : i32
      %or3A_202 = vector.broadcast %or3A_201 : i32 to vector<16xi32>
      %or3A_203 = arith.ori %and3A_200, %or3A_202 : vector<16xi32>
      %bitcast3A_204 = vector.bitcast %or3A_203 : vector<16xi32> to vector<16xf32>
      %get3A_205 = arith.constant 32 : i32
      %get3A_206 = arith.index_cast %get3A_205 : i32 to index
      %get3A_207 = arith.index_cast %mul3A_19 : i32 to index
      %get3A_208 = tpu.vector_load %arg5[%get3A_206, %get3A_207] {strides = array<i32>} : memref<64x128xf32, #tpu.memory_space<vmem>>, vector<16xf32>,
      %get3A_209 = arith.constant 33 : i32
      %get3A_210 = arith.index_cast %get3A_209 : i32 to index
      %get3A_211 = arith.index_cast %mul3A_19 : i32 to index
      %get3A_212 = tpu.vector_load %arg5[%get3A_210, %get3A_211] {strides = array<i32>} : memref<64x128xf32, #tpu.memory_space<vmem>>, vector<16xf32>,
      %max3A_213 = arith.maximumf %get3A_208, %get3A_212 : vector<16xf32>
      %get3A_214 = arith.constant 34 : i32
      %get3A_215 = arith.index_cast %get3A_214 : i32 to index
      %get3A_216 = arith.index_cast %mul3A_19 : i32 to index
      %get3A_217 = tpu.vector_load %arg5[%get3A_215, %get3A_216] {strides = array<i32>} : memref<64x128xf32, #tpu.memory_space<vmem>>, vector<16xf32>,
      %max3A_218 = arith.maximumf %max3A_213, %get3A_217 : vector<16xf32>
      %get3A_219 = arith.constant 35 : i32
      %get3A_220 = arith.index_cast %get3A_219 : i32 to index
      %get3A_221 = arith.index_cast %mul3A_19 : i32 to index
      %get3A_222 = tpu.vector_load %arg5[%get3A_220, %get3A_221] {strides = array<i32>} : memref<64x128xf32, #tpu.memory_space<vmem>>, vector<16xf32>,
      %max3A_223 = arith.maximumf %max3A_218, %get3A_222 : vector<16xf32>
      %get3A_224 = arith.constant 36 : i32
      %get3A_225 = arith.index_cast %get3A_224 : i32 to index
      %get3A_226 = arith.index_cast %mul3A_19 : i32 to index
      %get3A_227 = tpu.vector_load %arg5[%get3A_225, %get3A_226] {strides = array<i32>} : memref<64x128xf32, #tpu.memory_space<vmem>>, vector<16xf32>,
      %max3A_228 = arith.maximumf %max3A_223, %get3A_227 : vector<16xf32>
      %get3A_229 = arith.constant 37 : i32
      %get3A_230 = arith.index_cast %get3A_229 : i32 to index
      %get3A_231 = arith.index_cast %mul3A_19 : i32 to index
      %get3A_232 = tpu.vector_load %arg5[%get3A_230, %get3A_231] {strides = array<i32>} : memref<64x128xf32, #tpu.memory_space<vmem>>, vector<16xf32>,
      %max3A_233 = arith.maximumf %max3A_228, %get3A_232 : vector<16xf32>
      %get3A_234 = arith.constant 38 : i32
      %get3A_235 = arith.index_cast %get3A_234 : i32 to index
      %get3A_236 = arith.index_cast %mul3A_19 : i32 to index
      %get3A_237 = tpu.vector_load %arg5[%get3A_235, %get3A_236] {strides = array<i32>} : memref<64x128xf32, #tpu.memory_space<vmem>>, vector<16xf32>,
      %max3A_238 = arith.maximumf %max3A_233, %get3A_237 : vector<16xf32>
      %get3A_239 = arith.constant 39 : i32
      %get3A_240 = arith.index_cast %get3A_239 : i32 to index
      %get3A_241 = arith.index_cast %mul3A_19 : i32 to index
      %get3A_242 = tpu.vector_load %arg5[%get3A_240, %get3A_241] {strides = array<i32>} : memref<64x128xf32, #tpu.memory_space<vmem>>, vector<16xf32>,
      %max3A_243 = arith.maximumf %max3A_238, %get3A_242 : vector<16xf32>
      %bitcast3A_244 = vector.bitcast %max3A_243 : vector<16xf32> to vector<16xi32>
      %and3A_245 = arith.constant -8 : i32
      %and3A_246 = vector.broadcast %and3A_245 : i32 to vector<16xi32>
      %and3A_247 = arith.andi %bitcast3A_244, %and3A_246 : vector<16xi32>
      %or3A_248 = arith.constant 3 : i32
      %or3A_249 = vector.broadcast %or3A_248 : i32 to vector<16xi32>
      %or3A_250 = arith.ori %and3A_247, %or3A_249 : vector<16xi32>
      %bitcast3A_251 = vector.bitcast %or3A_250 : vector<16xi32> to vector<16xf32>
      %get3A_252 = arith.constant 40 : i32
      %get3A_253 = arith.index_cast %get3A_252 : i32 to index
      %get3A_254 = arith.index_cast %mul3A_19 : i32 to index
      %get3A_255 = tpu.vector_load %arg5[%get3A_253, %get3A_254] {strides = array<i32>} : memref<64x128xf32, #tpu.memory_space<vmem>>, vector<16xf32>,
      %get3A_256 = arith.constant 41 : i32
      %get3A_257 = arith.index_cast %get3A_256 : i32 to index
      %get3A_258 = arith.index_cast %mul3A_19 : i32 to index
      %get3A_259 = tpu.vector_load %arg5[%get3A_257, %get3A_258] {strides = array<i32>} : memref<64x128xf32, #tpu.memory_space<vmem>>, vector<16xf32>,
      %max3A_260 = arith.maximumf %get3A_255, %get3A_259 : vector<16xf32>
      %get3A_261 = arith.constant 42 : i32
      %get3A_262 = arith.index_cast %get3A_261 : i32 to index
      %get3A_263 = arith.index_cast %mul3A_19 : i32 to index
      %get3A_264 = tpu.vector_load %arg5[%get3A_262, %get3A_263] {strides = array<i32>} : memref<64x128xf32, #tpu.memory_space<vmem>>, vector<16xf32>,
      %max3A_265 = arith.maximumf %max3A_260, %get3A_264 : vector<16xf32>
      %get3A_266 = arith.constant 43 : i32
      %get3A_267 = arith.index_cast %get3A_266 : i32 to index
      %get3A_268 = arith.index_cast %mul3A_19 : i32 to index
      %get3A_269 = tpu.vector_load %arg5[%get3A_267, %get3A_268] {strides = array<i32>} : memref<64x128xf32, #tpu.memory_space<vmem>>, vector<16xf32>,
      %max3A_270 = arith.maximumf %max3A_265, %get3A_269 : vector<16xf32>
      %get3A_271 = arith.constant 44 : i32
      %get3A_272 = arith.index_cast %get3A_271 : i32 to index
      %get3A_273 = arith.index_cast %mul3A_19 : i32 to index
      %get3A_274 = tpu.vector_load %arg5[%get3A_272, %get3A_273] {strides = array<i32>} : memref<64x128xf32, #tpu.memory_space<vmem>>, vector<16xf32>,
      %max3A_275 = arith.maximumf %max3A_270, %get3A_274 : vector<16xf32>
      %get3A_276 = arith.constant 45 : i32
      %get3A_277 = arith.index_cast %get3A_276 : i32 to index
      %get3A_278 = arith.index_cast %mul3A_19 : i32 to index
      %get3A_279 = tpu.vector_load %arg5[%get3A_277, %get3A_278] {strides = array<i32>} : memref<64x128xf32, #tpu.memory_space<vmem>>, vector<16xf32>,
      %max3A_280 = arith.maximumf %max3A_275, %get3A_279 : vector<16xf32>
      %get3A_281 = arith.constant 46 : i32
      %get3A_282 = arith.index_cast %get3A_281 : i32 to index
      %get3A_283 = arith.index_cast %mul3A_19 : i32 to index
      %get3A_284 = tpu.vector_load %arg5[%get3A_282, %get3A_283] {strides = array<i32>} : memref<64x128xf32, #tpu.memory_space<vmem>>, vector<16xf32>,
      %max3A_285 = arith.maximumf %max3A_280, %get3A_284 : vector<16xf32>
      %get3A_286 = arith.constant 47 : i32
      %get3A_287 = arith.index_cast %get3A_286 : i32 to index
      %get3A_288 = arith.index_cast %mul3A_19 : i32 to index
      %get3A_289 = tpu.vector_load %arg5[%get3A_287, %get3A_288] {strides = array<i32>} : memref<64x128xf32, #tpu.memory_space<vmem>>, vector<16xf32>,
      %max3A_290 = arith.maximumf %max3A_285, %get3A_289 : vector<16xf32>
      %bitcast3A_291 = vector.bitcast %max3A_290 : vector<16xf32> to vector<16xi32>
      %and3A_292 = arith.constant -8 : i32
      %and3A_293 = vector.broadcast %and3A_292 : i32 to vector<16xi32>
      %and3A_294 = arith.andi %bitcast3A_291, %and3A_293 : vector<16xi32>
      %or3A_295 = arith.constant 2 : i32
      %or3A_296 = vector.broadcast %or3A_295 : i32 to vector<16xi32>
      %or3A_297 = arith.ori %and3A_294, %or3A_296 : vector<16xi32>
      %bitcast3A_298 = vector.bitcast %or3A_297 : vector<16xi32> to vector<16xf32>
      %get3A_299 = arith.constant 48 : i32
      %get3A_300 = arith.index_cast %get3A_299 : i32 to index
      %get3A_301 = arith.index_cast %mul3A_19 : i32 to index
      %get3A_302 = tpu.vector_load %arg5[%get3A_300, %get3A_301] {strides = array<i32>} : memref<64x128xf32, #tpu.memory_space<vmem>>, vector<16xf32>,
      %get3A_303 = arith.constant 49 : i32
      %get3A_304 = arith.index_cast %get3A_303 : i32 to index
      %get3A_305 = arith.index_cast %mul3A_19 : i32 to index
      %get3A_306 = tpu.vector_load %arg5[%get3A_304, %get3A_305] {strides = array<i32>} : memref<64x128xf32, #tpu.memory_space<vmem>>, vector<16xf32>,
      %max3A_307 = arith.maximumf %get3A_302, %get3A_306 : vector<16xf32>
      %get3A_308 = arith.constant 50 : i32
      %get3A_309 = arith.index_cast %get3A_308 : i32 to index
      %get3A_310 = arith.index_cast %mul3A_19 : i32 to index
      %get3A_311 = tpu.vector_load %arg5[%get3A_309, %get3A_310] {strides = array<i32>} : memref<64x128xf32, #tpu.memory_space<vmem>>, vector<16xf32>,
      %max3A_312 = arith.maximumf %max3A_307, %get3A_311 : vector<16xf32>
      %get3A_313 = arith.constant 51 : i32
      %get3A_314 = arith.index_cast %get3A_313 : i32 to index
      %get3A_315 = arith.index_cast %mul3A_19 : i32 to index
      %get3A_316 = tpu.vector_load %arg5[%get3A_314, %get3A_315] {strides = array<i32>} : memref<64x128xf32, #tpu.memory_space<vmem>>, vector<16xf32>,
      %max3A_317 = arith.maximumf %max3A_312, %get3A_316 : vector<16xf32>
      %get3A_318 = arith.constant 52 : i32
      %get3A_319 = arith.index_cast %get3A_318 : i32 to index
      %get3A_320 = arith.index_cast %mul3A_19 : i32 to index
      %get3A_321 = tpu.vector_load %arg5[%get3A_319, %get3A_320] {strides = array<i32>} : memref<64x128xf32, #tpu.memory_space<vmem>>, vector<16xf32>,
      %max3A_322 = arith.maximumf %max3A_317, %get3A_321 : vector<16xf32>
      %get3A_323 = arith.constant 53 : i32
      %get3A_324 = arith.index_cast %get3A_323 : i32 to index
      %get3A_325 = arith.index_cast %mul3A_19 : i32 to index
      %get3A_326 = tpu.vector_load %arg5[%get3A_324, %get3A_325] {strides = array<i32>} : memref<64x128xf32, #tpu.memory_space<vmem>>, vector<16xf32>,
      %max3A_327 = arith.maximumf %max3A_322, %get3A_326 : vector<16xf32>
      %get3A_328 = arith.constant 54 : i32
      %get3A_329 = arith.index_cast %get3A_328 : i32 to index
      %get3A_330 = arith.index_cast %mul3A_19 : i32 to index
      %get3A_331 = tpu.vector_load %arg5[%get3A_329, %get3A_330] {strides = array<i32>} : memref<64x128xf32, #tpu.memory_space<vmem>>, vector<16xf32>,
      %max3A_332 = arith.maximumf %max3A_327, %get3A_331 : vector<16xf32>
      %get3A_333 = arith.constant 55 : i32
      %get3A_334 = arith.index_cast %get3A_333 : i32 to index
      %get3A_335 = arith.index_cast %mul3A_19 : i32 to index
      %get3A_336 = tpu.vector_load %arg5[%get3A_334, %get3A_335] {strides = array<i32>} : memref<64x128xf32, #tpu.memory_space<vmem>>, vector<16xf32>,
      %max3A_337 = arith.maximumf %max3A_332, %get3A_336 : vector<16xf32>
      %bitcast3A_338 = vector.bitcast %max3A_337 : vector<16xf32> to vector<16xi32>
      %and3A_339 = arith.constant -8 : i32
      %and3A_340 = vector.broadcast %and3A_339 : i32 to vector<16xi32>
      %and3A_341 = arith.andi %bitcast3A_338, %and3A_340 : vector<16xi32>
      %or3A_342 = arith.constant 1 : i32
      %or3A_343 = vector.broadcast %or3A_342 : i32 to vector<16xi32>
      %or3A_344 = arith.ori %and3A_341, %or3A_343 : vector<16xi32>
      %bitcast3A_345 = vector.bitcast %or3A_344 : vector<16xi32> to vector<16xf32>
      %get3A_346 = arith.constant 56 : i32
      %get3A_347 = arith.index_cast %get3A_346 : i32 to index
      %get3A_348 = arith.index_cast %mul3A_19 : i32 to index
      %get3A_349 = tpu.vector_load %arg5[%get3A_347, %get3A_348] {strides = array<i32>} : memref<64x128xf32, #tpu.memory_space<vmem>>, vector<16xf32>,
      %get3A_350 = arith.constant 57 : i32
      %get3A_351 = arith.index_cast %get3A_350 : i32 to index
      %get3A_352 = arith.index_cast %mul3A_19 : i32 to index
      %get3A_353 = tpu.vector_load %arg5[%get3A_351, %get3A_352] {strides = array<i32>} : memref<64x128xf32, #tpu.memory_space<vmem>>, vector<16xf32>,
      %max3A_354 = arith.maximumf %get3A_349, %get3A_353 : vector<16xf32>
      %get3A_355 = arith.constant 58 : i32
      %get3A_356 = arith.index_cast %get3A_355 : i32 to index
      %get3A_357 = arith.index_cast %mul3A_19 : i32 to index
      %get3A_358 = tpu.vector_load %arg5[%get3A_356, %get3A_357] {strides = array<i32>} : memref<64x128xf32, #tpu.memory_space<vmem>>, vector<16xf32>,
      %max3A_359 = arith.maximumf %max3A_354, %get3A_358 : vector<16xf32>
      %get3A_360 = arith.constant 59 : i32
      %get3A_361 = arith.index_cast %get3A_360 : i32 to index
      %get3A_362 = arith.index_cast %mul3A_19 : i32 to index
      %get3A_363 = tpu.vector_load %arg5[%get3A_361, %get3A_362] {strides = array<i32>} : memref<64x128xf32, #tpu.memory_space<vmem>>, vector<16xf32>,
      %max3A_364 = arith.maximumf %max3A_359, %get3A_363 : vector<16xf32>
      %get3A_365 = arith.constant 60 : i32
      %get3A_366 = arith.index_cast %get3A_365 : i32 to index
      %get3A_367 = arith.index_cast %mul3A_19 : i32 to index
      %get3A_368 = tpu.vector_load %arg5[%get3A_366, %get3A_367] {strides = array<i32>} : memref<64x128xf32, #tpu.memory_space<vmem>>, vector<16xf32>,
      %max3A_369 = arith.maximumf %max3A_364, %get3A_368 : vector<16xf32>
      %get3A_370 = arith.constant 61 : i32
      %get3A_371 = arith.index_cast %get3A_370 : i32 to index
      %get3A_372 = arith.index_cast %mul3A_19 : i32 to index
      %get3A_373 = tpu.vector_load %arg5[%get3A_371, %get3A_372] {strides = array<i32>} : memref<64x128xf32, #tpu.memory_space<vmem>>, vector<16xf32>,
      %max3A_374 = arith.maximumf %max3A_369, %get3A_373 : vector<16xf32>
      %get3A_375 = arith.constant 62 : i32
      %get3A_376 = arith.index_cast %get3A_375 : i32 to index
      %get3A_377 = arith.index_cast %mul3A_19 : i32 to index
      %get3A_378 = tpu.vector_load %arg5[%get3A_376, %get3A_377] {strides = array<i32>} : memref<64x128xf32, #tpu.memory_space<vmem>>, vector<16xf32>,
      %max3A_379 = arith.maximumf %max3A_374, %get3A_378 : vector<16xf32>
      %get3A_380 = arith.constant 63 : i32
      %get3A_381 = arith.index_cast %get3A_380 : i32 to index
      %get3A_382 = arith.index_cast %mul3A_19 : i32 to index
      %get3A_383 = tpu.vector_load %arg5[%get3A_381, %get3A_382] {strides = array<i32>} : memref<64x128xf32, #tpu.memory_space<vmem>>, vector<16xf32>,
      %max3A_384 = arith.maximumf %max3A_379, %get3A_383 : vector<16xf32>
      %bitcast3A_385 = vector.bitcast %max3A_384 : vector<16xf32> to vector<16xi32>
      %and3A_386 = arith.constant -8 : i32
      %and3A_387 = vector.broadcast %and3A_386 : i32 to vector<16xi32>
      %and3A_388 = arith.andi %bitcast3A_385, %and3A_387 : vector<16xi32>
      %or3A_389 = arith.constant 0 : i32
      %or3A_390 = vector.broadcast %or3A_389 : i32 to vector<16xi32>
      %or3A_391 = arith.ori %and3A_388, %or3A_390 : vector<16xi32>
      %bitcast3A_392 = vector.bitcast %or3A_391 : vector<16xi32> to vector<16xf32>
      %max3A_393 = arith.maximumf %bitcast3A_63, %bitcast3A_110 : vector<16xf32>
      %min3A = arith.minimumf %bitcast3A_63, %bitcast3A_110 : vector<16xf32>
      %max3A_394 = arith.maximumf %bitcast3A_157, %bitcast3A_204 : vector<16xf32>
      %min3A_395 = arith.minimumf %bitcast3A_157, %bitcast3A_204 : vector<16xf32>
      %max3A_396 = arith.maximumf %bitcast3A_251, %bitcast3A_298 : vector<16xf32>
      %min3A_397 = arith.minimumf %bitcast3A_251, %bitcast3A_298 : vector<16xf32>
      %max3A_398 = arith.maximumf %bitcast3A_345, %bitcast3A_392 : vector<16xf32>
      %min3A_399 = arith.minimumf %bitcast3A_345, %bitcast3A_392 : vector<16xf32>
      %max3A_400 = arith.maximumf %max3A_393, %max3A_394 : vector<16xf32>
      %min3A_401 = arith.minimumf %max3A_393, %max3A_394 : vector<16xf32>
      %max3A_402 = arith.maximumf %min3A, %min3A_395 : vector<16xf32>
      %min3A_403 = arith.minimumf %min3A, %min3A_395 : vector<16xf32>
      %max3A_404 = arith.maximumf %max3A_396, %max3A_398 : vector<16xf32>
      %min3A_405 = arith.minimumf %max3A_396, %max3A_398 : vector<16xf32>
      %max3A_406 = arith.maximumf %min3A_397, %min3A_399 : vector<16xf32>
      %min3A_407 = arith.minimumf %min3A_397, %min3A_399 : vector<16xf32>
      %max3A_408 = arith.maximumf %max3A_402, %min3A_401 : vector<16xf32>
      %min3A_409 = arith.minimumf %max3A_402, %min3A_401 : vector<16xf32>
      %max3A_410 = arith.maximumf %max3A_406, %min3A_405 : vector<16xf32>
      %min3A_411 = arith.minimumf %max3A_406, %min3A_405 : vector<16xf32>
      %max3A_412 = arith.maximumf %max3A_400, %max3A_404 : vector<16xf32>
      %min3A_413 = arith.minimumf %max3A_400, %max3A_404 : vector<16xf32>
      %max3A_414 = arith.maximumf %min3A_403, %min3A_407 : vector<16xf32>
      %min3A_415 = arith.minimumf %min3A_403, %min3A_407 : vector<16xf32>
      %max3A_416 = arith.maximumf %max3A_408, %max3A_410 : vector<16xf32>
      %min3A_417 = arith.minimumf %max3A_408, %max3A_410 : vector<16xf32>
      %max3A_418 = arith.maximumf %min3A_409, %min3A_411 : vector<16xf32>
      %min3A_419 = arith.minimumf %min3A_409, %min3A_411 : vector<16xf32>
      %max3A_420 = arith.maximumf %max3A_416, %min3A_413 : vector<16xf32>
      %min3A_421 = arith.minimumf %max3A_416, %min3A_413 : vector<16xf32>
      %max3A_422 = arith.maximumf %max3A_414, %min3A_419 : vector<16xf32>
      %min3A_423 = arith.minimumf %max3A_414, %min3A_419 : vector<16xf32>
      %max3A_424 = arith.maximumf %max3A_418, %min3A_421 : vector<16xf32>
      %min3A_425 = arith.minimumf %max3A_418, %min3A_421 : vector<16xf32>
      %max3A_426 = arith.maximumf %max3A_422, %min3A_417 : vector<16xf32>
      %min3A_427 = arith.minimumf %max3A_422, %min3A_417 : vector<16xf32>
      %max3A_428 = arith.maximumf %max3A_426, %min3A_425 : vector<16xf32>
      %min3A_429 = arith.minimumf %max3A_426, %min3A_425 : vector<16xf32>
      %bitcast3A_430 = vector.bitcast %max3A_412 : vector<16xf32> to vector<16xi32>
      %and3A_431 = arith.constant 7 : i32
      %and3A_432 = vector.broadcast %and3A_431 : i32 to vector<16xi32>
      %and3A_433 = arith.andi %bitcast3A_430, %and3A_432 : vector<16xi32>
      %sub3A = arith.constant 7 : i32
      %sub3A_434 = vector.broadcast %sub3A : i32 to vector<16xi32>
      %sub3A_435 = arith.subi %sub3A_434, %and3A_433 : vector<16xi32>
      %bitcast3A_436 = vector.bitcast %max3A_420 : vector<16xf32> to vector<16xi32>
      %and3A_437 = arith.constant 7 : i32
      %and3A_438 = vector.broadcast %and3A_437 : i32 to vector<16xi32>
      %and3A_439 = arith.andi %bitcast3A_436, %and3A_438 : vector<16xi32>
      %sub3A_440 = arith.constant 7 : i32
      %sub3A_441 = vector.broadcast %sub3A_440 : i32 to vector<16xi32>
      %sub3A_442 = arith.subi %sub3A_441, %and3A_439 : vector<16xi32>
      %bitcast3A_443 = vector.bitcast %max3A_424 : vector<16xf32> to vector<16xi32>
      %and3A_444 = arith.constant 7 : i32
      %and3A_445 = vector.broadcast %and3A_444 : i32 to vector<16xi32>
      %and3A_446 = arith.andi %bitcast3A_443, %and3A_445 : vector<16xi32>
      %sub3A_447 = arith.constant 7 : i32
      %sub3A_448 = vector.broadcast %sub3A_447 : i32 to vector<16xi32>
      %sub3A_449 = arith.subi %sub3A_448, %and3A_446 : vector<16xi32>
      %bitcast3A_450 = vector.bitcast %max3A_428 : vector<16xf32> to vector<16xi32>
      %and3A_451 = arith.constant 7 : i32
      %and3A_452 = vector.broadcast %and3A_451 : i32 to vector<16xi32>
      %and3A_453 = arith.andi %bitcast3A_450, %and3A_452 : vector<16xi32>
      %sub3A_454 = arith.constant 7 : i32
      %sub3A_455 = vector.broadcast %sub3A_454 : i32 to vector<16xi32>
      %sub3A_456 = arith.subi %sub3A_455, %and3A_453 : vector<16xi32>
      %mul3A_457 = arith.constant 8 : i32
      %mul3A_458 = vector.broadcast %mul3A_457 : i32 to vector<16xi32>
      %mul3A_459 = arith.muli %sub3A_435, %mul3A_458 : vector<16xi32>
      %add3A_460 = arith.constant 0 : i32
      %add3A_461 = vector.broadcast %add3A_460 : i32 to vector<16xi32>
      %add3A_462 = arith.addi %mul3A_459, %add3A_461 : vector<16xi32>
      %gather3A = tpu.vector_load_idx %arg5[%add3A_462, %add3A_21] : memref<64x128xf32, #tpu.memory_space<vmem>>[vector<16xi32>, vector<16xi32>], vector<16xf32>,
      %bitcast3A_463 = vector.bitcast %gather3A : vector<16xf32> to vector<16xi32>
      %and3A_464 = arith.constant -64 : i32
      %and3A_465 = vector.broadcast %and3A_464 : i32 to vector<16xi32>
      %and3A_466 = arith.andi %bitcast3A_463, %and3A_465 : vector<16xi32>
      %sub3A_467 = arith.constant 63 : i32
      %sub3A_468 = vector.broadcast %sub3A_467 : i32 to vector<16xi32>
      %sub3A_469 = arith.subi %sub3A_468, %add3A_462 : vector<16xi32>
      %or3A_470 = arith.ori %and3A_466, %sub3A_469 : vector<16xi32>
      %bitcast3A_471 = vector.bitcast %or3A_470 : vector<16xi32> to vector<16xf32>
      %add3A_472 = arith.constant 1 : i32
      %add3A_473 = vector.broadcast %add3A_472 : i32 to vector<16xi32>
      %add3A_474 = arith.addi %mul3A_459, %add3A_473 : vector<16xi32>
      %gather3A_475 = tpu.vector_load_idx %arg5[%add3A_474, %add3A_21] : memref<64x128xf32, #tpu.memory_space<vmem>>[vector<16xi32>, vector<16xi32>], vector<16xf32>,
      %bitcast3A_476 = vector.bitcast %gather3A_475 : vector<16xf32> to vector<16xi32>
      %and3A_477 = arith.constant -64 : i32
      %and3A_478 = vector.broadcast %and3A_477 : i32 to vector<16xi32>
      %and3A_479 = arith.andi %bitcast3A_476, %and3A_478 : vector<16xi32>
      %sub3A_480 = arith.constant 63 : i32
      %sub3A_481 = vector.broadcast %sub3A_480 : i32 to vector<16xi32>
      %sub3A_482 = arith.subi %sub3A_481, %add3A_474 : vector<16xi32>
      %or3A_483 = arith.ori %and3A_479, %sub3A_482 : vector<16xi32>
      %bitcast3A_484 = vector.bitcast %or3A_483 : vector<16xi32> to vector<16xf32>
      %add3A_485 = arith.constant 2 : i32
      %add3A_486 = vector.broadcast %add3A_485 : i32 to vector<16xi32>
      %add3A_487 = arith.addi %mul3A_459, %add3A_486 : vector<16xi32>
      %gather3A_488 = tpu.vector_load_idx %arg5[%add3A_487, %add3A_21] : memref<64x128xf32, #tpu.memory_space<vmem>>[vector<16xi32>, vector<16xi32>], vector<16xf32>,
      %bitcast3A_489 = vector.bitcast %gather3A_488 : vector<16xf32> to vector<16xi32>
      %and3A_490 = arith.constant -64 : i32
      %and3A_491 = vector.broadcast %and3A_490 : i32 to vector<16xi32>
      %and3A_492 = arith.andi %bitcast3A_489, %and3A_491 : vector<16xi32>
      %sub3A_493 = arith.constant 63 : i32
      %sub3A_494 = vector.broadcast %sub3A_493 : i32 to vector<16xi32>
      %sub3A_495 = arith.subi %sub3A_494, %add3A_487 : vector<16xi32>
      %or3A_496 = arith.ori %and3A_492, %sub3A_495 : vector<16xi32>
      %bitcast3A_497 = vector.bitcast %or3A_496 : vector<16xi32> to vector<16xf32>
      %add3A_498 = arith.constant 3 : i32
      %add3A_499 = vector.broadcast %add3A_498 : i32 to vector<16xi32>
      %add3A_500 = arith.addi %mul3A_459, %add3A_499 : vector<16xi32>
      %gather3A_501 = tpu.vector_load_idx %arg5[%add3A_500, %add3A_21] : memref<64x128xf32, #tpu.memory_space<vmem>>[vector<16xi32>, vector<16xi32>], vector<16xf32>,
      %bitcast3A_502 = vector.bitcast %gather3A_501 : vector<16xf32> to vector<16xi32>
      %and3A_503 = arith.constant -64 : i32
      %and3A_504 = vector.broadcast %and3A_503 : i32 to vector<16xi32>
      %and3A_505 = arith.andi %bitcast3A_502, %and3A_504 : vector<16xi32>
      %sub3A_506 = arith.constant 63 : i32
      %sub3A_507 = vector.broadcast %sub3A_506 : i32 to vector<16xi32>
      %sub3A_508 = arith.subi %sub3A_507, %add3A_500 : vector<16xi32>
      %or3A_509 = arith.ori %and3A_505, %sub3A_508 : vector<16xi32>
      %bitcast3A_510 = vector.bitcast %or3A_509 : vector<16xi32> to vector<16xf32>
      %add3A_511 = arith.constant 4 : i32
      %add3A_512 = vector.broadcast %add3A_511 : i32 to vector<16xi32>
      %add3A_513 = arith.addi %mul3A_459, %add3A_512 : vector<16xi32>
      %gather3A_514 = tpu.vector_load_idx %arg5[%add3A_513, %add3A_21] : memref<64x128xf32, #tpu.memory_space<vmem>>[vector<16xi32>, vector<16xi32>], vector<16xf32>,
      %bitcast3A_515 = vector.bitcast %gather3A_514 : vector<16xf32> to vector<16xi32>
      %and3A_516 = arith.constant -64 : i32
      %and3A_517 = vector.broadcast %and3A_516 : i32 to vector<16xi32>
      %and3A_518 = arith.andi %bitcast3A_515, %and3A_517 : vector<16xi32>
      %sub3A_519 = arith.constant 63 : i32
      %sub3A_520 = vector.broadcast %sub3A_519 : i32 to vector<16xi32>
      %sub3A_521 = arith.subi %sub3A_520, %add3A_513 : vector<16xi32>
      %or3A_522 = arith.ori %and3A_518, %sub3A_521 : vector<16xi32>
      %bitcast3A_523 = vector.bitcast %or3A_522 : vector<16xi32> to vector<16xf32>
      %add3A_524 = arith.constant 5 : i32
      %add3A_525 = vector.broadcast %add3A_524 : i32 to vector<16xi32>
      %add3A_526 = arith.addi %mul3A_459, %add3A_525 : vector<16xi32>
      %gather3A_527 = tpu.vector_load_idx %arg5[%add3A_526, %add3A_21] : memref<64x128xf32, #tpu.memory_space<vmem>>[vector<16xi32>, vector<16xi32>], vector<16xf32>,
      %bitcast3A_528 = vector.bitcast %gather3A_527 : vector<16xf32> to vector<16xi32>
      %and3A_529 = arith.constant -64 : i32
      %and3A_530 = vector.broadcast %and3A_529 : i32 to vector<16xi32>
      %and3A_531 = arith.andi %bitcast3A_528, %and3A_530 : vector<16xi32>
      %sub3A_532 = arith.constant 63 : i32
      %sub3A_533 = vector.broadcast %sub3A_532 : i32 to vector<16xi32>
      %sub3A_534 = arith.subi %sub3A_533, %add3A_526 : vector<16xi32>
      %or3A_535 = arith.ori %and3A_531, %sub3A_534 : vector<16xi32>
      %bitcast3A_536 = vector.bitcast %or3A_535 : vector<16xi32> to vector<16xf32>
      %add3A_537 = arith.constant 6 : i32
      %add3A_538 = vector.broadcast %add3A_537 : i32 to vector<16xi32>
      %add3A_539 = arith.addi %mul3A_459, %add3A_538 : vector<16xi32>
      %gather3A_540 = tpu.vector_load_idx %arg5[%add3A_539, %add3A_21] : memref<64x128xf32, #tpu.memory_space<vmem>>[vector<16xi32>, vector<16xi32>], vector<16xf32>,
      %bitcast3A_541 = vector.bitcast %gather3A_540 : vector<16xf32> to vector<16xi32>
      %and3A_542 = arith.constant -64 : i32
      %and3A_543 = vector.broadcast %and3A_542 : i32 to vector<16xi32>
      %and3A_544 = arith.andi %bitcast3A_541, %and3A_543 : vector<16xi32>
      %sub3A_545 = arith.constant 63 : i32
      %sub3A_546 = vector.broadcast %sub3A_545 : i32 to vector<16xi32>
      %sub3A_547 = arith.subi %sub3A_546, %add3A_539 : vector<16xi32>
      %or3A_548 = arith.ori %and3A_544, %sub3A_547 : vector<16xi32>
      %bitcast3A_549 = vector.bitcast %or3A_548 : vector<16xi32> to vector<16xf32>
      %add3A_550 = arith.constant 7 : i32
      %add3A_551 = vector.broadcast %add3A_550 : i32 to vector<16xi32>
      %add3A_552 = arith.addi %mul3A_459, %add3A_551 : vector<16xi32>
      %gather3A_553 = tpu.vector_load_idx %arg5[%add3A_552, %add3A_21] : memref<64x128xf32, #tpu.memory_space<vmem>>[vector<16xi32>, vector<16xi32>], vector<16xf32>,
      %bitcast3A_554 = vector.bitcast %gather3A_553 : vector<16xf32> to vector<16xi32>
      %and3A_555 = arith.constant -64 : i32
      %and3A_556 = vector.broadcast %and3A_555 : i32 to vector<16xi32>
      %and3A_557 = arith.andi %bitcast3A_554, %and3A_556 : vector<16xi32>
      %sub3A_558 = arith.constant 63 : i32
      %sub3A_559 = vector.broadcast %sub3A_558 : i32 to vector<16xi32>
      %sub3A_560 = arith.subi %sub3A_559, %add3A_552 : vector<16xi32>
      %or3A_561 = arith.ori %and3A_557, %sub3A_560 : vector<16xi32>
      %bitcast3A_562 = vector.bitcast %or3A_561 : vector<16xi32> to vector<16xf32>
      %max3A_563 = arith.maximumf %bitcast3A_471, %bitcast3A_484 : vector<16xf32>
      %min3A_564 = arith.minimumf %bitcast3A_471, %bitcast3A_484 : vector<16xf32>
      %max3A_565 = arith.maximumf %bitcast3A_497, %bitcast3A_510 : vector<16xf32>
      %min3A_566 = arith.minimumf %bitcast3A_497, %bitcast3A_510 : vector<16xf32>
      %max3A_567 = arith.maximumf %bitcast3A_523, %bitcast3A_536 : vector<16xf32>
      %min3A_568 = arith.minimumf %bitcast3A_523, %bitcast3A_536 : vector<16xf32>
      %max3A_569 = arith.maximumf %bitcast3A_549, %bitcast3A_562 : vector<16xf32>
      %min3A_570 = arith.minimumf %bitcast3A_549, %bitcast3A_562 : vector<16xf32>
      %max3A_571 = arith.maximumf %max3A_563, %max3A_565 : vector<16xf32>
      %min3A_572 = arith.minimumf %max3A_563, %max3A_565 : vector<16xf32>
      %max3A_573 = arith.maximumf %min3A_564, %min3A_566 : vector<16xf32>
      %min3A_574 = arith.minimumf %min3A_564, %min3A_566 : vector<16xf32>
      %max3A_575 = arith.maximumf %max3A_567, %max3A_569 : vector<16xf32>
      %min3A_576 = arith.minimumf %max3A_567, %max3A_569 : vector<16xf32>
      %max3A_577 = arith.maximumf %min3A_568, %min3A_570 : vector<16xf32>
      %min3A_578 = arith.minimumf %min3A_568, %min3A_570 : vector<16xf32>
      %max3A_579 = arith.maximumf %max3A_573, %min3A_572 : vector<16xf32>
      %min3A_580 = arith.minimumf %max3A_573, %min3A_572 : vector<16xf32>
      %max3A_581 = arith.maximumf %max3A_577, %min3A_576 : vector<16xf32>
      %min3A_582 = arith.minimumf %max3A_577, %min3A_576 : vector<16xf32>
      %max3A_583 = arith.maximumf %max3A_571, %max3A_575 : vector<16xf32>
      %min3A_584 = arith.minimumf %max3A_571, %max3A_575 : vector<16xf32>
      %max3A_585 = arith.maximumf %min3A_574, %min3A_578 : vector<16xf32>
      %min3A_586 = arith.minimumf %min3A_574, %min3A_578 : vector<16xf32>
      %max3A_587 = arith.maximumf %max3A_579, %max3A_581 : vector<16xf32>
      %min3A_588 = arith.minimumf %max3A_579, %max3A_581 : vector<16xf32>
      %max3A_589 = arith.maximumf %min3A_580, %min3A_582 : vector<16xf32>
      %min3A_590 = arith.minimumf %min3A_580, %min3A_582 : vector<16xf32>
      %max3A_591 = arith.maximumf %max3A_587, %min3A_584 : vector<16xf32>
      %min3A_592 = arith.minimumf %max3A_587, %min3A_584 : vector<16xf32>
      %max3A_593 = arith.maximumf %max3A_585, %min3A_590 : vector<16xf32>
      %min3A_594 = arith.minimumf %max3A_585, %min3A_590 : vector<16xf32>
      %max3A_595 = arith.maximumf %max3A_589, %min3A_592 : vector<16xf32>
      %min3A_596 = arith.minimumf %max3A_589, %min3A_592 : vector<16xf32>
      %max3A_597 = arith.maximumf %max3A_593, %min3A_588 : vector<16xf32>
      %min3A_598 = arith.minimumf %max3A_593, %min3A_588 : vector<16xf32>
      %max3A_599 = arith.maximumf %max3A_597, %min3A_596 : vector<16xf32>
      %min3A_600 = arith.minimumf %max3A_597, %min3A_596 : vector<16xf32>
      %mul3A_601 = arith.constant 8 : i32
      %mul3A_602 = vector.broadcast %mul3A_601 : i32 to vector<16xi32>
      %mul3A_603 = arith.muli %sub3A_442, %mul3A_602 : vector<16xi32>
      %add3A_604 = arith.constant 0 : i32
      %add3A_605 = vector.broadcast %add3A_604 : i32 to vector<16xi32>
      %add3A_606 = arith.addi %mul3A_603, %add3A_605 : vector<16xi32>
      %gather3A_607 = tpu.vector_load_idx %arg5[%add3A_606, %add3A_21] : memref<64x128xf32, #tpu.memory_space<vmem>>[vector<16xi32>, vector<16xi32>], vector<16xf32>,
      %bitcast3A_608 = vector.bitcast %gather3A_607 : vector<16xf32> to vector<16xi32>
      %and3A_609 = arith.constant -64 : i32
      %and3A_610 = vector.broadcast %and3A_609 : i32 to vector<16xi32>
      %and3A_611 = arith.andi %bitcast3A_608, %and3A_610 : vector<16xi32>
      %sub3A_612 = arith.constant 63 : i32
      %sub3A_613 = vector.broadcast %sub3A_612 : i32 to vector<16xi32>
      %sub3A_614 = arith.subi %sub3A_613, %add3A_606 : vector<16xi32>
      %or3A_615 = arith.ori %and3A_611, %sub3A_614 : vector<16xi32>
      %bitcast3A_616 = vector.bitcast %or3A_615 : vector<16xi32> to vector<16xf32>
      %add3A_617 = arith.constant 1 : i32
      %add3A_618 = vector.broadcast %add3A_617 : i32 to vector<16xi32>
      %add3A_619 = arith.addi %mul3A_603, %add3A_618 : vector<16xi32>
      %gather3A_620 = tpu.vector_load_idx %arg5[%add3A_619, %add3A_21] : memref<64x128xf32, #tpu.memory_space<vmem>>[vector<16xi32>, vector<16xi32>], vector<16xf32>,
      %bitcast3A_621 = vector.bitcast %gather3A_620 : vector<16xf32> to vector<16xi32>
      %and3A_622 = arith.constant -64 : i32
      %and3A_623 = vector.broadcast %and3A_622 : i32 to vector<16xi32>
      %and3A_624 = arith.andi %bitcast3A_621, %and3A_623 : vector<16xi32>
      %sub3A_625 = arith.constant 63 : i32
      %sub3A_626 = vector.broadcast %sub3A_625 : i32 to vector<16xi32>
      %sub3A_627 = arith.subi %sub3A_626, %add3A_619 : vector<16xi32>
      %or3A_628 = arith.ori %and3A_624, %sub3A_627 : vector<16xi32>
      %bitcast3A_629 = vector.bitcast %or3A_628 : vector<16xi32> to vector<16xf32>
      %add3A_630 = arith.constant 2 : i32
      %add3A_631 = vector.broadcast %add3A_630 : i32 to vector<16xi32>
      %add3A_632 = arith.addi %mul3A_603, %add3A_631 : vector<16xi32>
      %gather3A_633 = tpu.vector_load_idx %arg5[%add3A_632, %add3A_21] : memref<64x128xf32, #tpu.memory_space<vmem>>[vector<16xi32>, vector<16xi32>], vector<16xf32>,
      %bitcast3A_634 = vector.bitcast %gather3A_633 : vector<16xf32> to vector<16xi32>
      %and3A_635 = arith.constant -64 : i32
      %and3A_636 = vector.broadcast %and3A_635 : i32 to vector<16xi32>
      %and3A_637 = arith.andi %bitcast3A_634, %and3A_636 : vector<16xi32>
      %sub3A_638 = arith.constant 63 : i32
      %sub3A_639 = vector.broadcast %sub3A_638 : i32 to vector<16xi32>
      %sub3A_640 = arith.subi %sub3A_639, %add3A_632 : vector<16xi32>
      %or3A_641 = arith.ori %and3A_637, %sub3A_640 : vector<16xi32>
      %bitcast3A_642 = vector.bitcast %or3A_641 : vector<16xi32> to vector<16xf32>
      %add3A_643 = arith.constant 3 : i32
      %add3A_644 = vector.broadcast %add3A_643 : i32 to vector<16xi32>
      %add3A_645 = arith.addi %mul3A_603, %add3A_644 : vector<16xi32>
      %gather3A_646 = tpu.vector_load_idx %arg5[%add3A_645, %add3A_21] : memref<64x128xf32, #tpu.memory_space<vmem>>[vector<16xi32>, vector<16xi32>], vector<16xf32>,
      %bitcast3A_647 = vector.bitcast %gather3A_646 : vector<16xf32> to vector<16xi32>
      %and3A_648 = arith.constant -64 : i32
      %and3A_649 = vector.broadcast %and3A_648 : i32 to vector<16xi32>
      %and3A_650 = arith.andi %bitcast3A_647, %and3A_649 : vector<16xi32>
      %sub3A_651 = arith.constant 63 : i32
      %sub3A_652 = vector.broadcast %sub3A_651 : i32 to vector<16xi32>
      %sub3A_653 = arith.subi %sub3A_652, %add3A_645 : vector<16xi32>
      %or3A_654 = arith.ori %and3A_650, %sub3A_653 : vector<16xi32>
      %bitcast3A_655 = vector.bitcast %or3A_654 : vector<16xi32> to vector<16xf32>
      %add3A_656 = arith.constant 4 : i32
      %add3A_657 = vector.broadcast %add3A_656 : i32 to vector<16xi32>
      %add3A_658 = arith.addi %mul3A_603, %add3A_657 : vector<16xi32>
      %gather3A_659 = tpu.vector_load_idx %arg5[%add3A_658, %add3A_21] : memref<64x128xf32, #tpu.memory_space<vmem>>[vector<16xi32>, vector<16xi32>], vector<16xf32>,
      %bitcast3A_660 = vector.bitcast %gather3A_659 : vector<16xf32> to vector<16xi32>
      %and3A_661 = arith.constant -64 : i32
      %and3A_662 = vector.broadcast %and3A_661 : i32 to vector<16xi32>
      %and3A_663 = arith.andi %bitcast3A_660, %and3A_662 : vector<16xi32>
      %sub3A_664 = arith.constant 63 : i32
      %sub3A_665 = vector.broadcast %sub3A_664 : i32 to vector<16xi32>
      %sub3A_666 = arith.subi %sub3A_665, %add3A_658 : vector<16xi32>
      %or3A_667 = arith.ori %and3A_663, %sub3A_666 : vector<16xi32>
      %bitcast3A_668 = vector.bitcast %or3A_667 : vector<16xi32> to vector<16xf32>
      %add3A_669 = arith.constant 5 : i32
      %add3A_670 = vector.broadcast %add3A_669 : i32 to vector<16xi32>
      %add3A_671 = arith.addi %mul3A_603, %add3A_670 : vector<16xi32>
      %gather3A_672 = tpu.vector_load_idx %arg5[%add3A_671, %add3A_21] : memref<64x128xf32, #tpu.memory_space<vmem>>[vector<16xi32>, vector<16xi32>], vector<16xf32>,
      %bitcast3A_673 = vector.bitcast %gather3A_672 : vector<16xf32> to vector<16xi32>
      %and3A_674 = arith.constant -64 : i32
      %and3A_675 = vector.broadcast %and3A_674 : i32 to vector<16xi32>
      %and3A_676 = arith.andi %bitcast3A_673, %and3A_675 : vector<16xi32>
      %sub3A_677 = arith.constant 63 : i32
      %sub3A_678 = vector.broadcast %sub3A_677 : i32 to vector<16xi32>
      %sub3A_679 = arith.subi %sub3A_678, %add3A_671 : vector<16xi32>
      %or3A_680 = arith.ori %and3A_676, %sub3A_679 : vector<16xi32>
      %bitcast3A_681 = vector.bitcast %or3A_680 : vector<16xi32> to vector<16xf32>
      %add3A_682 = arith.constant 6 : i32
      %add3A_683 = vector.broadcast %add3A_682 : i32 to vector<16xi32>
      %add3A_684 = arith.addi %mul3A_603, %add3A_683 : vector<16xi32>
      %gather3A_685 = tpu.vector_load_idx %arg5[%add3A_684, %add3A_21] : memref<64x128xf32, #tpu.memory_space<vmem>>[vector<16xi32>, vector<16xi32>], vector<16xf32>,
      %bitcast3A_686 = vector.bitcast %gather3A_685 : vector<16xf32> to vector<16xi32>
      %and3A_687 = arith.constant -64 : i32
      %and3A_688 = vector.broadcast %and3A_687 : i32 to vector<16xi32>
      %and3A_689 = arith.andi %bitcast3A_686, %and3A_688 : vector<16xi32>
      %sub3A_690 = arith.constant 63 : i32
      %sub3A_691 = vector.broadcast %sub3A_690 : i32 to vector<16xi32>
      %sub3A_692 = arith.subi %sub3A_691, %add3A_684 : vector<16xi32>
      %or3A_693 = arith.ori %and3A_689, %sub3A_692 : vector<16xi32>
      %bitcast3A_694 = vector.bitcast %or3A_693 : vector<16xi32> to vector<16xf32>
      %add3A_695 = arith.constant 7 : i32
      %add3A_696 = vector.broadcast %add3A_695 : i32 to vector<16xi32>
      %add3A_697 = arith.addi %mul3A_603, %add3A_696 : vector<16xi32>
      %gather3A_698 = tpu.vector_load_idx %arg5[%add3A_697, %add3A_21] : memref<64x128xf32, #tpu.memory_space<vmem>>[vector<16xi32>, vector<16xi32>], vector<16xf32>,
      %bitcast3A_699 = vector.bitcast %gather3A_698 : vector<16xf32> to vector<16xi32>
      %and3A_700 = arith.constant -64 : i32
      %and3A_701 = vector.broadcast %and3A_700 : i32 to vector<16xi32>
      %and3A_702 = arith.andi %bitcast3A_699, %and3A_701 : vector<16xi32>
      %sub3A_703 = arith.constant 63 : i32
      %sub3A_704 = vector.broadcast %sub3A_703 : i32 to vector<16xi32>
      %sub3A_705 = arith.subi %sub3A_704, %add3A_697 : vector<16xi32>
      %or3A_706 = arith.ori %and3A_702, %sub3A_705 : vector<16xi32>
      %bitcast3A_707 = vector.bitcast %or3A_706 : vector<16xi32> to vector<16xf32>
      %max3A_708 = arith.maximumf %bitcast3A_616, %bitcast3A_629 : vector<16xf32>
      %min3A_709 = arith.minimumf %bitcast3A_616, %bitcast3A_629 : vector<16xf32>
      %max3A_710 = arith.maximumf %bitcast3A_642, %bitcast3A_655 : vector<16xf32>
      %min3A_711 = arith.minimumf %bitcast3A_642, %bitcast3A_655 : vector<16xf32>
      %max3A_712 = arith.maximumf %bitcast3A_668, %bitcast3A_681 : vector<16xf32>
      %min3A_713 = arith.minimumf %bitcast3A_668, %bitcast3A_681 : vector<16xf32>
      %max3A_714 = arith.maximumf %bitcast3A_694, %bitcast3A_707 : vector<16xf32>
      %min3A_715 = arith.minimumf %bitcast3A_694, %bitcast3A_707 : vector<16xf32>
      %max3A_716 = arith.maximumf %max3A_708, %max3A_710 : vector<16xf32>
      %min3A_717 = arith.minimumf %max3A_708, %max3A_710 : vector<16xf32>
      %max3A_718 = arith.maximumf %min3A_709, %min3A_711 : vector<16xf32>
      %min3A_719 = arith.minimumf %min3A_709, %min3A_711 : vector<16xf32>
      %max3A_720 = arith.maximumf %max3A_712, %max3A_714 : vector<16xf32>
      %min3A_721 = arith.minimumf %max3A_712, %max3A_714 : vector<16xf32>
      %max3A_722 = arith.maximumf %min3A_713, %min3A_715 : vector<16xf32>
      %min3A_723 = arith.minimumf %min3A_713, %min3A_715 : vector<16xf32>
      %max3A_724 = arith.maximumf %max3A_718, %min3A_717 : vector<16xf32>
      %min3A_725 = arith.minimumf %max3A_718, %min3A_717 : vector<16xf32>
      %max3A_726 = arith.maximumf %max3A_722, %min3A_721 : vector<16xf32>
      %min3A_727 = arith.minimumf %max3A_722, %min3A_721 : vector<16xf32>
      %max3A_728 = arith.maximumf %max3A_716, %max3A_720 : vector<16xf32>
      %min3A_729 = arith.minimumf %max3A_716, %max3A_720 : vector<16xf32>
      %max3A_730 = arith.maximumf %min3A_719, %min3A_723 : vector<16xf32>
      %min3A_731 = arith.minimumf %min3A_719, %min3A_723 : vector<16xf32>
      %max3A_732 = arith.maximumf %max3A_724, %max3A_726 : vector<16xf32>
      %min3A_733 = arith.minimumf %max3A_724, %max3A_726 : vector<16xf32>
      %max3A_734 = arith.maximumf %min3A_725, %min3A_727 : vector<16xf32>
      %min3A_735 = arith.minimumf %min3A_725, %min3A_727 : vector<16xf32>
      %max3A_736 = arith.maximumf %max3A_732, %min3A_729 : vector<16xf32>
      %min3A_737 = arith.minimumf %max3A_732, %min3A_729 : vector<16xf32>
      %max3A_738 = arith.maximumf %max3A_730, %min3A_735 : vector<16xf32>
      %min3A_739 = arith.minimumf %max3A_730, %min3A_735 : vector<16xf32>
      %max3A_740 = arith.maximumf %max3A_734, %min3A_737 : vector<16xf32>
      %min3A_741 = arith.minimumf %max3A_734, %min3A_737 : vector<16xf32>
      %max3A_742 = arith.maximumf %max3A_738, %min3A_733 : vector<16xf32>
      %min3A_743 = arith.minimumf %max3A_738, %min3A_733 : vector<16xf32>
      %max3A_744 = arith.maximumf %max3A_742, %min3A_741 : vector<16xf32>
      %min3A_745 = arith.minimumf %max3A_742, %min3A_741 : vector<16xf32>
      %mul3A_746 = arith.constant 8 : i32
      %mul3A_747 = vector.broadcast %mul3A_746 : i32 to vector<16xi32>
      %mul3A_748 = arith.muli %sub3A_449, %mul3A_747 : vector<16xi32>
      %add3A_749 = arith.constant 0 : i32
      %add3A_750 = vector.broadcast %add3A_749 : i32 to vector<16xi32>
      %add3A_751 = arith.addi %mul3A_748, %add3A_750 : vector<16xi32>
      %gather3A_752 = tpu.vector_load_idx %arg5[%add3A_751, %add3A_21] : memref<64x128xf32, #tpu.memory_space<vmem>>[vector<16xi32>, vector<16xi32>], vector<16xf32>,
      %bitcast3A_753 = vector.bitcast %gather3A_752 : vector<16xf32> to vector<16xi32>
      %and3A_754 = arith.constant -64 : i32
      %and3A_755 = vector.broadcast %and3A_754 : i32 to vector<16xi32>
      %and3A_756 = arith.andi %bitcast3A_753, %and3A_755 : vector<16xi32>
      %sub3A_757 = arith.constant 63 : i32
      %sub3A_758 = vector.broadcast %sub3A_757 : i32 to vector<16xi32>
      %sub3A_759 = arith.subi %sub3A_758, %add3A_751 : vector<16xi32>
      %or3A_760 = arith.ori %and3A_756, %sub3A_759 : vector<16xi32>
      %bitcast3A_761 = vector.bitcast %or3A_760 : vector<16xi32> to vector<16xf32>
      %add3A_762 = arith.constant 1 : i32
      %add3A_763 = vector.broadcast %add3A_762 : i32 to vector<16xi32>
      %add3A_764 = arith.addi %mul3A_748, %add3A_763 : vector<16xi32>
      %gather3A_765 = tpu.vector_load_idx %arg5[%add3A_764, %add3A_21] : memref<64x128xf32, #tpu.memory_space<vmem>>[vector<16xi32>, vector<16xi32>], vector<16xf32>,
      %bitcast3A_766 = vector.bitcast %gather3A_765 : vector<16xf32> to vector<16xi32>
      %and3A_767 = arith.constant -64 : i32
      %and3A_768 = vector.broadcast %and3A_767 : i32 to vector<16xi32>
      %and3A_769 = arith.andi %bitcast3A_766, %and3A_768 : vector<16xi32>
      %sub3A_770 = arith.constant 63 : i32
      %sub3A_771 = vector.broadcast %sub3A_770 : i32 to vector<16xi32>
      %sub3A_772 = arith.subi %sub3A_771, %add3A_764 : vector<16xi32>
      %or3A_773 = arith.ori %and3A_769, %sub3A_772 : vector<16xi32>
      %bitcast3A_774 = vector.bitcast %or3A_773 : vector<16xi32> to vector<16xf32>
      %add3A_775 = arith.constant 2 : i32
      %add3A_776 = vector.broadcast %add3A_775 : i32 to vector<16xi32>
      %add3A_777 = arith.addi %mul3A_748, %add3A_776 : vector<16xi32>
      %gather3A_778 = tpu.vector_load_idx %arg5[%add3A_777, %add3A_21] : memref<64x128xf32, #tpu.memory_space<vmem>>[vector<16xi32>, vector<16xi32>], vector<16xf32>,
      %bitcast3A_779 = vector.bitcast %gather3A_778 : vector<16xf32> to vector<16xi32>
      %and3A_780 = arith.constant -64 : i32
      %and3A_781 = vector.broadcast %and3A_780 : i32 to vector<16xi32>
      %and3A_782 = arith.andi %bitcast3A_779, %and3A_781 : vector<16xi32>
      %sub3A_783 = arith.constant 63 : i32
      %sub3A_784 = vector.broadcast %sub3A_783 : i32 to vector<16xi32>
      %sub3A_785 = arith.subi %sub3A_784, %add3A_777 : vector<16xi32>
      %or3A_786 = arith.ori %and3A_782, %sub3A_785 : vector<16xi32>
      %bitcast3A_787 = vector.bitcast %or3A_786 : vector<16xi32> to vector<16xf32>
      %add3A_788 = arith.constant 3 : i32
      %add3A_789 = vector.broadcast %add3A_788 : i32 to vector<16xi32>
      %add3A_790 = arith.addi %mul3A_748, %add3A_789 : vector<16xi32>
      %gather3A_791 = tpu.vector_load_idx %arg5[%add3A_790, %add3A_21] : memref<64x128xf32, #tpu.memory_space<vmem>>[vector<16xi32>, vector<16xi32>], vector<16xf32>,
      %bitcast3A_792 = vector.bitcast %gather3A_791 : vector<16xf32> to vector<16xi32>
      %and3A_793 = arith.constant -64 : i32
      %and3A_794 = vector.broadcast %and3A_793 : i32 to vector<16xi32>
      %and3A_795 = arith.andi %bitcast3A_792, %and3A_794 : vector<16xi32>
      %sub3A_796 = arith.constant 63 : i32
      %sub3A_797 = vector.broadcast %sub3A_796 : i32 to vector<16xi32>
      %sub3A_798 = arith.subi %sub3A_797, %add3A_790 : vector<16xi32>
      %or3A_799 = arith.ori %and3A_795, %sub3A_798 : vector<16xi32>
      %bitcast3A_800 = vector.bitcast %or3A_799 : vector<16xi32> to vector<16xf32>
      %add3A_801 = arith.constant 4 : i32
      %add3A_802 = vector.broadcast %add3A_801 : i32 to vector<16xi32>
      %add3A_803 = arith.addi %mul3A_748, %add3A_802 : vector<16xi32>
      %gather3A_804 = tpu.vector_load_idx %arg5[%add3A_803, %add3A_21] : memref<64x128xf32, #tpu.memory_space<vmem>>[vector<16xi32>, vector<16xi32>], vector<16xf32>,
      %bitcast3A_805 = vector.bitcast %gather3A_804 : vector<16xf32> to vector<16xi32>
      %and3A_806 = arith.constant -64 : i32
      %and3A_807 = vector.broadcast %and3A_806 : i32 to vector<16xi32>
      %and3A_808 = arith.andi %bitcast3A_805, %and3A_807 : vector<16xi32>
      %sub3A_809 = arith.constant 63 : i32
      %sub3A_810 = vector.broadcast %sub3A_809 : i32 to vector<16xi32>
      %sub3A_811 = arith.subi %sub3A_810, %add3A_803 : vector<16xi32>
      %or3A_812 = arith.ori %and3A_808, %sub3A_811 : vector<16xi32>
      %bitcast3A_813 = vector.bitcast %or3A_812 : vector<16xi32> to vector<16xf32>
      %add3A_814 = arith.constant 5 : i32
      %add3A_815 = vector.broadcast %add3A_814 : i32 to vector<16xi32>
      %add3A_816 = arith.addi %mul3A_748, %add3A_815 : vector<16xi32>
      %gather3A_817 = tpu.vector_load_idx %arg5[%add3A_816, %add3A_21] : memref<64x128xf32, #tpu.memory_space<vmem>>[vector<16xi32>, vector<16xi32>], vector<16xf32>,
      %bitcast3A_818 = vector.bitcast %gather3A_817 : vector<16xf32> to vector<16xi32>
      %and3A_819 = arith.constant -64 : i32
      %and3A_820 = vector.broadcast %and3A_819 : i32 to vector<16xi32>
      %and3A_821 = arith.andi %bitcast3A_818, %and3A_820 : vector<16xi32>
      %sub3A_822 = arith.constant 63 : i32
      %sub3A_823 = vector.broadcast %sub3A_822 : i32 to vector<16xi32>
      %sub3A_824 = arith.subi %sub3A_823, %add3A_816 : vector<16xi32>
      %or3A_825 = arith.ori %and3A_821, %sub3A_824 : vector<16xi32>
      %bitcast3A_826 = vector.bitcast %or3A_825 : vector<16xi32> to vector<16xf32>
      %add3A_827 = arith.constant 6 : i32
      %add3A_828 = vector.broadcast %add3A_827 : i32 to vector<16xi32>
      %add3A_829 = arith.addi %mul3A_748, %add3A_828 : vector<16xi32>
      %gather3A_830 = tpu.vector_load_idx %arg5[%add3A_829, %add3A_21] : memref<64x128xf32, #tpu.memory_space<vmem>>[vector<16xi32>, vector<16xi32>], vector<16xf32>,
      %bitcast3A_831 = vector.bitcast %gather3A_830 : vector<16xf32> to vector<16xi32>
      %and3A_832 = arith.constant -64 : i32
      %and3A_833 = vector.broadcast %and3A_832 : i32 to vector<16xi32>
      %and3A_834 = arith.andi %bitcast3A_831, %and3A_833 : vector<16xi32>
      %sub3A_835 = arith.constant 63 : i32
      %sub3A_836 = vector.broadcast %sub3A_835 : i32 to vector<16xi32>
      %sub3A_837 = arith.subi %sub3A_836, %add3A_829 : vector<16xi32>
      %or3A_838 = arith.ori %and3A_834, %sub3A_837 : vector<16xi32>
      %bitcast3A_839 = vector.bitcast %or3A_838 : vector<16xi32> to vector<16xf32>
      %add3A_840 = arith.constant 7 : i32
      %add3A_841 = vector.broadcast %add3A_840 : i32 to vector<16xi32>
      %add3A_842 = arith.addi %mul3A_748, %add3A_841 : vector<16xi32>
      %gather3A_843 = tpu.vector_load_idx %arg5[%add3A_842, %add3A_21] : memref<64x128xf32, #tpu.memory_space<vmem>>[vector<16xi32>, vector<16xi32>], vector<16xf32>,
      %bitcast3A_844 = vector.bitcast %gather3A_843 : vector<16xf32> to vector<16xi32>
      %and3A_845 = arith.constant -64 : i32
      %and3A_846 = vector.broadcast %and3A_845 : i32 to vector<16xi32>
      %and3A_847 = arith.andi %bitcast3A_844, %and3A_846 : vector<16xi32>
      %sub3A_848 = arith.constant 63 : i32
      %sub3A_849 = vector.broadcast %sub3A_848 : i32 to vector<16xi32>
      %sub3A_850 = arith.subi %sub3A_849, %add3A_842 : vector<16xi32>
      %or3A_851 = arith.ori %and3A_847, %sub3A_850 : vector<16xi32>
      %bitcast3A_852 = vector.bitcast %or3A_851 : vector<16xi32> to vector<16xf32>
      %max3A_853 = arith.maximumf %bitcast3A_761, %bitcast3A_774 : vector<16xf32>
      %min3A_854 = arith.minimumf %bitcast3A_761, %bitcast3A_774 : vector<16xf32>
      %max3A_855 = arith.maximumf %bitcast3A_787, %bitcast3A_800 : vector<16xf32>
      %min3A_856 = arith.minimumf %bitcast3A_787, %bitcast3A_800 : vector<16xf32>
      %max3A_857 = arith.maximumf %bitcast3A_813, %bitcast3A_826 : vector<16xf32>
      %min3A_858 = arith.minimumf %bitcast3A_813, %bitcast3A_826 : vector<16xf32>
      %max3A_859 = arith.maximumf %bitcast3A_839, %bitcast3A_852 : vector<16xf32>
      %min3A_860 = arith.minimumf %bitcast3A_839, %bitcast3A_852 : vector<16xf32>
      %max3A_861 = arith.maximumf %max3A_853, %max3A_855 : vector<16xf32>
      %min3A_862 = arith.minimumf %max3A_853, %max3A_855 : vector<16xf32>
      %max3A_863 = arith.maximumf %min3A_854, %min3A_856 : vector<16xf32>
      %min3A_864 = arith.minimumf %min3A_854, %min3A_856 : vector<16xf32>
      %max3A_865 = arith.maximumf %max3A_857, %max3A_859 : vector<16xf32>
      %min3A_866 = arith.minimumf %max3A_857, %max3A_859 : vector<16xf32>
      %max3A_867 = arith.maximumf %min3A_858, %min3A_860 : vector<16xf32>
      %min3A_868 = arith.minimumf %min3A_858, %min3A_860 : vector<16xf32>
      %max3A_869 = arith.maximumf %max3A_863, %min3A_862 : vector<16xf32>
      %min3A_870 = arith.minimumf %max3A_863, %min3A_862 : vector<16xf32>
      %max3A_871 = arith.maximumf %max3A_867, %min3A_866 : vector<16xf32>
      %min3A_872 = arith.minimumf %max3A_867, %min3A_866 : vector<16xf32>
      %max3A_873 = arith.maximumf %max3A_861, %max3A_865 : vector<16xf32>
      %min3A_874 = arith.minimumf %max3A_861, %max3A_865 : vector<16xf32>
      %max3A_875 = arith.maximumf %min3A_864, %min3A_868 : vector<16xf32>
      %min3A_876 = arith.minimumf %min3A_864, %min3A_868 : vector<16xf32>
      %max3A_877 = arith.maximumf %max3A_869, %max3A_871 : vector<16xf32>
      %min3A_878 = arith.minimumf %max3A_869, %max3A_871 : vector<16xf32>
      %max3A_879 = arith.maximumf %min3A_870, %min3A_872 : vector<16xf32>
      %min3A_880 = arith.minimumf %min3A_870, %min3A_872 : vector<16xf32>
      %max3A_881 = arith.maximumf %max3A_877, %min3A_874 : vector<16xf32>
      %min3A_882 = arith.minimumf %max3A_877, %min3A_874 : vector<16xf32>
      %max3A_883 = arith.maximumf %max3A_875, %min3A_880 : vector<16xf32>
      %min3A_884 = arith.minimumf %max3A_875, %min3A_880 : vector<16xf32>
      %max3A_885 = arith.maximumf %max3A_879, %min3A_882 : vector<16xf32>
      %min3A_886 = arith.minimumf %max3A_879, %min3A_882 : vector<16xf32>
      %max3A_887 = arith.maximumf %max3A_883, %min3A_878 : vector<16xf32>
      %min3A_888 = arith.minimumf %max3A_883, %min3A_878 : vector<16xf32>
      %max3A_889 = arith.maximumf %max3A_887, %min3A_886 : vector<16xf32>
      %min3A_890 = arith.minimumf %max3A_887, %min3A_886 : vector<16xf32>
      %mul3A_891 = arith.constant 8 : i32
      %mul3A_892 = vector.broadcast %mul3A_891 : i32 to vector<16xi32>
      %mul3A_893 = arith.muli %sub3A_456, %mul3A_892 : vector<16xi32>
      %add3A_894 = arith.constant 0 : i32
      %add3A_895 = vector.broadcast %add3A_894 : i32 to vector<16xi32>
      %add3A_896 = arith.addi %mul3A_893, %add3A_895 : vector<16xi32>
      %gather3A_897 = tpu.vector_load_idx %arg5[%add3A_896, %add3A_21] : memref<64x128xf32, #tpu.memory_space<vmem>>[vector<16xi32>, vector<16xi32>], vector<16xf32>,
      %bitcast3A_898 = vector.bitcast %gather3A_897 : vector<16xf32> to vector<16xi32>
      %and3A_899 = arith.constant -64 : i32
      %and3A_900 = vector.broadcast %and3A_899 : i32 to vector<16xi32>
      %and3A_901 = arith.andi %bitcast3A_898, %and3A_900 : vector<16xi32>
      %sub3A_902 = arith.constant 63 : i32
      %sub3A_903 = vector.broadcast %sub3A_902 : i32 to vector<16xi32>
      %sub3A_904 = arith.subi %sub3A_903, %add3A_896 : vector<16xi32>
      %or3A_905 = arith.ori %and3A_901, %sub3A_904 : vector<16xi32>
      %bitcast3A_906 = vector.bitcast %or3A_905 : vector<16xi32> to vector<16xf32>
      %add3A_907 = arith.constant 1 : i32
      %add3A_908 = vector.broadcast %add3A_907 : i32 to vector<16xi32>
      %add3A_909 = arith.addi %mul3A_893, %add3A_908 : vector<16xi32>
      %gather3A_910 = tpu.vector_load_idx %arg5[%add3A_909, %add3A_21] : memref<64x128xf32, #tpu.memory_space<vmem>>[vector<16xi32>, vector<16xi32>], vector<16xf32>,
      %bitcast3A_911 = vector.bitcast %gather3A_910 : vector<16xf32> to vector<16xi32>
      %and3A_912 = arith.constant -64 : i32
      %and3A_913 = vector.broadcast %and3A_912 : i32 to vector<16xi32>
      %and3A_914 = arith.andi %bitcast3A_911, %and3A_913 : vector<16xi32>
      %sub3A_915 = arith.constant 63 : i32
      %sub3A_916 = vector.broadcast %sub3A_915 : i32 to vector<16xi32>
      %sub3A_917 = arith.subi %sub3A_916, %add3A_909 : vector<16xi32>
      %or3A_918 = arith.ori %and3A_914, %sub3A_917 : vector<16xi32>
      %bitcast3A_919 = vector.bitcast %or3A_918 : vector<16xi32> to vector<16xf32>
      %add3A_920 = arith.constant 2 : i32
      %add3A_921 = vector.broadcast %add3A_920 : i32 to vector<16xi32>
      %add3A_922 = arith.addi %mul3A_893, %add3A_921 : vector<16xi32>
      %gather3A_923 = tpu.vector_load_idx %arg5[%add3A_922, %add3A_21] : memref<64x128xf32, #tpu.memory_space<vmem>>[vector<16xi32>, vector<16xi32>], vector<16xf32>,
      %bitcast3A_924 = vector.bitcast %gather3A_923 : vector<16xf32> to vector<16xi32>
      %and3A_925 = arith.constant -64 : i32
      %and3A_926 = vector.broadcast %and3A_925 : i32 to vector<16xi32>
      %and3A_927 = arith.andi %bitcast3A_924, %and3A_926 : vector<16xi32>
      %sub3A_928 = arith.constant 63 : i32
      %sub3A_929 = vector.broadcast %sub3A_928 : i32 to vector<16xi32>
      %sub3A_930 = arith.subi %sub3A_929, %add3A_922 : vector<16xi32>
      %or3A_931 = arith.ori %and3A_927, %sub3A_930 : vector<16xi32>
      %bitcast3A_932 = vector.bitcast %or3A_931 : vector<16xi32> to vector<16xf32>
      %add3A_933 = arith.constant 3 : i32
      %add3A_934 = vector.broadcast %add3A_933 : i32 to vector<16xi32>
      %add3A_935 = arith.addi %mul3A_893, %add3A_934 : vector<16xi32>
      %gather3A_936 = tpu.vector_load_idx %arg5[%add3A_935, %add3A_21] : memref<64x128xf32, #tpu.memory_space<vmem>>[vector<16xi32>, vector<16xi32>], vector<16xf32>,
      %bitcast3A_937 = vector.bitcast %gather3A_936 : vector<16xf32> to vector<16xi32>
      %and3A_938 = arith.constant -64 : i32
      %and3A_939 = vector.broadcast %and3A_938 : i32 to vector<16xi32>
      %and3A_940 = arith.andi %bitcast3A_937, %and3A_939 : vector<16xi32>
      %sub3A_941 = arith.constant 63 : i32
      %sub3A_942 = vector.broadcast %sub3A_941 : i32 to vector<16xi32>
      %sub3A_943 = arith.subi %sub3A_942, %add3A_935 : vector<16xi32>
      %or3A_944 = arith.ori %and3A_940, %sub3A_943 : vector<16xi32>
      %bitcast3A_945 = vector.bitcast %or3A_944 : vector<16xi32> to vector<16xf32>
      %add3A_946 = arith.constant 4 : i32
      %add3A_947 = vector.broadcast %add3A_946 : i32 to vector<16xi32>
      %add3A_948 = arith.addi %mul3A_893, %add3A_947 : vector<16xi32>
      %gather3A_949 = tpu.vector_load_idx %arg5[%add3A_948, %add3A_21] : memref<64x128xf32, #tpu.memory_space<vmem>>[vector<16xi32>, vector<16xi32>], vector<16xf32>,
      %bitcast3A_950 = vector.bitcast %gather3A_949 : vector<16xf32> to vector<16xi32>
      %and3A_951 = arith.constant -64 : i32
      %and3A_952 = vector.broadcast %and3A_951 : i32 to vector<16xi32>
      %and3A_953 = arith.andi %bitcast3A_950, %and3A_952 : vector<16xi32>
      %sub3A_954 = arith.constant 63 : i32
      %sub3A_955 = vector.broadcast %sub3A_954 : i32 to vector<16xi32>
      %sub3A_956 = arith.subi %sub3A_955, %add3A_948 : vector<16xi32>
      %or3A_957 = arith.ori %and3A_953, %sub3A_956 : vector<16xi32>
      %bitcast3A_958 = vector.bitcast %or3A_957 : vector<16xi32> to vector<16xf32>
      %add3A_959 = arith.constant 5 : i32
      %add3A_960 = vector.broadcast %add3A_959 : i32 to vector<16xi32>
      %add3A_961 = arith.addi %mul3A_893, %add3A_960 : vector<16xi32>
      %gather3A_962 = tpu.vector_load_idx %arg5[%add3A_961, %add3A_21] : memref<64x128xf32, #tpu.memory_space<vmem>>[vector<16xi32>, vector<16xi32>], vector<16xf32>,
      %bitcast3A_963 = vector.bitcast %gather3A_962 : vector<16xf32> to vector<16xi32>
      %and3A_964 = arith.constant -64 : i32
      %and3A_965 = vector.broadcast %and3A_964 : i32 to vector<16xi32>
      %and3A_966 = arith.andi %bitcast3A_963, %and3A_965 : vector<16xi32>
      %sub3A_967 = arith.constant 63 : i32
      %sub3A_968 = vector.broadcast %sub3A_967 : i32 to vector<16xi32>
      %sub3A_969 = arith.subi %sub3A_968, %add3A_961 : vector<16xi32>
      %or3A_970 = arith.ori %and3A_966, %sub3A_969 : vector<16xi32>
      %bitcast3A_971 = vector.bitcast %or3A_970 : vector<16xi32> to vector<16xf32>
      %add3A_972 = arith.constant 6 : i32
      %add3A_973 = vector.broadcast %add3A_972 : i32 to vector<16xi32>
      %add3A_974 = arith.addi %mul3A_893, %add3A_973 : vector<16xi32>
      %gather3A_975 = tpu.vector_load_idx %arg5[%add3A_974, %add3A_21] : memref<64x128xf32, #tpu.memory_space<vmem>>[vector<16xi32>, vector<16xi32>], vector<16xf32>,
      %bitcast3A_976 = vector.bitcast %gather3A_975 : vector<16xf32> to vector<16xi32>
      %and3A_977 = arith.constant -64 : i32
      %and3A_978 = vector.broadcast %and3A_977 : i32 to vector<16xi32>
      %and3A_979 = arith.andi %bitcast3A_976, %and3A_978 : vector<16xi32>
      %sub3A_980 = arith.constant 63 : i32
      %sub3A_981 = vector.broadcast %sub3A_980 : i32 to vector<16xi32>
      %sub3A_982 = arith.subi %sub3A_981, %add3A_974 : vector<16xi32>
      %or3A_983 = arith.ori %and3A_979, %sub3A_982 : vector<16xi32>
      %bitcast3A_984 = vector.bitcast %or3A_983 : vector<16xi32> to vector<16xf32>
      %add3A_985 = arith.constant 7 : i32
      %add3A_986 = vector.broadcast %add3A_985 : i32 to vector<16xi32>
      %add3A_987 = arith.addi %mul3A_893, %add3A_986 : vector<16xi32>
      %gather3A_988 = tpu.vector_load_idx %arg5[%add3A_987, %add3A_21] : memref<64x128xf32, #tpu.memory_space<vmem>>[vector<16xi32>, vector<16xi32>], vector<16xf32>,
      %bitcast3A_989 = vector.bitcast %gather3A_988 : vector<16xf32> to vector<16xi32>
      %and3A_990 = arith.constant -64 : i32
      %and3A_991 = vector.broadcast %and3A_990 : i32 to vector<16xi32>
      %and3A_992 = arith.andi %bitcast3A_989, %and3A_991 : vector<16xi32>
      %sub3A_993 = arith.constant 63 : i32
      %sub3A_994 = vector.broadcast %sub3A_993 : i32 to vector<16xi32>
      %sub3A_995 = arith.subi %sub3A_994, %add3A_987 : vector<16xi32>
      %or3A_996 = arith.ori %and3A_992, %sub3A_995 : vector<16xi32>
      %bitcast3A_997 = vector.bitcast %or3A_996 : vector<16xi32> to vector<16xf32>
      %max3A_998 = arith.maximumf %bitcast3A_906, %bitcast3A_919 : vector<16xf32>
      %min3A_999 = arith.minimumf %bitcast3A_906, %bitcast3A_919 : vector<16xf32>
      %max3A_1000 = arith.maximumf %bitcast3A_932, %bitcast3A_945 : vector<16xf32>
      %min3A_1001 = arith.minimumf %bitcast3A_932, %bitcast3A_945 : vector<16xf32>
      %max3A_1002 = arith.maximumf %bitcast3A_958, %bitcast3A_971 : vector<16xf32>
      %min3A_1003 = arith.minimumf %bitcast3A_958, %bitcast3A_971 : vector<16xf32>
      %max3A_1004 = arith.maximumf %bitcast3A_984, %bitcast3A_997 : vector<16xf32>
      %min3A_1005 = arith.minimumf %bitcast3A_984, %bitcast3A_997 : vector<16xf32>
      %max3A_1006 = arith.maximumf %max3A_998, %max3A_1000 : vector<16xf32>
      %min3A_1007 = arith.minimumf %max3A_998, %max3A_1000 : vector<16xf32>
      %max3A_1008 = arith.maximumf %min3A_999, %min3A_1001 : vector<16xf32>
      %min3A_1009 = arith.minimumf %min3A_999, %min3A_1001 : vector<16xf32>
      %max3A_1010 = arith.maximumf %max3A_1002, %max3A_1004 : vector<16xf32>
      %min3A_1011 = arith.minimumf %max3A_1002, %max3A_1004 : vector<16xf32>
      %max3A_1012 = arith.maximumf %min3A_1003, %min3A_1005 : vector<16xf32>
      %min3A_1013 = arith.minimumf %min3A_1003, %min3A_1005 : vector<16xf32>
      %max3A_1014 = arith.maximumf %max3A_1008, %min3A_1007 : vector<16xf32>
      %min3A_1015 = arith.minimumf %max3A_1008, %min3A_1007 : vector<16xf32>
      %max3A_1016 = arith.maximumf %max3A_1012, %min3A_1011 : vector<16xf32>
      %min3A_1017 = arith.minimumf %max3A_1012, %min3A_1011 : vector<16xf32>
      %max3A_1018 = arith.maximumf %max3A_1006, %max3A_1010 : vector<16xf32>
      %min3A_1019 = arith.minimumf %max3A_1006, %max3A_1010 : vector<16xf32>
      %max3A_1020 = arith.maximumf %min3A_1009, %min3A_1013 : vector<16xf32>
      %min3A_1021 = arith.minimumf %min3A_1009, %min3A_1013 : vector<16xf32>
      %max3A_1022 = arith.maximumf %max3A_1014, %max3A_1016 : vector<16xf32>
      %min3A_1023 = arith.minimumf %max3A_1014, %max3A_1016 : vector<16xf32>
      %max3A_1024 = arith.maximumf %min3A_1015, %min3A_1017 : vector<16xf32>
      %min3A_1025 = arith.minimumf %min3A_1015, %min3A_1017 : vector<16xf32>
      %max3A_1026 = arith.maximumf %max3A_1022, %min3A_1019 : vector<16xf32>
      %min3A_1027 = arith.minimumf %max3A_1022, %min3A_1019 : vector<16xf32>
      %max3A_1028 = arith.maximumf %max3A_1020, %min3A_1025 : vector<16xf32>
      %min3A_1029 = arith.minimumf %max3A_1020, %min3A_1025 : vector<16xf32>
      %max3A_1030 = arith.maximumf %max3A_1024, %min3A_1027 : vector<16xf32>
      %min3A_1031 = arith.minimumf %max3A_1024, %min3A_1027 : vector<16xf32>
      %max3A_1032 = arith.maximumf %max3A_1028, %min3A_1023 : vector<16xf32>
      %min3A_1033 = arith.minimumf %max3A_1028, %min3A_1023 : vector<16xf32>
      %max3A_1034 = arith.maximumf %max3A_1032, %min3A_1031 : vector<16xf32>
      %min3A_1035 = arith.minimumf %max3A_1032, %min3A_1031 : vector<16xf32>
      %max3A_1036 = arith.maximumf %max3A_583, %min3A_731 : vector<16xf32>
      %max3A_1037 = arith.maximumf %max3A_591, %min3A_739 : vector<16xf32>
      %max3A_1038 = arith.maximumf %max3A_595, %min3A_743 : vector<16xf32>
      %max3A_1039 = arith.maximumf %max3A_599, %min3A_745 : vector<16xf32>
      %max3A_1040 = arith.maximumf %min3A_600, %max3A_744 : vector<16xf32>
      %max3A_1041 = arith.maximumf %min3A_598, %max3A_740 : vector<16xf32>
      %max3A_1042 = arith.maximumf %min3A_594, %max3A_736 : vector<16xf32>
      %max3A_1043 = arith.maximumf %min3A_586, %max3A_728 : vector<16xf32>
      %max3A_1044 = arith.maximumf %max3A_1036, %max3A_1040 : vector<16xf32>
      %min3A_1045 = arith.minimumf %max3A_1036, %max3A_1040 : vector<16xf32>
      %max3A_1046 = arith.maximumf %max3A_1037, %max3A_1041 : vector<16xf32>
      %min3A_1047 = arith.minimumf %max3A_1037, %max3A_1041 : vector<16xf32>
      %max3A_1048 = arith.maximumf %max3A_1038, %max3A_1042 : vector<16xf32>
      %min3A_1049 = arith.minimumf %max3A_1038, %max3A_1042 : vector<16xf32>
      %max3A_1050 = arith.maximumf %max3A_1039, %max3A_1043 : vector<16xf32>
      %min3A_1051 = arith.minimumf %max3A_1039, %max3A_1043 : vector<16xf32>
      %max3A_1052 = arith.maximumf %max3A_1044, %max3A_1048 : vector<16xf32>
      %min3A_1053 = arith.minimumf %max3A_1044, %max3A_1048 : vector<16xf32>
      %max3A_1054 = arith.maximumf %max3A_1046, %max3A_1050 : vector<16xf32>
      %min3A_1055 = arith.minimumf %max3A_1046, %max3A_1050 : vector<16xf32>
      %max3A_1056 = arith.maximumf %min3A_1045, %min3A_1049 : vector<16xf32>
      %min3A_1057 = arith.minimumf %min3A_1045, %min3A_1049 : vector<16xf32>
      %max3A_1058 = arith.maximumf %min3A_1047, %min3A_1051 : vector<16xf32>
      %min3A_1059 = arith.minimumf %min3A_1047, %min3A_1051 : vector<16xf32>
      %max3A_1060 = arith.maximumf %max3A_1052, %max3A_1054 : vector<16xf32>
      %min3A_1061 = arith.minimumf %max3A_1052, %max3A_1054 : vector<16xf32>
      %max3A_1062 = arith.maximumf %min3A_1053, %min3A_1055 : vector<16xf32>
      %min3A_1063 = arith.minimumf %min3A_1053, %min3A_1055 : vector<16xf32>
      %max3A_1064 = arith.maximumf %max3A_1056, %max3A_1058 : vector<16xf32>
      %min3A_1065 = arith.minimumf %max3A_1056, %max3A_1058 : vector<16xf32>
      %max3A_1066 = arith.maximumf %min3A_1057, %min3A_1059 : vector<16xf32>
      %min3A_1067 = arith.minimumf %min3A_1057, %min3A_1059 : vector<16xf32>
      %max3A_1068 = arith.maximumf %max3A_873, %min3A_1021 : vector<16xf32>
      %max3A_1069 = arith.maximumf %max3A_881, %min3A_1029 : vector<16xf32>
      %max3A_1070 = arith.maximumf %max3A_885, %min3A_1033 : vector<16xf32>
      %max3A_1071 = arith.maximumf %max3A_889, %min3A_1035 : vector<16xf32>
      %max3A_1072 = arith.maximumf %min3A_890, %max3A_1034 : vector<16xf32>
      %max3A_1073 = arith.maximumf %min3A_888, %max3A_1030 : vector<16xf32>
      %max3A_1074 = arith.maximumf %min3A_884, %max3A_1026 : vector<16xf32>
      %max3A_1075 = arith.maximumf %min3A_876, %max3A_1018 : vector<16xf32>
      %max3A_1076 = arith.maximumf %max3A_1068, %max3A_1072 : vector<16xf32>
      %min3A_1077 = arith.minimumf %max3A_1068, %max3A_1072 : vector<16xf32>
      %max3A_1078 = arith.maximumf %max3A_1069, %max3A_1073 : vector<16xf32>
      %min3A_1079 = arith.minimumf %max3A_1069, %max3A_1073 : vector<16xf32>
      %max3A_1080 = arith.maximumf %max3A_1070, %max3A_1074 : vector<16xf32>
      %min3A_1081 = arith.minimumf %max3A_1070, %max3A_1074 : vector<16xf32>
      %max3A_1082 = arith.maximumf %max3A_1071, %max3A_1075 : vector<16xf32>
      %min3A_1083 = arith.minimumf %max3A_1071, %max3A_1075 : vector<16xf32>
      %max3A_1084 = arith.maximumf %max3A_1076, %max3A_1080 : vector<16xf32>
      %min3A_1085 = arith.minimumf %max3A_1076, %max3A_1080 : vector<16xf32>
      %max3A_1086 = arith.maximumf %max3A_1078, %max3A_1082 : vector<16xf32>
      %min3A_1087 = arith.minimumf %max3A_1078, %max3A_1082 : vector<16xf32>
      %max3A_1088 = arith.maximumf %min3A_1077, %min3A_1081 : vector<16xf32>
      %min3A_1089 = arith.minimumf %min3A_1077, %min3A_1081 : vector<16xf32>
      %max3A_1090 = arith.maximumf %min3A_1079, %min3A_1083 : vector<16xf32>
      %min3A_1091 = arith.minimumf %min3A_1079, %min3A_1083 : vector<16xf32>
      %max3A_1092 = arith.maximumf %max3A_1084, %max3A_1086 : vector<16xf32>
      %min3A_1093 = arith.minimumf %max3A_1084, %max3A_1086 : vector<16xf32>
      %max3A_1094 = arith.maximumf %min3A_1085, %min3A_1087 : vector<16xf32>
      %min3A_1095 = arith.minimumf %min3A_1085, %min3A_1087 : vector<16xf32>
      %max3A_1096 = arith.maximumf %max3A_1088, %max3A_1090 : vector<16xf32>
      %min3A_1097 = arith.minimumf %max3A_1088, %max3A_1090 : vector<16xf32>
      %max3A_1098 = arith.maximumf %min3A_1089, %min3A_1091 : vector<16xf32>
      %min3A_1099 = arith.minimumf %min3A_1089, %min3A_1091 : vector<16xf32>
      %max3A_1100 = arith.maximumf %max3A_1060, %min3A_1099 : vector<16xf32>
      %max3A_1101 = arith.maximumf %min3A_1061, %max3A_1098 : vector<16xf32>
      %max3A_1102 = arith.maximumf %max3A_1062, %min3A_1097 : vector<16xf32>
      %max3A_1103 = arith.maximumf %min3A_1063, %max3A_1096 : vector<16xf32>
      %max3A_1104 = arith.maximumf %max3A_1064, %min3A_1095 : vector<16xf32>
      %max3A_1105 = arith.maximumf %min3A_1065, %max3A_1094 : vector<16xf32>
      %max3A_1106 = arith.maximumf %max3A_1066, %min3A_1093 : vector<16xf32>
      %max3A_1107 = arith.maximumf %min3A_1067, %max3A_1092 : vector<16xf32>
      %max3A_1108 = arith.maximumf %max3A_1100, %max3A_1104 : vector<16xf32>
      %min3A_1109 = arith.minimumf %max3A_1100, %max3A_1104 : vector<16xf32>
      %max3A_1110 = arith.maximumf %max3A_1101, %max3A_1105 : vector<16xf32>
      %min3A_1111 = arith.minimumf %max3A_1101, %max3A_1105 : vector<16xf32>
      %max3A_1112 = arith.maximumf %max3A_1102, %max3A_1106 : vector<16xf32>
      %min3A_1113 = arith.minimumf %max3A_1102, %max3A_1106 : vector<16xf32>
      %max3A_1114 = arith.maximumf %max3A_1103, %max3A_1107 : vector<16xf32>
      %min3A_1115 = arith.minimumf %max3A_1103, %max3A_1107 : vector<16xf32>
      %max3A_1116 = arith.maximumf %max3A_1108, %max3A_1112 : vector<16xf32>
      %min3A_1117 = arith.minimumf %max3A_1108, %max3A_1112 : vector<16xf32>
      %max3A_1118 = arith.maximumf %max3A_1110, %max3A_1114 : vector<16xf32>
      %min3A_1119 = arith.minimumf %max3A_1110, %max3A_1114 : vector<16xf32>
      %max3A_1120 = arith.maximumf %min3A_1109, %min3A_1113 : vector<16xf32>
      %min3A_1121 = arith.minimumf %min3A_1109, %min3A_1113 : vector<16xf32>
      %max3A_1122 = arith.maximumf %min3A_1111, %min3A_1115 : vector<16xf32>
      %min3A_1123 = arith.minimumf %min3A_1111, %min3A_1115 : vector<16xf32>
      %max3A_1124 = arith.maximumf %max3A_1116, %max3A_1118 : vector<16xf32>
      %min3A_1125 = arith.minimumf %max3A_1116, %max3A_1118 : vector<16xf32>
      %max3A_1126 = arith.maximumf %min3A_1117, %min3A_1119 : vector<16xf32>
      %min3A_1127 = arith.minimumf %min3A_1117, %min3A_1119 : vector<16xf32>
      %max3A_1128 = arith.maximumf %max3A_1120, %max3A_1122 : vector<16xf32>
      %min3A_1129 = arith.minimumf %max3A_1120, %max3A_1122 : vector<16xf32>
      %max3A_1130 = arith.maximumf %min3A_1121, %min3A_1123 : vector<16xf32>
      %min3A_1131 = arith.minimumf %min3A_1121, %min3A_1123 : vector<16xf32>
      %broadcast_in_dim3A = arith.constant 0.000000e+00 : f32
      %broadcast_in_dim3A_1132 = vector.broadcast %broadcast_in_dim3A : f32 to vector<16xf32>
      %bitcast3A_1133 = vector.bitcast %max3A_1124 : vector<16xf32> to vector<16xi32>
      %and3A_1134 = arith.constant 63 : i32
      %and3A_1135 = vector.broadcast %and3A_1134 : i32 to vector<16xi32>
      %and3A_1136 = arith.andi %bitcast3A_1133, %and3A_1135 : vector<16xi32>
      %sub3A_1137 = arith.constant 63 : i32
      %sub3A_1138 = vector.broadcast %sub3A_1137 : i32 to vector<16xi32>
      %sub3A_1139 = arith.subi %sub3A_1138, %and3A_1136 : vector<16xi32>
      %and3A_1140 = arith.constant -64 : i32
      %and3A_1141 = vector.broadcast %and3A_1140 : i32 to vector<16xi32>
      %and3A_1142 = arith.andi %bitcast3A_1133, %and3A_1141 : vector<16xi32>
      %bitcast3A_1143 = vector.bitcast %and3A_1142 : vector<16xi32> to vector<16xf32>
      %add3A_1144 = arith.addf %broadcast_in_dim3A_1132, %bitcast3A_1143 : vector<16xf32>
      %bitcast3A_1145 = vector.bitcast %min3A_1125 : vector<16xf32> to vector<16xi32>
      %and3A_1146 = arith.constant 63 : i32
      %and3A_1147 = vector.broadcast %and3A_1146 : i32 to vector<16xi32>
      %and3A_1148 = arith.andi %bitcast3A_1145, %and3A_1147 : vector<16xi32>
      %sub3A_1149 = arith.constant 63 : i32
      %sub3A_1150 = vector.broadcast %sub3A_1149 : i32 to vector<16xi32>
      %sub3A_1151 = arith.subi %sub3A_1150, %and3A_1148 : vector<16xi32>
      %and3A_1152 = arith.constant -64 : i32
      %and3A_1153 = vector.broadcast %and3A_1152 : i32 to vector<16xi32>
      %and3A_1154 = arith.andi %bitcast3A_1145, %and3A_1153 : vector<16xi32>
      %bitcast3A_1155 = vector.bitcast %and3A_1154 : vector<16xi32> to vector<16xf32>
      %add3A_1156 = arith.addf %add3A_1144, %bitcast3A_1155 : vector<16xf32>
      %bitcast3A_1157 = vector.bitcast %max3A_1126 : vector<16xf32> to vector<16xi32>
      %and3A_1158 = arith.constant 63 : i32
      %and3A_1159 = vector.broadcast %and3A_1158 : i32 to vector<16xi32>
      %and3A_1160 = arith.andi %bitcast3A_1157, %and3A_1159 : vector<16xi32>
      %sub3A_1161 = arith.constant 63 : i32
      %sub3A_1162 = vector.broadcast %sub3A_1161 : i32 to vector<16xi32>
      %sub3A_1163 = arith.subi %sub3A_1162, %and3A_1160 : vector<16xi32>
      %and3A_1164 = arith.constant -64 : i32
      %and3A_1165 = vector.broadcast %and3A_1164 : i32 to vector<16xi32>
      %and3A_1166 = arith.andi %bitcast3A_1157, %and3A_1165 : vector<16xi32>
      %bitcast3A_1167 = vector.bitcast %and3A_1166 : vector<16xi32> to vector<16xf32>
      %add3A_1168 = arith.addf %add3A_1156, %bitcast3A_1167 : vector<16xf32>
      %bitcast3A_1169 = vector.bitcast %min3A_1127 : vector<16xf32> to vector<16xi32>
      %and3A_1170 = arith.constant 63 : i32
      %and3A_1171 = vector.broadcast %and3A_1170 : i32 to vector<16xi32>
      %and3A_1172 = arith.andi %bitcast3A_1169, %and3A_1171 : vector<16xi32>
      %sub3A_1173 = arith.constant 63 : i32
      %sub3A_1174 = vector.broadcast %sub3A_1173 : i32 to vector<16xi32>
      %sub3A_1175 = arith.subi %sub3A_1174, %and3A_1172 : vector<16xi32>
      %and3A_1176 = arith.constant -64 : i32
      %and3A_1177 = vector.broadcast %and3A_1176 : i32 to vector<16xi32>
      %and3A_1178 = arith.andi %bitcast3A_1169, %and3A_1177 : vector<16xi32>
      %bitcast3A_1179 = vector.bitcast %and3A_1178 : vector<16xi32> to vector<16xf32>
      %add3A_1180 = arith.addf %add3A_1168, %bitcast3A_1179 : vector<16xf32>
      %bitcast3A_1181 = vector.bitcast %max3A_1128 : vector<16xf32> to vector<16xi32>
      %and3A_1182 = arith.constant 63 : i32
      %and3A_1183 = vector.broadcast %and3A_1182 : i32 to vector<16xi32>
      %and3A_1184 = arith.andi %bitcast3A_1181, %and3A_1183 : vector<16xi32>
      %sub3A_1185 = arith.constant 63 : i32
      %sub3A_1186 = vector.broadcast %sub3A_1185 : i32 to vector<16xi32>
      %sub3A_1187 = arith.subi %sub3A_1186, %and3A_1184 : vector<16xi32>
      %and3A_1188 = arith.constant -64 : i32
      %and3A_1189 = vector.broadcast %and3A_1188 : i32 to vector<16xi32>
      %and3A_1190 = arith.andi %bitcast3A_1181, %and3A_1189 : vector<16xi32>
      %bitcast3A_1191 = vector.bitcast %and3A_1190 : vector<16xi32> to vector<16xf32>
      %add3A_1192 = arith.addf %add3A_1180, %bitcast3A_1191 : vector<16xf32>
      %bitcast3A_1193 = vector.bitcast %min3A_1129 : vector<16xf32> to vector<16xi32>
      %and3A_1194 = arith.constant 63 : i32
      %and3A_1195 = vector.broadcast %and3A_1194 : i32 to vector<16xi32>
      %and3A_1196 = arith.andi %bitcast3A_1193, %and3A_1195 : vector<16xi32>
      %sub3A_1197 = arith.constant 63 : i32
      %sub3A_1198 = vector.broadcast %sub3A_1197 : i32 to vector<16xi32>
      %sub3A_1199 = arith.subi %sub3A_1198, %and3A_1196 : vector<16xi32>
      %and3A_1200 = arith.constant -64 : i32
      %and3A_1201 = vector.broadcast %and3A_1200 : i32 to vector<16xi32>
      %and3A_1202 = arith.andi %bitcast3A_1193, %and3A_1201 : vector<16xi32>
      %bitcast3A_1203 = vector.bitcast %and3A_1202 : vector<16xi32> to vector<16xf32>
      %add3A_1204 = arith.addf %add3A_1192, %bitcast3A_1203 : vector<16xf32>
      %bitcast3A_1205 = vector.bitcast %max3A_1130 : vector<16xf32> to vector<16xi32>
      %and3A_1206 = arith.constant 63 : i32
      %and3A_1207 = vector.broadcast %and3A_1206 : i32 to vector<16xi32>
      %and3A_1208 = arith.andi %bitcast3A_1205, %and3A_1207 : vector<16xi32>
      %sub3A_1209 = arith.constant 63 : i32
      %sub3A_1210 = vector.broadcast %sub3A_1209 : i32 to vector<16xi32>
      %sub3A_1211 = arith.subi %sub3A_1210, %and3A_1208 : vector<16xi32>
      %and3A_1212 = arith.constant -64 : i32
      %and3A_1213 = vector.broadcast %and3A_1212 : i32 to vector<16xi32>
      %and3A_1214 = arith.andi %bitcast3A_1205, %and3A_1213 : vector<16xi32>
      %bitcast3A_1215 = vector.bitcast %and3A_1214 : vector<16xi32> to vector<16xf32>
      %add3A_1216 = arith.addf %add3A_1204, %bitcast3A_1215 : vector<16xf32>
      %bitcast3A_1217 = vector.bitcast %min3A_1131 : vector<16xf32> to vector<16xi32>
      %and3A_1218 = arith.constant 63 : i32
      %and3A_1219 = vector.broadcast %and3A_1218 : i32 to vector<16xi32>
      %and3A_1220 = arith.andi %bitcast3A_1217, %and3A_1219 : vector<16xi32>
      %sub3A_1221 = arith.constant 63 : i32
      %sub3A_1222 = vector.broadcast %sub3A_1221 : i32 to vector<16xi32>
      %sub3A_1223 = arith.subi %sub3A_1222, %and3A_1220 : vector<16xi32>
      %and3A_1224 = arith.constant -64 : i32
      %and3A_1225 = vector.broadcast %and3A_1224 : i32 to vector<16xi32>
      %and3A_1226 = arith.andi %bitcast3A_1217, %and3A_1225 : vector<16xi32>
      %bitcast3A_1227 = vector.bitcast %and3A_1226 : vector<16xi32> to vector<16xf32>
      %add3A_1228 = arith.addf %add3A_1216, %bitcast3A_1227 : vector<16xf32>
      %add3A_1229 = arith.constant 9.99999997E-7 : f32
      %add3A_1230 = vector.broadcast %add3A_1229 : f32 to vector<16xf32>
      %add3A_1231 = arith.addf %add3A_1228, %add3A_1230 : vector<16xf32>
      %div3A = arith.constant 1.000000e+00 : f32
      %div3A_1232 = vector.broadcast %div3A : f32 to vector<16xf32>
      %div3A_1233 = arith.divf %div3A_1232, %add3A_1231 : vector<16xf32>
      %mul3A_1234 = arith.constant 8 : i32
      %mul3A_1235 = vector.broadcast %mul3A_1234 : i32 to vector<16xi32>
      %mul3A_1236 = arith.muli %add3A_21, %mul3A_1235 : vector<16xi32>
      %add3A_1237 = arith.constant 0 : i32
      %add3A_1238 = vector.broadcast %add3A_1237 : i32 to vector<16xi32>
      %add3A_1239 = arith.addi %mul3A_1236, %add3A_1238 : vector<16xi32>
      %mul3A_1240 = arith.mulf %bitcast3A_1143, %div3A_1233 : vector<16xf32>
      tpu.vector_store_idx %arg6[%add3A_1239], %mul3A_1240 : memref<1024xf32, #tpu.memory_space<vmem>>[vector<16xi32>], vector<16xf32>,
      %add3A_1241 = arith.constant 0 : i32
      %add3A_1242 = vector.broadcast %add3A_1241 : i32 to vector<16xi32>
      %add3A_1243 = arith.addi %mul3A_1236, %add3A_1242 : vector<16xi32>
      tpu.vector_store_idx %arg7[%add3A_1243], %sub3A_1139 : memref<1024xi32, #tpu.memory_space<vmem>>[vector<16xi32>], vector<16xi32>,
      %add3A_1244 = arith.constant 1 : i32
      %add3A_1245 = vector.broadcast %add3A_1244 : i32 to vector<16xi32>
      %add3A_1246 = arith.addi %mul3A_1236, %add3A_1245 : vector<16xi32>
      %mul3A_1247 = arith.mulf %bitcast3A_1155, %div3A_1233 : vector<16xf32>
      tpu.vector_store_idx %arg6[%add3A_1246], %mul3A_1247 : memref<1024xf32, #tpu.memory_space<vmem>>[vector<16xi32>], vector<16xf32>,
      %add3A_1248 = arith.constant 1 : i32
      %add3A_1249 = vector.broadcast %add3A_1248 : i32 to vector<16xi32>
      %add3A_1250 = arith.addi %mul3A_1236, %add3A_1249 : vector<16xi32>
      tpu.vector_store_idx %arg7[%add3A_1250], %sub3A_1151 : memref<1024xi32, #tpu.memory_space<vmem>>[vector<16xi32>], vector<16xi32>,
      %add3A_1251 = arith.constant 2 : i32
      %add3A_1252 = vector.broadcast %add3A_1251 : i32 to vector<16xi32>
      %add3A_1253 = arith.addi %mul3A_1236, %add3A_1252 : vector<16xi32>
      %mul3A_1254 = arith.mulf %bitcast3A_1167, %div3A_1233 : vector<16xf32>
      tpu.vector_store_idx %arg6[%add3A_1253], %mul3A_1254 : memref<1024xf32, #tpu.memory_space<vmem>>[vector<16xi32>], vector<16xf32>,
      %add3A_1255 = arith.constant 2 : i32
      %add3A_1256 = vector.broadcast %add3A_1255 : i32 to vector<16xi32>
      %add3A_1257 = arith.addi %mul3A_1236, %add3A_1256 : vector<16xi32>
      tpu.vector_store_idx %arg7[%add3A_1257], %sub3A_1163 : memref<1024xi32, #tpu.memory_space<vmem>>[vector<16xi32>], vector<16xi32>,
      %add3A_1258 = arith.constant 3 : i32
      %add3A_1259 = vector.broadcast %add3A_1258 : i32 to vector<16xi32>
      %add3A_1260 = arith.addi %mul3A_1236, %add3A_1259 : vector<16xi32>
      %mul3A_1261 = arith.mulf %bitcast3A_1179, %div3A_1233 : vector<16xf32>
      tpu.vector_store_idx %arg6[%add3A_1260], %mul3A_1261 : memref<1024xf32, #tpu.memory_space<vmem>>[vector<16xi32>], vector<16xf32>,
      %add3A_1262 = arith.constant 3 : i32
      %add3A_1263 = vector.broadcast %add3A_1262 : i32 to vector<16xi32>
      %add3A_1264 = arith.addi %mul3A_1236, %add3A_1263 : vector<16xi32>
      tpu.vector_store_idx %arg7[%add3A_1264], %sub3A_1175 : memref<1024xi32, #tpu.memory_space<vmem>>[vector<16xi32>], vector<16xi32>,
      %add3A_1265 = arith.constant 4 : i32
      %add3A_1266 = vector.broadcast %add3A_1265 : i32 to vector<16xi32>
      %add3A_1267 = arith.addi %mul3A_1236, %add3A_1266 : vector<16xi32>
      %mul3A_1268 = arith.mulf %bitcast3A_1191, %div3A_1233 : vector<16xf32>
      tpu.vector_store_idx %arg6[%add3A_1267], %mul3A_1268 : memref<1024xf32, #tpu.memory_space<vmem>>[vector<16xi32>], vector<16xf32>,
      %add3A_1269 = arith.constant 4 : i32
      %add3A_1270 = vector.broadcast %add3A_1269 : i32 to vector<16xi32>
      %add3A_1271 = arith.addi %mul3A_1236, %add3A_1270 : vector<16xi32>
      tpu.vector_store_idx %arg7[%add3A_1271], %sub3A_1187 : memref<1024xi32, #tpu.memory_space<vmem>>[vector<16xi32>], vector<16xi32>,
      %add3A_1272 = arith.constant 5 : i32
      %add3A_1273 = vector.broadcast %add3A_1272 : i32 to vector<16xi32>
      %add3A_1274 = arith.addi %mul3A_1236, %add3A_1273 : vector<16xi32>
      %mul3A_1275 = arith.mulf %bitcast3A_1203, %div3A_1233 : vector<16xf32>
      tpu.vector_store_idx %arg6[%add3A_1274], %mul3A_1275 : memref<1024xf32, #tpu.memory_space<vmem>>[vector<16xi32>], vector<16xf32>,
      %add3A_1276 = arith.constant 5 : i32
      %add3A_1277 = vector.broadcast %add3A_1276 : i32 to vector<16xi32>
      %add3A_1278 = arith.addi %mul3A_1236, %add3A_1277 : vector<16xi32>
      tpu.vector_store_idx %arg7[%add3A_1278], %sub3A_1199 : memref<1024xi32, #tpu.memory_space<vmem>>[vector<16xi32>], vector<16xi32>,
      %add3A_1279 = arith.constant 6 : i32
      %add3A_1280 = vector.broadcast %add3A_1279 : i32 to vector<16xi32>
      %add3A_1281 = arith.addi %mul3A_1236, %add3A_1280 : vector<16xi32>
      %mul3A_1282 = arith.mulf %bitcast3A_1215, %div3A_1233 : vector<16xf32>
      tpu.vector_store_idx %arg6[%add3A_1281], %mul3A_1282 : memref<1024xf32, #tpu.memory_space<vmem>>[vector<16xi32>], vector<16xf32>,
      %add3A_1283 = arith.constant 6 : i32
      %add3A_1284 = vector.broadcast %add3A_1283 : i32 to vector<16xi32>
      %add3A_1285 = arith.addi %mul3A_1236, %add3A_1284 : vector<16xi32>
      tpu.vector_store_idx %arg7[%add3A_1285], %sub3A_1211 : memref<1024xi32, #tpu.memory_space<vmem>>[vector<16xi32>], vector<16xi32>,
      %add3A_1286 = arith.constant 7 : i32
      %add3A_1287 = vector.broadcast %add3A_1286 : i32 to vector<16xi32>
      %add3A_1288 = arith.addi %mul3A_1236, %add3A_1287 : vector<16xi32>
      %mul3A_1289 = arith.mulf %bitcast3A_1227, %div3A_1233 : vector<16xf32>
      tpu.vector_store_idx %arg6[%add3A_1288], %mul3A_1289 : memref<1024xf32, #tpu.memory_space<vmem>>[vector<16xi32>], vector<16xf32>,
      %add3A_1290 = arith.constant 7 : i32
      %add3A_1291 = vector.broadcast %add3A_1290 : i32 to vector<16xi32>
      %add3A_1292 = arith.addi %mul3A_1236, %add3A_1291 : vector<16xi32>
      tpu.vector_store_idx %arg7[%add3A_1292], %sub3A_1223 : memref<1024xi32, #tpu.memory_space<vmem>>[vector<16xi32>], vector<16xi32>,
    }
    %scan3A_4 = arith.constant 8 : i32
    %mul3A_5 = arith.constant 1024 : i32
    %mul3A_6 = arith.muli %add3A, %mul3A_5 : i32
    %dma_start3A = tpu.memref_slice %arg3[%mul3A_6] : memref<32768xf32, #tpu.memory_space<hbm>> -> memref<1024xf32, #tpu.memory_space<hbm>>
    %dma_start3A_7 = tpu.memref_slice %arg3[%mul3A_6] : memref<32768xf32, #tpu.memory_space<hbm>> -> memref<1024xf32, #tpu.memory_space<hbm>>
    tpu.enqueue_dma source(%arg6 : memref<1024xf32, #tpu.memory_space<vmem>>) target(%dma_start3A_7 : memref<1024xf32, #tpu.memory_space<hbm>>) target_semaphore(%arg8 : memref<!tpu.dma_semaphore, #tpu.memory_space<semaphore_mem>>)
    %dma_start3A_8 = tpu.memref_slice %arg4[%mul3A_6] : memref<32768xi32, #tpu.memory_space<hbm>> -> memref<1024xi32, #tpu.memory_space<hbm>>
    %dma_start3A_9 = tpu.memref_slice %arg4[%mul3A_6] : memref<32768xi32, #tpu.memory_space<hbm>> -> memref<1024xi32, #tpu.memory_space<hbm>>
    tpu.enqueue_dma source(%arg7 : memref<1024xi32, #tpu.memory_space<vmem>>) target(%dma_start3A_9 : memref<1024xi32, #tpu.memory_space<hbm>>) target_semaphore(%arg9 : memref<!tpu.dma_semaphore, #tpu.memory_space<semaphore_mem>>)
    %dma_wait3A = tpu.memref_slice %arg3[%mul3A_6] : memref<32768xf32, #tpu.memory_space<hbm>> -> memref<1024xf32, #tpu.memory_space<hbm>>
    %dma_wait3A_10 = tpu.memref_slice %arg3[%mul3A_6] : memref<32768xf32, #tpu.memory_space<hbm>> -> memref<1024xf32, #tpu.memory_space<hbm>>
    tpu.wait_dma2 semaphore(%arg8 : memref<!tpu.dma_semaphore, #tpu.memory_space<semaphore_mem>>) src(%arg6 : memref<1024xf32, #tpu.memory_space<vmem>>) dst(%dma_wait3A_10 : memref<1024xf32, #tpu.memory_space<hbm>>)
    %dma_wait3A_11 = tpu.memref_slice %arg4[%mul3A_6] : memref<32768xi32, #tpu.memory_space<hbm>> -> memref<1024xi32, #tpu.memory_space<hbm>>
    %dma_wait3A_12 = tpu.memref_slice %arg4[%mul3A_6] : memref<32768xi32, #tpu.memory_space<hbm>> -> memref<1024xi32, #tpu.memory_space<hbm>>
    tpu.wait_dma2 semaphore(%arg9 : memref<!tpu.dma_semaphore, #tpu.memory_space<semaphore_mem>>) src(%arg7 : memref<1024xi32, #tpu.memory_space<vmem>>) dst(%dma_wait3A_12 : memref<1024xi32, #tpu.memory_space<hbm>>)
    return
  }
}

#map = affine_map<(d0, d1) -> (0, 0, 0)>
#map1 = affine_map<(d0, d1) -> (0)>
module attributes {stable_mosaic.version = 14 : i64} {
  func.func @_route_body(%arg0: i32, %arg1: i32, %arg2: memref<32x64x128xf32, #tpu.memory_space<hbm>>, %arg3: memref<32768xf32, #tpu.memory_space<hbm>>, %arg4: memref<32768xi32, #tpu.memory_space<hbm>>, %arg5: memref<64x128xf32, #tpu.memory_space<vmem>>, %arg6: memref<1024xf32, #tpu.memory_space<vmem>>, %arg7: memref<1024xi32, #tpu.memory_space<vmem>>, %arg8: memref<!tpu.dma_semaphore, #tpu.memory_space<semaphore_mem>>, %arg9: memref<!tpu.dma_semaphore, #tpu.memory_space<semaphore_mem>>) attributes {dimension_semantics = [#tpu.dimension_semantics<core_parallel>, #tpu.dimension_semantics<subcore_parallel>], iteration_bounds = array<i64: 2, 16>, scalar_prefetch = 0 : i64, scratch_operands = 5 : i64, tpu.core_type = #tpu.core_type<sc_vector_subcore>, window_params = [{transform_indices = #map}, {transform_indices = #map1}, {transform_indices = #map1}]} {
    %mul3A = arith.constant 2 : i32
    %mul3A_0 = arith.muli %arg1, %mul3A : i32
    %add3A = arith.addi %mul3A_0, %arg0 : i32
    "tpu.region"() ({
      %run_scoped3A = tpu.sem_alloc : memref<!tpu.dma_semaphore, #tpu.memory_space<semaphore_mem>>
      %dma_start3A_13 = arith.constant 0 : i32
      %dma_start3A_14 = arith.constant 0 : i32
      %dma_start3A_15 = tpu.memref_slice %arg2[%add3A, %dma_start3A_13, %dma_start3A_14] : memref<32x64x128xf32, #tpu.memory_space<hbm>> -> memref<1x64x128xf32, #tpu.memory_space<hbm>>
      %dma_start3A_16 = tpu.memref_squeeze %dma_start3A_15 : memref<1x64x128xf32, #tpu.memory_space<hbm>> -> memref<64x128xf32, #tpu.memory_space<hbm>>
      %dma_start3A_17 = arith.constant 0 : i32
      %dma_start3A_18 = arith.constant 0 : i32
      %dma_start3A_19 = tpu.memref_slice %arg2[%add3A, %dma_start3A_17, %dma_start3A_18] : memref<32x64x128xf32, #tpu.memory_space<hbm>> -> memref<1x64x128xf32, #tpu.memory_space<hbm>>
      %dma_start3A_20 = tpu.memref_squeeze %dma_start3A_19 : memref<1x64x128xf32, #tpu.memory_space<hbm>> -> memref<64x128xf32, #tpu.memory_space<hbm>>
      tpu.enqueue_dma source(%dma_start3A_20 : memref<64x128xf32, #tpu.memory_space<hbm>>) target(%arg5 : memref<64x128xf32, #tpu.memory_space<vmem>>) target_semaphore(%run_scoped3A : memref<!tpu.dma_semaphore, #tpu.memory_space<semaphore_mem>>)
      %dma_wait3A_21 = arith.constant 0 : i32
      %dma_wait3A_22 = arith.constant 0 : i32
      %dma_wait3A_23 = tpu.memref_slice %arg2[%add3A, %dma_wait3A_21, %dma_wait3A_22] : memref<32x64x128xf32, #tpu.memory_space<hbm>> -> memref<1x64x128xf32, #tpu.memory_space<hbm>>
      %dma_wait3A_24 = tpu.memref_squeeze %dma_wait3A_23 : memref<1x64x128xf32, #tpu.memory_space<hbm>> -> memref<64x128xf32, #tpu.memory_space<hbm>>
      %dma_wait3A_25 = arith.constant 0 : i32
      %dma_wait3A_26 = arith.constant 0 : i32
      %dma_wait3A_27 = tpu.memref_slice %arg2[%add3A, %dma_wait3A_25, %dma_wait3A_26] : memref<32x64x128xf32, #tpu.memory_space<hbm>> -> memref<1x64x128xf32, #tpu.memory_space<hbm>>
      %dma_wait3A_28 = tpu.memref_squeeze %dma_wait3A_27 : memref<1x64x128xf32, #tpu.memory_space<hbm>> -> memref<64x128xf32, #tpu.memory_space<hbm>>
      tpu.wait_dma2 semaphore(%run_scoped3A : memref<!tpu.dma_semaphore, #tpu.memory_space<semaphore_mem>>) src(%dma_wait3A_28 : memref<64x128xf32, #tpu.memory_space<hbm>>) dst(%arg5 : memref<64x128xf32, #tpu.memory_space<vmem>>)
      tpu.yield
    }) : () -> ()
    %iota3A = tpu.iota {dimensions = array<i32: 0>} : vector<16xi32>
    %scan3A = arith.constant 0 : i32
    %scan3A_1 = arith.constant 8 : i32
    %scan3A_2 = arith.addi %scan3A, %scan3A_1 : i32
    %scan3A_3 = arith.constant 1 : i32
    scf.for %scan3A_13 = %scan3A to %scan3A_2 step %scan3A_3  : i32 {
      %mul3A_14 = arith.constant 1 : i32
      %mul3A_15 = arith.muli %scan3A_13, %mul3A_14 : i32
      %add3A_16 = arith.constant 0 : i32
      %add3A_17 = arith.addi %add3A_16, %mul3A_15 : i32
      %mul3A_18 = arith.constant 16 : i32
      %mul3A_19 = arith.muli %add3A_17, %mul3A_18 : i32
      %add3A_20 = vector.broadcast %mul3A_19 : i32 to vector<16xi32>
      %add3A_21 = arith.addi %add3A_20, %iota3A : vector<16xi32>
      %get3A = arith.constant 0 : i32
      %get3A_22 = arith.index_cast %get3A : i32 to index
      %get3A_23 = arith.index_cast %mul3A_19 : i32 to index
      %get3A_24 = tpu.vector_load %arg5[%get3A_22, %get3A_23] {strides = array<i32>} : memref<64x128xf32, #tpu.memory_space<vmem>>, vector<16xf32>,
      %get3A_25 = arith.constant 1 : i32
      %get3A_26 = arith.index_cast %get3A_25 : i32 to index
      %get3A_27 = arith.index_cast %mul3A_19 : i32 to index
      %get3A_28 = tpu.vector_load %arg5[%get3A_26, %get3A_27] {strides = array<i32>} : memref<64x128xf32, #tpu.memory_space<vmem>>, vector<16xf32>,
      %max3A = arith.maximumf %get3A_24, %get3A_28 : vector<16xf32>
      %get3A_29 = arith.constant 2 : i32
      %get3A_30 = arith.index_cast %get3A_29 : i32 to index
      %get3A_31 = arith.index_cast %mul3A_19 : i32 to index
      %get3A_32 = tpu.vector_load %arg5[%get3A_30, %get3A_31] {strides = array<i32>} : memref<64x128xf32, #tpu.memory_space<vmem>>, vector<16xf32>,
      %max3A_33 = arith.maximumf %max3A, %get3A_32 : vector<16xf32>
      %get3A_34 = arith.constant 3 : i32
      %get3A_35 = arith.index_cast %get3A_34 : i32 to index
      %get3A_36 = arith.index_cast %mul3A_19 : i32 to index
      %get3A_37 = tpu.vector_load %arg5[%get3A_35, %get3A_36] {strides = array<i32>} : memref<64x128xf32, #tpu.memory_space<vmem>>, vector<16xf32>,
      %max3A_38 = arith.maximumf %max3A_33, %get3A_37 : vector<16xf32>
      %get3A_39 = arith.constant 4 : i32
      %get3A_40 = arith.index_cast %get3A_39 : i32 to index
      %get3A_41 = arith.index_cast %mul3A_19 : i32 to index
      %get3A_42 = tpu.vector_load %arg5[%get3A_40, %get3A_41] {strides = array<i32>} : memref<64x128xf32, #tpu.memory_space<vmem>>, vector<16xf32>,
      %max3A_43 = arith.maximumf %max3A_38, %get3A_42 : vector<16xf32>
      %get3A_44 = arith.constant 5 : i32
      %get3A_45 = arith.index_cast %get3A_44 : i32 to index
      %get3A_46 = arith.index_cast %mul3A_19 : i32 to index
      %get3A_47 = tpu.vector_load %arg5[%get3A_45, %get3A_46] {strides = array<i32>} : memref<64x128xf32, #tpu.memory_space<vmem>>, vector<16xf32>,
      %max3A_48 = arith.maximumf %max3A_43, %get3A_47 : vector<16xf32>
      %get3A_49 = arith.constant 6 : i32
      %get3A_50 = arith.index_cast %get3A_49 : i32 to index
      %get3A_51 = arith.index_cast %mul3A_19 : i32 to index
      %get3A_52 = tpu.vector_load %arg5[%get3A_50, %get3A_51] {strides = array<i32>} : memref<64x128xf32, #tpu.memory_space<vmem>>, vector<16xf32>,
      %max3A_53 = arith.maximumf %max3A_48, %get3A_52 : vector<16xf32>
      %get3A_54 = arith.constant 7 : i32
      %get3A_55 = arith.index_cast %get3A_54 : i32 to index
      %get3A_56 = arith.index_cast %mul3A_19 : i32 to index
      %get3A_57 = tpu.vector_load %arg5[%get3A_55, %get3A_56] {strides = array<i32>} : memref<64x128xf32, #tpu.memory_space<vmem>>, vector<16xf32>,
      %max3A_58 = arith.maximumf %max3A_53, %get3A_57 : vector<16xf32>
      %bitcast3A = vector.bitcast %max3A_58 : vector<16xf32> to vector<16xi32>
      %and3A = arith.constant -8 : i32
      %and3A_59 = vector.broadcast %and3A : i32 to vector<16xi32>
      %and3A_60 = arith.andi %bitcast3A, %and3A_59 : vector<16xi32>
      %or3A = arith.constant 7 : i32
      %or3A_61 = vector.broadcast %or3A : i32 to vector<16xi32>
      %or3A_62 = arith.ori %and3A_60, %or3A_61 : vector<16xi32>
      %bitcast3A_63 = vector.bitcast %or3A_62 : vector<16xi32> to vector<16xf32>
      %get3A_64 = arith.constant 8 : i32
      %get3A_65 = arith.index_cast %get3A_64 : i32 to index
      %get3A_66 = arith.index_cast %mul3A_19 : i32 to index
      %get3A_67 = tpu.vector_load %arg5[%get3A_65, %get3A_66] {strides = array<i32>} : memref<64x128xf32, #tpu.memory_space<vmem>>, vector<16xf32>,
      %get3A_68 = arith.constant 9 : i32
      %get3A_69 = arith.index_cast %get3A_68 : i32 to index
      %get3A_70 = arith.index_cast %mul3A_19 : i32 to index
      %get3A_71 = tpu.vector_load %arg5[%get3A_69, %get3A_70] {strides = array<i32>} : memref<64x128xf32, #tpu.memory_space<vmem>>, vector<16xf32>,
      %max3A_72 = arith.maximumf %get3A_67, %get3A_71 : vector<16xf32>
      %get3A_73 = arith.constant 10 : i32
      %get3A_74 = arith.index_cast %get3A_73 : i32 to index
      %get3A_75 = arith.index_cast %mul3A_19 : i32 to index
      %get3A_76 = tpu.vector_load %arg5[%get3A_74, %get3A_75] {strides = array<i32>} : memref<64x128xf32, #tpu.memory_space<vmem>>, vector<16xf32>,
      %max3A_77 = arith.maximumf %max3A_72, %get3A_76 : vector<16xf32>
      %get3A_78 = arith.constant 11 : i32
      %get3A_79 = arith.index_cast %get3A_78 : i32 to index
      %get3A_80 = arith.index_cast %mul3A_19 : i32 to index
      %get3A_81 = tpu.vector_load %arg5[%get3A_79, %get3A_80] {strides = array<i32>} : memref<64x128xf32, #tpu.memory_space<vmem>>, vector<16xf32>,
      %max3A_82 = arith.maximumf %max3A_77, %get3A_81 : vector<16xf32>
      %get3A_83 = arith.constant 12 : i32
      %get3A_84 = arith.index_cast %get3A_83 : i32 to index
      %get3A_85 = arith.index_cast %mul3A_19 : i32 to index
      %get3A_86 = tpu.vector_load %arg5[%get3A_84, %get3A_85] {strides = array<i32>} : memref<64x128xf32, #tpu.memory_space<vmem>>, vector<16xf32>,
      %max3A_87 = arith.maximumf %max3A_82, %get3A_86 : vector<16xf32>
      %get3A_88 = arith.constant 13 : i32
      %get3A_89 = arith.index_cast %get3A_88 : i32 to index
      %get3A_90 = arith.index_cast %mul3A_19 : i32 to index
      %get3A_91 = tpu.vector_load %arg5[%get3A_89, %get3A_90] {strides = array<i32>} : memref<64x128xf32, #tpu.memory_space<vmem>>, vector<16xf32>,
      %max3A_92 = arith.maximumf %max3A_87, %get3A_91 : vector<16xf32>
      %get3A_93 = arith.constant 14 : i32
      %get3A_94 = arith.index_cast %get3A_93 : i32 to index
      %get3A_95 = arith.index_cast %mul3A_19 : i32 to index
      %get3A_96 = tpu.vector_load %arg5[%get3A_94, %get3A_95] {strides = array<i32>} : memref<64x128xf32, #tpu.memory_space<vmem>>, vector<16xf32>,
      %max3A_97 = arith.maximumf %max3A_92, %get3A_96 : vector<16xf32>
      %get3A_98 = arith.constant 15 : i32
      %get3A_99 = arith.index_cast %get3A_98 : i32 to index
      %get3A_100 = arith.index_cast %mul3A_19 : i32 to index
      %get3A_101 = tpu.vector_load %arg5[%get3A_99, %get3A_100] {strides = array<i32>} : memref<64x128xf32, #tpu.memory_space<vmem>>, vector<16xf32>,
      %max3A_102 = arith.maximumf %max3A_97, %get3A_101 : vector<16xf32>
      %bitcast3A_103 = vector.bitcast %max3A_102 : vector<16xf32> to vector<16xi32>
      %and3A_104 = arith.constant -8 : i32
      %and3A_105 = vector.broadcast %and3A_104 : i32 to vector<16xi32>
      %and3A_106 = arith.andi %bitcast3A_103, %and3A_105 : vector<16xi32>
      %or3A_107 = arith.constant 6 : i32
      %or3A_108 = vector.broadcast %or3A_107 : i32 to vector<16xi32>
      %or3A_109 = arith.ori %and3A_106, %or3A_108 : vector<16xi32>
      %bitcast3A_110 = vector.bitcast %or3A_109 : vector<16xi32> to vector<16xf32>
      %get3A_111 = arith.constant 16 : i32
      %get3A_112 = arith.index_cast %get3A_111 : i32 to index
      %get3A_113 = arith.index_cast %mul3A_19 : i32 to index
      %get3A_114 = tpu.vector_load %arg5[%get3A_112, %get3A_113] {strides = array<i32>} : memref<64x128xf32, #tpu.memory_space<vmem>>, vector<16xf32>,
      %get3A_115 = arith.constant 17 : i32
      %get3A_116 = arith.index_cast %get3A_115 : i32 to index
      %get3A_117 = arith.index_cast %mul3A_19 : i32 to index
      %get3A_118 = tpu.vector_load %arg5[%get3A_116, %get3A_117] {strides = array<i32>} : memref<64x128xf32, #tpu.memory_space<vmem>>, vector<16xf32>,
      %max3A_119 = arith.maximumf %get3A_114, %get3A_118 : vector<16xf32>
      %get3A_120 = arith.constant 18 : i32
      %get3A_121 = arith.index_cast %get3A_120 : i32 to index
      %get3A_122 = arith.index_cast %mul3A_19 : i32 to index
      %get3A_123 = tpu.vector_load %arg5[%get3A_121, %get3A_122] {strides = array<i32>} : memref<64x128xf32, #tpu.memory_space<vmem>>, vector<16xf32>,
      %max3A_124 = arith.maximumf %max3A_119, %get3A_123 : vector<16xf32>
      %get3A_125 = arith.constant 19 : i32
      %get3A_126 = arith.index_cast %get3A_125 : i32 to index
      %get3A_127 = arith.index_cast %mul3A_19 : i32 to index
      %get3A_128 = tpu.vector_load %arg5[%get3A_126, %get3A_127] {strides = array<i32>} : memref<64x128xf32, #tpu.memory_space<vmem>>, vector<16xf32>,
      %max3A_129 = arith.maximumf %max3A_124, %get3A_128 : vector<16xf32>
      %get3A_130 = arith.constant 20 : i32
      %get3A_131 = arith.index_cast %get3A_130 : i32 to index
      %get3A_132 = arith.index_cast %mul3A_19 : i32 to index
      %get3A_133 = tpu.vector_load %arg5[%get3A_131, %get3A_132] {strides = array<i32>} : memref<64x128xf32, #tpu.memory_space<vmem>>, vector<16xf32>,
      %max3A_134 = arith.maximumf %max3A_129, %get3A_133 : vector<16xf32>
      %get3A_135 = arith.constant 21 : i32
      %get3A_136 = arith.index_cast %get3A_135 : i32 to index
      %get3A_137 = arith.index_cast %mul3A_19 : i32 to index
      %get3A_138 = tpu.vector_load %arg5[%get3A_136, %get3A_137] {strides = array<i32>} : memref<64x128xf32, #tpu.memory_space<vmem>>, vector<16xf32>,
      %max3A_139 = arith.maximumf %max3A_134, %get3A_138 : vector<16xf32>
      %get3A_140 = arith.constant 22 : i32
      %get3A_141 = arith.index_cast %get3A_140 : i32 to index
      %get3A_142 = arith.index_cast %mul3A_19 : i32 to index
      %get3A_143 = tpu.vector_load %arg5[%get3A_141, %get3A_142] {strides = array<i32>} : memref<64x128xf32, #tpu.memory_space<vmem>>, vector<16xf32>,
      %max3A_144 = arith.maximumf %max3A_139, %get3A_143 : vector<16xf32>
      %get3A_145 = arith.constant 23 : i32
      %get3A_146 = arith.index_cast %get3A_145 : i32 to index
      %get3A_147 = arith.index_cast %mul3A_19 : i32 to index
      %get3A_148 = tpu.vector_load %arg5[%get3A_146, %get3A_147] {strides = array<i32>} : memref<64x128xf32, #tpu.memory_space<vmem>>, vector<16xf32>,
      %max3A_149 = arith.maximumf %max3A_144, %get3A_148 : vector<16xf32>
      %bitcast3A_150 = vector.bitcast %max3A_149 : vector<16xf32> to vector<16xi32>
      %and3A_151 = arith.constant -8 : i32
      %and3A_152 = vector.broadcast %and3A_151 : i32 to vector<16xi32>
      %and3A_153 = arith.andi %bitcast3A_150, %and3A_152 : vector<16xi32>
      %or3A_154 = arith.constant 5 : i32
      %or3A_155 = vector.broadcast %or3A_154 : i32 to vector<16xi32>
      %or3A_156 = arith.ori %and3A_153, %or3A_155 : vector<16xi32>
      %bitcast3A_157 = vector.bitcast %or3A_156 : vector<16xi32> to vector<16xf32>
      %get3A_158 = arith.constant 24 : i32
      %get3A_159 = arith.index_cast %get3A_158 : i32 to index
      %get3A_160 = arith.index_cast %mul3A_19 : i32 to index
      %get3A_161 = tpu.vector_load %arg5[%get3A_159, %get3A_160] {strides = array<i32>} : memref<64x128xf32, #tpu.memory_space<vmem>>, vector<16xf32>,
      %get3A_162 = arith.constant 25 : i32
      %get3A_163 = arith.index_cast %get3A_162 : i32 to index
      %get3A_164 = arith.index_cast %mul3A_19 : i32 to index
      %get3A_165 = tpu.vector_load %arg5[%get3A_163, %get3A_164] {strides = array<i32>} : memref<64x128xf32, #tpu.memory_space<vmem>>, vector<16xf32>,
      %max3A_166 = arith.maximumf %get3A_161, %get3A_165 : vector<16xf32>
      %get3A_167 = arith.constant 26 : i32
      %get3A_168 = arith.index_cast %get3A_167 : i32 to index
      %get3A_169 = arith.index_cast %mul3A_19 : i32 to index
      %get3A_170 = tpu.vector_load %arg5[%get3A_168, %get3A_169] {strides = array<i32>} : memref<64x128xf32, #tpu.memory_space<vmem>>, vector<16xf32>,
      %max3A_171 = arith.maximumf %max3A_166, %get3A_170 : vector<16xf32>
      %get3A_172 = arith.constant 27 : i32
      %get3A_173 = arith.index_cast %get3A_172 : i32 to index
      %get3A_174 = arith.index_cast %mul3A_19 : i32 to index
      %get3A_175 = tpu.vector_load %arg5[%get3A_173, %get3A_174] {strides = array<i32>} : memref<64x128xf32, #tpu.memory_space<vmem>>, vector<16xf32>,
      %max3A_176 = arith.maximumf %max3A_171, %get3A_175 : vector<16xf32>
      %get3A_177 = arith.constant 28 : i32
      %get3A_178 = arith.index_cast %get3A_177 : i32 to index
      %get3A_179 = arith.index_cast %mul3A_19 : i32 to index
      %get3A_180 = tpu.vector_load %arg5[%get3A_178, %get3A_179] {strides = array<i32>} : memref<64x128xf32, #tpu.memory_space<vmem>>, vector<16xf32>,
      %max3A_181 = arith.maximumf %max3A_176, %get3A_180 : vector<16xf32>
      %get3A_182 = arith.constant 29 : i32
      %get3A_183 = arith.index_cast %get3A_182 : i32 to index
      %get3A_184 = arith.index_cast %mul3A_19 : i32 to index
      %get3A_185 = tpu.vector_load %arg5[%get3A_183, %get3A_184] {strides = array<i32>} : memref<64x128xf32, #tpu.memory_space<vmem>>, vector<16xf32>,
      %max3A_186 = arith.maximumf %max3A_181, %get3A_185 : vector<16xf32>
      %get3A_187 = arith.constant 30 : i32
      %get3A_188 = arith.index_cast %get3A_187 : i32 to index
      %get3A_189 = arith.index_cast %mul3A_19 : i32 to index
      %get3A_190 = tpu.vector_load %arg5[%get3A_188, %get3A_189] {strides = array<i32>} : memref<64x128xf32, #tpu.memory_space<vmem>>, vector<16xf32>,
      %max3A_191 = arith.maximumf %max3A_186, %get3A_190 : vector<16xf32>
      %get3A_192 = arith.constant 31 : i32
      %get3A_193 = arith.index_cast %get3A_192 : i32 to index
      %get3A_194 = arith.index_cast %mul3A_19 : i32 to index
      %get3A_195 = tpu.vector_load %arg5[%get3A_193, %get3A_194] {strides = array<i32>} : memref<64x128xf32, #tpu.memory_space<vmem>>, vector<16xf32>,
      %max3A_196 = arith.maximumf %max3A_191, %get3A_195 : vector<16xf32>
      %bitcast3A_197 = vector.bitcast %max3A_196 : vector<16xf32> to vector<16xi32>
      %and3A_198 = arith.constant -8 : i32
      %and3A_199 = vector.broadcast %and3A_198 : i32 to vector<16xi32>
      %and3A_200 = arith.andi %bitcast3A_197, %and3A_199 : vector<16xi32>
      %or3A_201 = arith.constant 4 : i32
      %or3A_202 = vector.broadcast %or3A_201 : i32 to vector<16xi32>
      %or3A_203 = arith.ori %and3A_200, %or3A_202 : vector<16xi32>
      %bitcast3A_204 = vector.bitcast %or3A_203 : vector<16xi32> to vector<16xf32>
      %get3A_205 = arith.constant 32 : i32
      %get3A_206 = arith.index_cast %get3A_205 : i32 to index
      %get3A_207 = arith.index_cast %mul3A_19 : i32 to index
      %get3A_208 = tpu.vector_load %arg5[%get3A_206, %get3A_207] {strides = array<i32>} : memref<64x128xf32, #tpu.memory_space<vmem>>, vector<16xf32>,
      %get3A_209 = arith.constant 33 : i32
      %get3A_210 = arith.index_cast %get3A_209 : i32 to index
      %get3A_211 = arith.index_cast %mul3A_19 : i32 to index
      %get3A_212 = tpu.vector_load %arg5[%get3A_210, %get3A_211] {strides = array<i32>} : memref<64x128xf32, #tpu.memory_space<vmem>>, vector<16xf32>,
      %max3A_213 = arith.maximumf %get3A_208, %get3A_212 : vector<16xf32>
      %get3A_214 = arith.constant 34 : i32
      %get3A_215 = arith.index_cast %get3A_214 : i32 to index
      %get3A_216 = arith.index_cast %mul3A_19 : i32 to index
      %get3A_217 = tpu.vector_load %arg5[%get3A_215, %get3A_216] {strides = array<i32>} : memref<64x128xf32, #tpu.memory_space<vmem>>, vector<16xf32>,
      %max3A_218 = arith.maximumf %max3A_213, %get3A_217 : vector<16xf32>
      %get3A_219 = arith.constant 35 : i32
      %get3A_220 = arith.index_cast %get3A_219 : i32 to index
      %get3A_221 = arith.index_cast %mul3A_19 : i32 to index
      %get3A_222 = tpu.vector_load %arg5[%get3A_220, %get3A_221] {strides = array<i32>} : memref<64x128xf32, #tpu.memory_space<vmem>>, vector<16xf32>,
      %max3A_223 = arith.maximumf %max3A_218, %get3A_222 : vector<16xf32>
      %get3A_224 = arith.constant 36 : i32
      %get3A_225 = arith.index_cast %get3A_224 : i32 to index
      %get3A_226 = arith.index_cast %mul3A_19 : i32 to index
      %get3A_227 = tpu.vector_load %arg5[%get3A_225, %get3A_226] {strides = array<i32>} : memref<64x128xf32, #tpu.memory_space<vmem>>, vector<16xf32>,
      %max3A_228 = arith.maximumf %max3A_223, %get3A_227 : vector<16xf32>
      %get3A_229 = arith.constant 37 : i32
      %get3A_230 = arith.index_cast %get3A_229 : i32 to index
      %get3A_231 = arith.index_cast %mul3A_19 : i32 to index
      %get3A_232 = tpu.vector_load %arg5[%get3A_230, %get3A_231] {strides = array<i32>} : memref<64x128xf32, #tpu.memory_space<vmem>>, vector<16xf32>,
      %max3A_233 = arith.maximumf %max3A_228, %get3A_232 : vector<16xf32>
      %get3A_234 = arith.constant 38 : i32
      %get3A_235 = arith.index_cast %get3A_234 : i32 to index
      %get3A_236 = arith.index_cast %mul3A_19 : i32 to index
      %get3A_237 = tpu.vector_load %arg5[%get3A_235, %get3A_236] {strides = array<i32>} : memref<64x128xf32, #tpu.memory_space<vmem>>, vector<16xf32>,
      %max3A_238 = arith.maximumf %max3A_233, %get3A_237 : vector<16xf32>
      %get3A_239 = arith.constant 39 : i32
      %get3A_240 = arith.index_cast %get3A_239 : i32 to index
      %get3A_241 = arith.index_cast %mul3A_19 : i32 to index
      %get3A_242 = tpu.vector_load %arg5[%get3A_240, %get3A_241] {strides = array<i32>} : memref<64x128xf32, #tpu.memory_space<vmem>>, vector<16xf32>,
      %max3A_243 = arith.maximumf %max3A_238, %get3A_242 : vector<16xf32>
      %bitcast3A_244 = vector.bitcast %max3A_243 : vector<16xf32> to vector<16xi32>
      %and3A_245 = arith.constant -8 : i32
      %and3A_246 = vector.broadcast %and3A_245 : i32 to vector<16xi32>
      %and3A_247 = arith.andi %bitcast3A_244, %and3A_246 : vector<16xi32>
      %or3A_248 = arith.constant 3 : i32
      %or3A_249 = vector.broadcast %or3A_248 : i32 to vector<16xi32>
      %or3A_250 = arith.ori %and3A_247, %or3A_249 : vector<16xi32>
      %bitcast3A_251 = vector.bitcast %or3A_250 : vector<16xi32> to vector<16xf32>
      %get3A_252 = arith.constant 40 : i32
      %get3A_253 = arith.index_cast %get3A_252 : i32 to index
      %get3A_254 = arith.index_cast %mul3A_19 : i32 to index
      %get3A_255 = tpu.vector_load %arg5[%get3A_253, %get3A_254] {strides = array<i32>} : memref<64x128xf32, #tpu.memory_space<vmem>>, vector<16xf32>,
      %get3A_256 = arith.constant 41 : i32
      %get3A_257 = arith.index_cast %get3A_256 : i32 to index
      %get3A_258 = arith.index_cast %mul3A_19 : i32 to index
      %get3A_259 = tpu.vector_load %arg5[%get3A_257, %get3A_258] {strides = array<i32>} : memref<64x128xf32, #tpu.memory_space<vmem>>, vector<16xf32>,
      %max3A_260 = arith.maximumf %get3A_255, %get3A_259 : vector<16xf32>
      %get3A_261 = arith.constant 42 : i32
      %get3A_262 = arith.index_cast %get3A_261 : i32 to index
      %get3A_263 = arith.index_cast %mul3A_19 : i32 to index
      %get3A_264 = tpu.vector_load %arg5[%get3A_262, %get3A_263] {strides = array<i32>} : memref<64x128xf32, #tpu.memory_space<vmem>>, vector<16xf32>,
      %max3A_265 = arith.maximumf %max3A_260, %get3A_264 : vector<16xf32>
      %get3A_266 = arith.constant 43 : i32
      %get3A_267 = arith.index_cast %get3A_266 : i32 to index
      %get3A_268 = arith.index_cast %mul3A_19 : i32 to index
      %get3A_269 = tpu.vector_load %arg5[%get3A_267, %get3A_268] {strides = array<i32>} : memref<64x128xf32, #tpu.memory_space<vmem>>, vector<16xf32>,
      %max3A_270 = arith.maximumf %max3A_265, %get3A_269 : vector<16xf32>
      %get3A_271 = arith.constant 44 : i32
      %get3A_272 = arith.index_cast %get3A_271 : i32 to index
      %get3A_273 = arith.index_cast %mul3A_19 : i32 to index
      %get3A_274 = tpu.vector_load %arg5[%get3A_272, %get3A_273] {strides = array<i32>} : memref<64x128xf32, #tpu.memory_space<vmem>>, vector<16xf32>,
      %max3A_275 = arith.maximumf %max3A_270, %get3A_274 : vector<16xf32>
      %get3A_276 = arith.constant 45 : i32
      %get3A_277 = arith.index_cast %get3A_276 : i32 to index
      %get3A_278 = arith.index_cast %mul3A_19 : i32 to index
      %get3A_279 = tpu.vector_load %arg5[%get3A_277, %get3A_278] {strides = array<i32>} : memref<64x128xf32, #tpu.memory_space<vmem>>, vector<16xf32>,
      %max3A_280 = arith.maximumf %max3A_275, %get3A_279 : vector<16xf32>
      %get3A_281 = arith.constant 46 : i32
      %get3A_282 = arith.index_cast %get3A_281 : i32 to index
      %get3A_283 = arith.index_cast %mul3A_19 : i32 to index
      %get3A_284 = tpu.vector_load %arg5[%get3A_282, %get3A_283] {strides = array<i32>} : memref<64x128xf32, #tpu.memory_space<vmem>>, vector<16xf32>,
      %max3A_285 = arith.maximumf %max3A_280, %get3A_284 : vector<16xf32>
      %get3A_286 = arith.constant 47 : i32
      %get3A_287 = arith.index_cast %get3A_286 : i32 to index
      %get3A_288 = arith.index_cast %mul3A_19 : i32 to index
      %get3A_289 = tpu.vector_load %arg5[%get3A_287, %get3A_288] {strides = array<i32>} : memref<64x128xf32, #tpu.memory_space<vmem>>, vector<16xf32>,
      %max3A_290 = arith.maximumf %max3A_285, %get3A_289 : vector<16xf32>
      %bitcast3A_291 = vector.bitcast %max3A_290 : vector<16xf32> to vector<16xi32>
      %and3A_292 = arith.constant -8 : i32
      %and3A_293 = vector.broadcast %and3A_292 : i32 to vector<16xi32>
      %and3A_294 = arith.andi %bitcast3A_291, %and3A_293 : vector<16xi32>
      %or3A_295 = arith.constant 2 : i32
      %or3A_296 = vector.broadcast %or3A_295 : i32 to vector<16xi32>
      %or3A_297 = arith.ori %and3A_294, %or3A_296 : vector<16xi32>
      %bitcast3A_298 = vector.bitcast %or3A_297 : vector<16xi32> to vector<16xf32>
      %get3A_299 = arith.constant 48 : i32
      %get3A_300 = arith.index_cast %get3A_299 : i32 to index
      %get3A_301 = arith.index_cast %mul3A_19 : i32 to index
      %get3A_302 = tpu.vector_load %arg5[%get3A_300, %get3A_301] {strides = array<i32>} : memref<64x128xf32, #tpu.memory_space<vmem>>, vector<16xf32>,
      %get3A_303 = arith.constant 49 : i32
      %get3A_304 = arith.index_cast %get3A_303 : i32 to index
      %get3A_305 = arith.index_cast %mul3A_19 : i32 to index
      %get3A_306 = tpu.vector_load %arg5[%get3A_304, %get3A_305] {strides = array<i32>} : memref<64x128xf32, #tpu.memory_space<vmem>>, vector<16xf32>,
      %max3A_307 = arith.maximumf %get3A_302, %get3A_306 : vector<16xf32>
      %get3A_308 = arith.constant 50 : i32
      %get3A_309 = arith.index_cast %get3A_308 : i32 to index
      %get3A_310 = arith.index_cast %mul3A_19 : i32 to index
      %get3A_311 = tpu.vector_load %arg5[%get3A_309, %get3A_310] {strides = array<i32>} : memref<64x128xf32, #tpu.memory_space<vmem>>, vector<16xf32>,
      %max3A_312 = arith.maximumf %max3A_307, %get3A_311 : vector<16xf32>
      %get3A_313 = arith.constant 51 : i32
      %get3A_314 = arith.index_cast %get3A_313 : i32 to index
      %get3A_315 = arith.index_cast %mul3A_19 : i32 to index
      %get3A_316 = tpu.vector_load %arg5[%get3A_314, %get3A_315] {strides = array<i32>} : memref<64x128xf32, #tpu.memory_space<vmem>>, vector<16xf32>,
      %max3A_317 = arith.maximumf %max3A_312, %get3A_316 : vector<16xf32>
      %get3A_318 = arith.constant 52 : i32
      %get3A_319 = arith.index_cast %get3A_318 : i32 to index
      %get3A_320 = arith.index_cast %mul3A_19 : i32 to index
      %get3A_321 = tpu.vector_load %arg5[%get3A_319, %get3A_320] {strides = array<i32>} : memref<64x128xf32, #tpu.memory_space<vmem>>, vector<16xf32>,
      %max3A_322 = arith.maximumf %max3A_317, %get3A_321 : vector<16xf32>
      %get3A_323 = arith.constant 53 : i32
      %get3A_324 = arith.index_cast %get3A_323 : i32 to index
      %get3A_325 = arith.index_cast %mul3A_19 : i32 to index
      %get3A_326 = tpu.vector_load %arg5[%get3A_324, %get3A_325] {strides = array<i32>} : memref<64x128xf32, #tpu.memory_space<vmem>>, vector<16xf32>,
      %max3A_327 = arith.maximumf %max3A_322, %get3A_326 : vector<16xf32>
      %get3A_328 = arith.constant 54 : i32
      %get3A_329 = arith.index_cast %get3A_328 : i32 to index
      %get3A_330 = arith.index_cast %mul3A_19 : i32 to index
      %get3A_331 = tpu.vector_load %arg5[%get3A_329, %get3A_330] {strides = array<i32>} : memref<64x128xf32, #tpu.memory_space<vmem>>, vector<16xf32>,
      %max3A_332 = arith.maximumf %max3A_327, %get3A_331 : vector<16xf32>
      %get3A_333 = arith.constant 55 : i32
      %get3A_334 = arith.index_cast %get3A_333 : i32 to index
      %get3A_335 = arith.index_cast %mul3A_19 : i32 to index
      %get3A_336 = tpu.vector_load %arg5[%get3A_334, %get3A_335] {strides = array<i32>} : memref<64x128xf32, #tpu.memory_space<vmem>>, vector<16xf32>,
      %max3A_337 = arith.maximumf %max3A_332, %get3A_336 : vector<16xf32>
      %bitcast3A_338 = vector.bitcast %max3A_337 : vector<16xf32> to vector<16xi32>
      %and3A_339 = arith.constant -8 : i32
      %and3A_340 = vector.broadcast %and3A_339 : i32 to vector<16xi32>
      %and3A_341 = arith.andi %bitcast3A_338, %and3A_340 : vector<16xi32>
      %or3A_342 = arith.constant 1 : i32
      %or3A_343 = vector.broadcast %or3A_342 : i32 to vector<16xi32>
      %or3A_344 = arith.ori %and3A_341, %or3A_343 : vector<16xi32>
      %bitcast3A_345 = vector.bitcast %or3A_344 : vector<16xi32> to vector<16xf32>
      %get3A_346 = arith.constant 56 : i32
      %get3A_347 = arith.index_cast %get3A_346 : i32 to index
      %get3A_348 = arith.index_cast %mul3A_19 : i32 to index
      %get3A_349 = tpu.vector_load %arg5[%get3A_347, %get3A_348] {strides = array<i32>} : memref<64x128xf32, #tpu.memory_space<vmem>>, vector<16xf32>,
      %get3A_350 = arith.constant 57 : i32
      %get3A_351 = arith.index_cast %get3A_350 : i32 to index
      %get3A_352 = arith.index_cast %mul3A_19 : i32 to index
      %get3A_353 = tpu.vector_load %arg5[%get3A_351, %get3A_352] {strides = array<i32>} : memref<64x128xf32, #tpu.memory_space<vmem>>, vector<16xf32>,
      %max3A_354 = arith.maximumf %get3A_349, %get3A_353 : vector<16xf32>
      %get3A_355 = arith.constant 58 : i32
      %get3A_356 = arith.index_cast %get3A_355 : i32 to index
      %get3A_357 = arith.index_cast %mul3A_19 : i32 to index
      %get3A_358 = tpu.vector_load %arg5[%get3A_356, %get3A_357] {strides = array<i32>} : memref<64x128xf32, #tpu.memory_space<vmem>>, vector<16xf32>,
      %max3A_359 = arith.maximumf %max3A_354, %get3A_358 : vector<16xf32>
      %get3A_360 = arith.constant 59 : i32
      %get3A_361 = arith.index_cast %get3A_360 : i32 to index
      %get3A_362 = arith.index_cast %mul3A_19 : i32 to index
      %get3A_363 = tpu.vector_load %arg5[%get3A_361, %get3A_362] {strides = array<i32>} : memref<64x128xf32, #tpu.memory_space<vmem>>, vector<16xf32>,
      %max3A_364 = arith.maximumf %max3A_359, %get3A_363 : vector<16xf32>
      %get3A_365 = arith.constant 60 : i32
      %get3A_366 = arith.index_cast %get3A_365 : i32 to index
      %get3A_367 = arith.index_cast %mul3A_19 : i32 to index
      %get3A_368 = tpu.vector_load %arg5[%get3A_366, %get3A_367] {strides = array<i32>} : memref<64x128xf32, #tpu.memory_space<vmem>>, vector<16xf32>,
      %max3A_369 = arith.maximumf %max3A_364, %get3A_368 : vector<16xf32>
      %get3A_370 = arith.constant 61 : i32
      %get3A_371 = arith.index_cast %get3A_370 : i32 to index
      %get3A_372 = arith.index_cast %mul3A_19 : i32 to index
      %get3A_373 = tpu.vector_load %arg5[%get3A_371, %get3A_372] {strides = array<i32>} : memref<64x128xf32, #tpu.memory_space<vmem>>, vector<16xf32>,
      %max3A_374 = arith.maximumf %max3A_369, %get3A_373 : vector<16xf32>
      %get3A_375 = arith.constant 62 : i32
      %get3A_376 = arith.index_cast %get3A_375 : i32 to index
      %get3A_377 = arith.index_cast %mul3A_19 : i32 to index
      %get3A_378 = tpu.vector_load %arg5[%get3A_376, %get3A_377] {strides = array<i32>} : memref<64x128xf32, #tpu.memory_space<vmem>>, vector<16xf32>,
      %max3A_379 = arith.maximumf %max3A_374, %get3A_378 : vector<16xf32>
      %get3A_380 = arith.constant 63 : i32
      %get3A_381 = arith.index_cast %get3A_380 : i32 to index
      %get3A_382 = arith.index_cast %mul3A_19 : i32 to index
      %get3A_383 = tpu.vector_load %arg5[%get3A_381, %get3A_382] {strides = array<i32>} : memref<64x128xf32, #tpu.memory_space<vmem>>, vector<16xf32>,
      %max3A_384 = arith.maximumf %max3A_379, %get3A_383 : vector<16xf32>
      %bitcast3A_385 = vector.bitcast %max3A_384 : vector<16xf32> to vector<16xi32>
      %and3A_386 = arith.constant -8 : i32
      %and3A_387 = vector.broadcast %and3A_386 : i32 to vector<16xi32>
      %and3A_388 = arith.andi %bitcast3A_385, %and3A_387 : vector<16xi32>
      %or3A_389 = arith.constant 0 : i32
      %or3A_390 = vector.broadcast %or3A_389 : i32 to vector<16xi32>
      %or3A_391 = arith.ori %and3A_388, %or3A_390 : vector<16xi32>
      %bitcast3A_392 = vector.bitcast %or3A_391 : vector<16xi32> to vector<16xf32>
      %max3A_393 = arith.maximumf %bitcast3A_63, %bitcast3A_110 : vector<16xf32>
      %min3A = arith.minimumf %bitcast3A_63, %bitcast3A_110 : vector<16xf32>
      %max3A_394 = arith.maximumf %bitcast3A_157, %bitcast3A_204 : vector<16xf32>
      %min3A_395 = arith.minimumf %bitcast3A_157, %bitcast3A_204 : vector<16xf32>
      %max3A_396 = arith.maximumf %bitcast3A_251, %bitcast3A_298 : vector<16xf32>
      %min3A_397 = arith.minimumf %bitcast3A_251, %bitcast3A_298 : vector<16xf32>
      %max3A_398 = arith.maximumf %bitcast3A_345, %bitcast3A_392 : vector<16xf32>
      %min3A_399 = arith.minimumf %bitcast3A_345, %bitcast3A_392 : vector<16xf32>
      %max3A_400 = arith.maximumf %max3A_393, %max3A_394 : vector<16xf32>
      %min3A_401 = arith.minimumf %max3A_393, %max3A_394 : vector<16xf32>
      %max3A_402 = arith.maximumf %min3A, %min3A_395 : vector<16xf32>
      %min3A_403 = arith.minimumf %min3A, %min3A_395 : vector<16xf32>
      %max3A_404 = arith.maximumf %max3A_396, %max3A_398 : vector<16xf32>
      %min3A_405 = arith.minimumf %max3A_396, %max3A_398 : vector<16xf32>
      %max3A_406 = arith.maximumf %min3A_397, %min3A_399 : vector<16xf32>
      %min3A_407 = arith.minimumf %min3A_397, %min3A_399 : vector<16xf32>
      %max3A_408 = arith.maximumf %max3A_402, %min3A_401 : vector<16xf32>
      %min3A_409 = arith.minimumf %max3A_402, %min3A_401 : vector<16xf32>
      %max3A_410 = arith.maximumf %max3A_406, %min3A_405 : vector<16xf32>
      %min3A_411 = arith.minimumf %max3A_406, %min3A_405 : vector<16xf32>
      %max3A_412 = arith.maximumf %max3A_400, %max3A_404 : vector<16xf32>
      %min3A_413 = arith.minimumf %max3A_400, %max3A_404 : vector<16xf32>
      %max3A_414 = arith.maximumf %min3A_403, %min3A_407 : vector<16xf32>
      %min3A_415 = arith.minimumf %min3A_403, %min3A_407 : vector<16xf32>
      %max3A_416 = arith.maximumf %max3A_408, %max3A_410 : vector<16xf32>
      %min3A_417 = arith.minimumf %max3A_408, %max3A_410 : vector<16xf32>
      %max3A_418 = arith.maximumf %min3A_409, %min3A_411 : vector<16xf32>
      %min3A_419 = arith.minimumf %min3A_409, %min3A_411 : vector<16xf32>
      %max3A_420 = arith.maximumf %max3A_416, %min3A_413 : vector<16xf32>
      %min3A_421 = arith.minimumf %max3A_416, %min3A_413 : vector<16xf32>
      %max3A_422 = arith.maximumf %max3A_414, %min3A_419 : vector<16xf32>
      %min3A_423 = arith.minimumf %max3A_414, %min3A_419 : vector<16xf32>
      %max3A_424 = arith.maximumf %max3A_418, %min3A_421 : vector<16xf32>
      %min3A_425 = arith.minimumf %max3A_418, %min3A_421 : vector<16xf32>
      %max3A_426 = arith.maximumf %max3A_422, %min3A_417 : vector<16xf32>
      %min3A_427 = arith.minimumf %max3A_422, %min3A_417 : vector<16xf32>
      %max3A_428 = arith.maximumf %max3A_426, %min3A_425 : vector<16xf32>
      %min3A_429 = arith.minimumf %max3A_426, %min3A_425 : vector<16xf32>
      %bitcast3A_430 = vector.bitcast %max3A_412 : vector<16xf32> to vector<16xi32>
      %and3A_431 = arith.constant 7 : i32
      %and3A_432 = vector.broadcast %and3A_431 : i32 to vector<16xi32>
      %and3A_433 = arith.andi %bitcast3A_430, %and3A_432 : vector<16xi32>
      %sub3A = arith.constant 7 : i32
      %sub3A_434 = vector.broadcast %sub3A : i32 to vector<16xi32>
      %sub3A_435 = arith.subi %sub3A_434, %and3A_433 : vector<16xi32>
      %bitcast3A_436 = vector.bitcast %max3A_420 : vector<16xf32> to vector<16xi32>
      %and3A_437 = arith.constant 7 : i32
      %and3A_438 = vector.broadcast %and3A_437 : i32 to vector<16xi32>
      %and3A_439 = arith.andi %bitcast3A_436, %and3A_438 : vector<16xi32>
      %sub3A_440 = arith.constant 7 : i32
      %sub3A_441 = vector.broadcast %sub3A_440 : i32 to vector<16xi32>
      %sub3A_442 = arith.subi %sub3A_441, %and3A_439 : vector<16xi32>
      %bitcast3A_443 = vector.bitcast %max3A_424 : vector<16xf32> to vector<16xi32>
      %and3A_444 = arith.constant 7 : i32
      %and3A_445 = vector.broadcast %and3A_444 : i32 to vector<16xi32>
      %and3A_446 = arith.andi %bitcast3A_443, %and3A_445 : vector<16xi32>
      %sub3A_447 = arith.constant 7 : i32
      %sub3A_448 = vector.broadcast %sub3A_447 : i32 to vector<16xi32>
      %sub3A_449 = arith.subi %sub3A_448, %and3A_446 : vector<16xi32>
      %bitcast3A_450 = vector.bitcast %max3A_428 : vector<16xf32> to vector<16xi32>
      %and3A_451 = arith.constant 7 : i32
      %and3A_452 = vector.broadcast %and3A_451 : i32 to vector<16xi32>
      %and3A_453 = arith.andi %bitcast3A_450, %and3A_452 : vector<16xi32>
      %sub3A_454 = arith.constant 7 : i32
      %sub3A_455 = vector.broadcast %sub3A_454 : i32 to vector<16xi32>
      %sub3A_456 = arith.subi %sub3A_455, %and3A_453 : vector<16xi32>
      %mul3A_457 = arith.constant 8 : i32
      %mul3A_458 = vector.broadcast %mul3A_457 : i32 to vector<16xi32>
      %mul3A_459 = arith.muli %sub3A_435, %mul3A_458 : vector<16xi32>
      %add3A_460 = arith.constant 0 : i32
      %add3A_461 = vector.broadcast %add3A_460 : i32 to vector<16xi32>
      %add3A_462 = arith.addi %mul3A_459, %add3A_461 : vector<16xi32>
      %gather3A = tpu.vector_load_idx %arg5[%add3A_462, %add3A_21] : memref<64x128xf32, #tpu.memory_space<vmem>>[vector<16xi32>, vector<16xi32>], vector<16xf32>,
      %bitcast3A_463 = vector.bitcast %gather3A : vector<16xf32> to vector<16xi32>
      %and3A_464 = arith.constant -64 : i32
      %and3A_465 = vector.broadcast %and3A_464 : i32 to vector<16xi32>
      %and3A_466 = arith.andi %bitcast3A_463, %and3A_465 : vector<16xi32>
      %sub3A_467 = arith.constant 63 : i32
      %sub3A_468 = vector.broadcast %sub3A_467 : i32 to vector<16xi32>
      %sub3A_469 = arith.subi %sub3A_468, %add3A_462 : vector<16xi32>
      %or3A_470 = arith.ori %and3A_466, %sub3A_469 : vector<16xi32>
      %bitcast3A_471 = vector.bitcast %or3A_470 : vector<16xi32> to vector<16xf32>
      %add3A_472 = arith.constant 1 : i32
      %add3A_473 = vector.broadcast %add3A_472 : i32 to vector<16xi32>
      %add3A_474 = arith.addi %mul3A_459, %add3A_473 : vector<16xi32>
      %gather3A_475 = tpu.vector_load_idx %arg5[%add3A_474, %add3A_21] : memref<64x128xf32, #tpu.memory_space<vmem>>[vector<16xi32>, vector<16xi32>], vector<16xf32>,
      %bitcast3A_476 = vector.bitcast %gather3A_475 : vector<16xf32> to vector<16xi32>
      %and3A_477 = arith.constant -64 : i32
      %and3A_478 = vector.broadcast %and3A_477 : i32 to vector<16xi32>
      %and3A_479 = arith.andi %bitcast3A_476, %and3A_478 : vector<16xi32>
      %sub3A_480 = arith.constant 63 : i32
      %sub3A_481 = vector.broadcast %sub3A_480 : i32 to vector<16xi32>
      %sub3A_482 = arith.subi %sub3A_481, %add3A_474 : vector<16xi32>
      %or3A_483 = arith.ori %and3A_479, %sub3A_482 : vector<16xi32>
      %bitcast3A_484 = vector.bitcast %or3A_483 : vector<16xi32> to vector<16xf32>
      %add3A_485 = arith.constant 2 : i32
      %add3A_486 = vector.broadcast %add3A_485 : i32 to vector<16xi32>
      %add3A_487 = arith.addi %mul3A_459, %add3A_486 : vector<16xi32>
      %gather3A_488 = tpu.vector_load_idx %arg5[%add3A_487, %add3A_21] : memref<64x128xf32, #tpu.memory_space<vmem>>[vector<16xi32>, vector<16xi32>], vector<16xf32>,
      %bitcast3A_489 = vector.bitcast %gather3A_488 : vector<16xf32> to vector<16xi32>
      %and3A_490 = arith.constant -64 : i32
      %and3A_491 = vector.broadcast %and3A_490 : i32 to vector<16xi32>
      %and3A_492 = arith.andi %bitcast3A_489, %and3A_491 : vector<16xi32>
      %sub3A_493 = arith.constant 63 : i32
      %sub3A_494 = vector.broadcast %sub3A_493 : i32 to vector<16xi32>
      %sub3A_495 = arith.subi %sub3A_494, %add3A_487 : vector<16xi32>
      %or3A_496 = arith.ori %and3A_492, %sub3A_495 : vector<16xi32>
      %bitcast3A_497 = vector.bitcast %or3A_496 : vector<16xi32> to vector<16xf32>
      %add3A_498 = arith.constant 3 : i32
      %add3A_499 = vector.broadcast %add3A_498 : i32 to vector<16xi32>
      %add3A_500 = arith.addi %mul3A_459, %add3A_499 : vector<16xi32>
      %gather3A_501 = tpu.vector_load_idx %arg5[%add3A_500, %add3A_21] : memref<64x128xf32, #tpu.memory_space<vmem>>[vector<16xi32>, vector<16xi32>], vector<16xf32>,
      %bitcast3A_502 = vector.bitcast %gather3A_501 : vector<16xf32> to vector<16xi32>
      %and3A_503 = arith.constant -64 : i32
      %and3A_504 = vector.broadcast %and3A_503 : i32 to vector<16xi32>
      %and3A_505 = arith.andi %bitcast3A_502, %and3A_504 : vector<16xi32>
      %sub3A_506 = arith.constant 63 : i32
      %sub3A_507 = vector.broadcast %sub3A_506 : i32 to vector<16xi32>
      %sub3A_508 = arith.subi %sub3A_507, %add3A_500 : vector<16xi32>
      %or3A_509 = arith.ori %and3A_505, %sub3A_508 : vector<16xi32>
      %bitcast3A_510 = vector.bitcast %or3A_509 : vector<16xi32> to vector<16xf32>
      %add3A_511 = arith.constant 4 : i32
      %add3A_512 = vector.broadcast %add3A_511 : i32 to vector<16xi32>
      %add3A_513 = arith.addi %mul3A_459, %add3A_512 : vector<16xi32>
      %gather3A_514 = tpu.vector_load_idx %arg5[%add3A_513, %add3A_21] : memref<64x128xf32, #tpu.memory_space<vmem>>[vector<16xi32>, vector<16xi32>], vector<16xf32>,
      %bitcast3A_515 = vector.bitcast %gather3A_514 : vector<16xf32> to vector<16xi32>
      %and3A_516 = arith.constant -64 : i32
      %and3A_517 = vector.broadcast %and3A_516 : i32 to vector<16xi32>
      %and3A_518 = arith.andi %bitcast3A_515, %and3A_517 : vector<16xi32>
      %sub3A_519 = arith.constant 63 : i32
      %sub3A_520 = vector.broadcast %sub3A_519 : i32 to vector<16xi32>
      %sub3A_521 = arith.subi %sub3A_520, %add3A_513 : vector<16xi32>
      %or3A_522 = arith.ori %and3A_518, %sub3A_521 : vector<16xi32>
      %bitcast3A_523 = vector.bitcast %or3A_522 : vector<16xi32> to vector<16xf32>
      %add3A_524 = arith.constant 5 : i32
      %add3A_525 = vector.broadcast %add3A_524 : i32 to vector<16xi32>
      %add3A_526 = arith.addi %mul3A_459, %add3A_525 : vector<16xi32>
      %gather3A_527 = tpu.vector_load_idx %arg5[%add3A_526, %add3A_21] : memref<64x128xf32, #tpu.memory_space<vmem>>[vector<16xi32>, vector<16xi32>], vector<16xf32>,
      %bitcast3A_528 = vector.bitcast %gather3A_527 : vector<16xf32> to vector<16xi32>
      %and3A_529 = arith.constant -64 : i32
      %and3A_530 = vector.broadcast %and3A_529 : i32 to vector<16xi32>
      %and3A_531 = arith.andi %bitcast3A_528, %and3A_530 : vector<16xi32>
      %sub3A_532 = arith.constant 63 : i32
      %sub3A_533 = vector.broadcast %sub3A_532 : i32 to vector<16xi32>
      %sub3A_534 = arith.subi %sub3A_533, %add3A_526 : vector<16xi32>
      %or3A_535 = arith.ori %and3A_531, %sub3A_534 : vector<16xi32>
      %bitcast3A_536 = vector.bitcast %or3A_535 : vector<16xi32> to vector<16xf32>
      %add3A_537 = arith.constant 6 : i32
      %add3A_538 = vector.broadcast %add3A_537 : i32 to vector<16xi32>
      %add3A_539 = arith.addi %mul3A_459, %add3A_538 : vector<16xi32>
      %gather3A_540 = tpu.vector_load_idx %arg5[%add3A_539, %add3A_21] : memref<64x128xf32, #tpu.memory_space<vmem>>[vector<16xi32>, vector<16xi32>], vector<16xf32>,
      %bitcast3A_541 = vector.bitcast %gather3A_540 : vector<16xf32> to vector<16xi32>
      %and3A_542 = arith.constant -64 : i32
      %and3A_543 = vector.broadcast %and3A_542 : i32 to vector<16xi32>
      %and3A_544 = arith.andi %bitcast3A_541, %and3A_543 : vector<16xi32>
      %sub3A_545 = arith.constant 63 : i32
      %sub3A_546 = vector.broadcast %sub3A_545 : i32 to vector<16xi32>
      %sub3A_547 = arith.subi %sub3A_546, %add3A_539 : vector<16xi32>
      %or3A_548 = arith.ori %and3A_544, %sub3A_547 : vector<16xi32>
      %bitcast3A_549 = vector.bitcast %or3A_548 : vector<16xi32> to vector<16xf32>
      %add3A_550 = arith.constant 7 : i32
      %add3A_551 = vector.broadcast %add3A_550 : i32 to vector<16xi32>
      %add3A_552 = arith.addi %mul3A_459, %add3A_551 : vector<16xi32>
      %gather3A_553 = tpu.vector_load_idx %arg5[%add3A_552, %add3A_21] : memref<64x128xf32, #tpu.memory_space<vmem>>[vector<16xi32>, vector<16xi32>], vector<16xf32>,
      %bitcast3A_554 = vector.bitcast %gather3A_553 : vector<16xf32> to vector<16xi32>
      %and3A_555 = arith.constant -64 : i32
      %and3A_556 = vector.broadcast %and3A_555 : i32 to vector<16xi32>
      %and3A_557 = arith.andi %bitcast3A_554, %and3A_556 : vector<16xi32>
      %sub3A_558 = arith.constant 63 : i32
      %sub3A_559 = vector.broadcast %sub3A_558 : i32 to vector<16xi32>
      %sub3A_560 = arith.subi %sub3A_559, %add3A_552 : vector<16xi32>
      %or3A_561 = arith.ori %and3A_557, %sub3A_560 : vector<16xi32>
      %bitcast3A_562 = vector.bitcast %or3A_561 : vector<16xi32> to vector<16xf32>
      %max3A_563 = arith.maximumf %bitcast3A_471, %bitcast3A_484 : vector<16xf32>
      %min3A_564 = arith.minimumf %bitcast3A_471, %bitcast3A_484 : vector<16xf32>
      %max3A_565 = arith.maximumf %bitcast3A_497, %bitcast3A_510 : vector<16xf32>
      %min3A_566 = arith.minimumf %bitcast3A_497, %bitcast3A_510 : vector<16xf32>
      %max3A_567 = arith.maximumf %bitcast3A_523, %bitcast3A_536 : vector<16xf32>
      %min3A_568 = arith.minimumf %bitcast3A_523, %bitcast3A_536 : vector<16xf32>
      %max3A_569 = arith.maximumf %bitcast3A_549, %bitcast3A_562 : vector<16xf32>
      %min3A_570 = arith.minimumf %bitcast3A_549, %bitcast3A_562 : vector<16xf32>
      %max3A_571 = arith.maximumf %max3A_563, %max3A_565 : vector<16xf32>
      %min3A_572 = arith.minimumf %max3A_563, %max3A_565 : vector<16xf32>
      %max3A_573 = arith.maximumf %min3A_564, %min3A_566 : vector<16xf32>
      %min3A_574 = arith.minimumf %min3A_564, %min3A_566 : vector<16xf32>
      %max3A_575 = arith.maximumf %max3A_567, %max3A_569 : vector<16xf32>
      %min3A_576 = arith.minimumf %max3A_567, %max3A_569 : vector<16xf32>
      %max3A_577 = arith.maximumf %min3A_568, %min3A_570 : vector<16xf32>
      %min3A_578 = arith.minimumf %min3A_568, %min3A_570 : vector<16xf32>
      %max3A_579 = arith.maximumf %max3A_573, %min3A_572 : vector<16xf32>
      %min3A_580 = arith.minimumf %max3A_573, %min3A_572 : vector<16xf32>
      %max3A_581 = arith.maximumf %max3A_577, %min3A_576 : vector<16xf32>
      %min3A_582 = arith.minimumf %max3A_577, %min3A_576 : vector<16xf32>
      %max3A_583 = arith.maximumf %max3A_571, %max3A_575 : vector<16xf32>
      %min3A_584 = arith.minimumf %max3A_571, %max3A_575 : vector<16xf32>
      %max3A_585 = arith.maximumf %min3A_574, %min3A_578 : vector<16xf32>
      %min3A_586 = arith.minimumf %min3A_574, %min3A_578 : vector<16xf32>
      %max3A_587 = arith.maximumf %max3A_579, %max3A_581 : vector<16xf32>
      %min3A_588 = arith.minimumf %max3A_579, %max3A_581 : vector<16xf32>
      %max3A_589 = arith.maximumf %min3A_580, %min3A_582 : vector<16xf32>
      %min3A_590 = arith.minimumf %min3A_580, %min3A_582 : vector<16xf32>
      %max3A_591 = arith.maximumf %max3A_587, %min3A_584 : vector<16xf32>
      %min3A_592 = arith.minimumf %max3A_587, %min3A_584 : vector<16xf32>
      %max3A_593 = arith.maximumf %max3A_585, %min3A_590 : vector<16xf32>
      %min3A_594 = arith.minimumf %max3A_585, %min3A_590 : vector<16xf32>
      %max3A_595 = arith.maximumf %max3A_589, %min3A_592 : vector<16xf32>
      %min3A_596 = arith.minimumf %max3A_589, %min3A_592 : vector<16xf32>
      %max3A_597 = arith.maximumf %max3A_593, %min3A_588 : vector<16xf32>
      %min3A_598 = arith.minimumf %max3A_593, %min3A_588 : vector<16xf32>
      %max3A_599 = arith.maximumf %max3A_597, %min3A_596 : vector<16xf32>
      %min3A_600 = arith.minimumf %max3A_597, %min3A_596 : vector<16xf32>
      %mul3A_601 = arith.constant 8 : i32
      %mul3A_602 = vector.broadcast %mul3A_601 : i32 to vector<16xi32>
      %mul3A_603 = arith.muli %sub3A_442, %mul3A_602 : vector<16xi32>
      %add3A_604 = arith.constant 0 : i32
      %add3A_605 = vector.broadcast %add3A_604 : i32 to vector<16xi32>
      %add3A_606 = arith.addi %mul3A_603, %add3A_605 : vector<16xi32>
      %gather3A_607 = tpu.vector_load_idx %arg5[%add3A_606, %add3A_21] : memref<64x128xf32, #tpu.memory_space<vmem>>[vector<16xi32>, vector<16xi32>], vector<16xf32>,
      %bitcast3A_608 = vector.bitcast %gather3A_607 : vector<16xf32> to vector<16xi32>
      %and3A_609 = arith.constant -64 : i32
      %and3A_610 = vector.broadcast %and3A_609 : i32 to vector<16xi32>
      %and3A_611 = arith.andi %bitcast3A_608, %and3A_610 : vector<16xi32>
      %sub3A_612 = arith.constant 63 : i32
      %sub3A_613 = vector.broadcast %sub3A_612 : i32 to vector<16xi32>
      %sub3A_614 = arith.subi %sub3A_613, %add3A_606 : vector<16xi32>
      %or3A_615 = arith.ori %and3A_611, %sub3A_614 : vector<16xi32>
      %bitcast3A_616 = vector.bitcast %or3A_615 : vector<16xi32> to vector<16xf32>
      %add3A_617 = arith.constant 1 : i32
      %add3A_618 = vector.broadcast %add3A_617 : i32 to vector<16xi32>
      %add3A_619 = arith.addi %mul3A_603, %add3A_618 : vector<16xi32>
      %gather3A_620 = tpu.vector_load_idx %arg5[%add3A_619, %add3A_21] : memref<64x128xf32, #tpu.memory_space<vmem>>[vector<16xi32>, vector<16xi32>], vector<16xf32>,
      %bitcast3A_621 = vector.bitcast %gather3A_620 : vector<16xf32> to vector<16xi32>
      %and3A_622 = arith.constant -64 : i32
      %and3A_623 = vector.broadcast %and3A_622 : i32 to vector<16xi32>
      %and3A_624 = arith.andi %bitcast3A_621, %and3A_623 : vector<16xi32>
      %sub3A_625 = arith.constant 63 : i32
      %sub3A_626 = vector.broadcast %sub3A_625 : i32 to vector<16xi32>
      %sub3A_627 = arith.subi %sub3A_626, %add3A_619 : vector<16xi32>
      %or3A_628 = arith.ori %and3A_624, %sub3A_627 : vector<16xi32>
      %bitcast3A_629 = vector.bitcast %or3A_628 : vector<16xi32> to vector<16xf32>
      %add3A_630 = arith.constant 2 : i32
      %add3A_631 = vector.broadcast %add3A_630 : i32 to vector<16xi32>
      %add3A_632 = arith.addi %mul3A_603, %add3A_631 : vector<16xi32>
      %gather3A_633 = tpu.vector_load_idx %arg5[%add3A_632, %add3A_21] : memref<64x128xf32, #tpu.memory_space<vmem>>[vector<16xi32>, vector<16xi32>], vector<16xf32>,
      %bitcast3A_634 = vector.bitcast %gather3A_633 : vector<16xf32> to vector<16xi32>
      %and3A_635 = arith.constant -64 : i32
      %and3A_636 = vector.broadcast %and3A_635 : i32 to vector<16xi32>
      %and3A_637 = arith.andi %bitcast3A_634, %and3A_636 : vector<16xi32>
      %sub3A_638 = arith.constant 63 : i32
      %sub3A_639 = vector.broadcast %sub3A_638 : i32 to vector<16xi32>
      %sub3A_640 = arith.subi %sub3A_639, %add3A_632 : vector<16xi32>
      %or3A_641 = arith.ori %and3A_637, %sub3A_640 : vector<16xi32>
      %bitcast3A_642 = vector.bitcast %or3A_641 : vector<16xi32> to vector<16xf32>
      %add3A_643 = arith.constant 3 : i32
      %add3A_644 = vector.broadcast %add3A_643 : i32 to vector<16xi32>
      %add3A_645 = arith.addi %mul3A_603, %add3A_644 : vector<16xi32>
      %gather3A_646 = tpu.vector_load_idx %arg5[%add3A_645, %add3A_21] : memref<64x128xf32, #tpu.memory_space<vmem>>[vector<16xi32>, vector<16xi32>], vector<16xf32>,
      %bitcast3A_647 = vector.bitcast %gather3A_646 : vector<16xf32> to vector<16xi32>
      %and3A_648 = arith.constant -64 : i32
      %and3A_649 = vector.broadcast %and3A_648 : i32 to vector<16xi32>
      %and3A_650 = arith.andi %bitcast3A_647, %and3A_649 : vector<16xi32>
      %sub3A_651 = arith.constant 63 : i32
      %sub3A_652 = vector.broadcast %sub3A_651 : i32 to vector<16xi32>
      %sub3A_653 = arith.subi %sub3A_652, %add3A_645 : vector<16xi32>
      %or3A_654 = arith.ori %and3A_650, %sub3A_653 : vector<16xi32>
      %bitcast3A_655 = vector.bitcast %or3A_654 : vector<16xi32> to vector<16xf32>
      %add3A_656 = arith.constant 4 : i32
      %add3A_657 = vector.broadcast %add3A_656 : i32 to vector<16xi32>
      %add3A_658 = arith.addi %mul3A_603, %add3A_657 : vector<16xi32>
      %gather3A_659 = tpu.vector_load_idx %arg5[%add3A_658, %add3A_21] : memref<64x128xf32, #tpu.memory_space<vmem>>[vector<16xi32>, vector<16xi32>], vector<16xf32>,
      %bitcast3A_660 = vector.bitcast %gather3A_659 : vector<16xf32> to vector<16xi32>
      %and3A_661 = arith.constant -64 : i32
      %and3A_662 = vector.broadcast %and3A_661 : i32 to vector<16xi32>
      %and3A_663 = arith.andi %bitcast3A_660, %and3A_662 : vector<16xi32>
      %sub3A_664 = arith.constant 63 : i32
      %sub3A_665 = vector.broadcast %sub3A_664 : i32 to vector<16xi32>
      %sub3A_666 = arith.subi %sub3A_665, %add3A_658 : vector<16xi32>
      %or3A_667 = arith.ori %and3A_663, %sub3A_666 : vector<16xi32>
      %bitcast3A_668 = vector.bitcast %or3A_667 : vector<16xi32> to vector<16xf32>
      %add3A_669 = arith.constant 5 : i32
      %add3A_670 = vector.broadcast %add3A_669 : i32 to vector<16xi32>
      %add3A_671 = arith.addi %mul3A_603, %add3A_670 : vector<16xi32>
      %gather3A_672 = tpu.vector_load_idx %arg5[%add3A_671, %add3A_21] : memref<64x128xf32, #tpu.memory_space<vmem>>[vector<16xi32>, vector<16xi32>], vector<16xf32>,
      %bitcast3A_673 = vector.bitcast %gather3A_672 : vector<16xf32> to vector<16xi32>
      %and3A_674 = arith.constant -64 : i32
      %and3A_675 = vector.broadcast %and3A_674 : i32 to vector<16xi32>
      %and3A_676 = arith.andi %bitcast3A_673, %and3A_675 : vector<16xi32>
      %sub3A_677 = arith.constant 63 : i32
      %sub3A_678 = vector.broadcast %sub3A_677 : i32 to vector<16xi32>
      %sub3A_679 = arith.subi %sub3A_678, %add3A_671 : vector<16xi32>
      %or3A_680 = arith.ori %and3A_676, %sub3A_679 : vector<16xi32>
      %bitcast3A_681 = vector.bitcast %or3A_680 : vector<16xi32> to vector<16xf32>
      %add3A_682 = arith.constant 6 : i32
      %add3A_683 = vector.broadcast %add3A_682 : i32 to vector<16xi32>
      %add3A_684 = arith.addi %mul3A_603, %add3A_683 : vector<16xi32>
      %gather3A_685 = tpu.vector_load_idx %arg5[%add3A_684, %add3A_21] : memref<64x128xf32, #tpu.memory_space<vmem>>[vector<16xi32>, vector<16xi32>], vector<16xf32>,
      %bitcast3A_686 = vector.bitcast %gather3A_685 : vector<16xf32> to vector<16xi32>
      %and3A_687 = arith.constant -64 : i32
      %and3A_688 = vector.broadcast %and3A_687 : i32 to vector<16xi32>
      %and3A_689 = arith.andi %bitcast3A_686, %and3A_688 : vector<16xi32>
      %sub3A_690 = arith.constant 63 : i32
      %sub3A_691 = vector.broadcast %sub3A_690 : i32 to vector<16xi32>
      %sub3A_692 = arith.subi %sub3A_691, %add3A_684 : vector<16xi32>
      %or3A_693 = arith.ori %and3A_689, %sub3A_692 : vector<16xi32>
      %bitcast3A_694 = vector.bitcast %or3A_693 : vector<16xi32> to vector<16xf32>
      %add3A_695 = arith.constant 7 : i32
      %add3A_696 = vector.broadcast %add3A_695 : i32 to vector<16xi32>
      %add3A_697 = arith.addi %mul3A_603, %add3A_696 : vector<16xi32>
      %gather3A_698 = tpu.vector_load_idx %arg5[%add3A_697, %add3A_21] : memref<64x128xf32, #tpu.memory_space<vmem>>[vector<16xi32>, vector<16xi32>], vector<16xf32>,
      %bitcast3A_699 = vector.bitcast %gather3A_698 : vector<16xf32> to vector<16xi32>
      %and3A_700 = arith.constant -64 : i32
      %and3A_701 = vector.broadcast %and3A_700 : i32 to vector<16xi32>
      %and3A_702 = arith.andi %bitcast3A_699, %and3A_701 : vector<16xi32>
      %sub3A_703 = arith.constant 63 : i32
      %sub3A_704 = vector.broadcast %sub3A_703 : i32 to vector<16xi32>
      %sub3A_705 = arith.subi %sub3A_704, %add3A_697 : vector<16xi32>
      %or3A_706 = arith.ori %and3A_702, %sub3A_705 : vector<16xi32>
      %bitcast3A_707 = vector.bitcast %or3A_706 : vector<16xi32> to vector<16xf32>
      %max3A_708 = arith.maximumf %bitcast3A_616, %bitcast3A_629 : vector<16xf32>
      %min3A_709 = arith.minimumf %bitcast3A_616, %bitcast3A_629 : vector<16xf32>
      %max3A_710 = arith.maximumf %bitcast3A_642, %bitcast3A_655 : vector<16xf32>
      %min3A_711 = arith.minimumf %bitcast3A_642, %bitcast3A_655 : vector<16xf32>
      %max3A_712 = arith.maximumf %bitcast3A_668, %bitcast3A_681 : vector<16xf32>
      %min3A_713 = arith.minimumf %bitcast3A_668, %bitcast3A_681 : vector<16xf32>
      %max3A_714 = arith.maximumf %bitcast3A_694, %bitcast3A_707 : vector<16xf32>
      %min3A_715 = arith.minimumf %bitcast3A_694, %bitcast3A_707 : vector<16xf32>
      %max3A_716 = arith.maximumf %max3A_708, %max3A_710 : vector<16xf32>
      %min3A_717 = arith.minimumf %max3A_708, %max3A_710 : vector<16xf32>
      %max3A_718 = arith.maximumf %min3A_709, %min3A_711 : vector<16xf32>
      %min3A_719 = arith.minimumf %min3A_709, %min3A_711 : vector<16xf32>
      %max3A_720 = arith.maximumf %max3A_712, %max3A_714 : vector<16xf32>
      %min3A_721 = arith.minimumf %max3A_712, %max3A_714 : vector<16xf32>
      %max3A_722 = arith.maximumf %min3A_713, %min3A_715 : vector<16xf32>
      %min3A_723 = arith.minimumf %min3A_713, %min3A_715 : vector<16xf32>
      %max3A_724 = arith.maximumf %max3A_718, %min3A_717 : vector<16xf32>
      %min3A_725 = arith.minimumf %max3A_718, %min3A_717 : vector<16xf32>
      %max3A_726 = arith.maximumf %max3A_722, %min3A_721 : vector<16xf32>
      %min3A_727 = arith.minimumf %max3A_722, %min3A_721 : vector<16xf32>
      %max3A_728 = arith.maximumf %max3A_716, %max3A_720 : vector<16xf32>
      %min3A_729 = arith.minimumf %max3A_716, %max3A_720 : vector<16xf32>
      %max3A_730 = arith.maximumf %min3A_719, %min3A_723 : vector<16xf32>
      %min3A_731 = arith.minimumf %min3A_719, %min3A_723 : vector<16xf32>
      %max3A_732 = arith.maximumf %max3A_724, %max3A_726 : vector<16xf32>
      %min3A_733 = arith.minimumf %max3A_724, %max3A_726 : vector<16xf32>
      %max3A_734 = arith.maximumf %min3A_725, %min3A_727 : vector<16xf32>
      %min3A_735 = arith.minimumf %min3A_725, %min3A_727 : vector<16xf32>
      %max3A_736 = arith.maximumf %max3A_732, %min3A_729 : vector<16xf32>
      %min3A_737 = arith.minimumf %max3A_732, %min3A_729 : vector<16xf32>
      %max3A_738 = arith.maximumf %max3A_730, %min3A_735 : vector<16xf32>
      %min3A_739 = arith.minimumf %max3A_730, %min3A_735 : vector<16xf32>
      %max3A_740 = arith.maximumf %max3A_734, %min3A_737 : vector<16xf32>
      %min3A_741 = arith.minimumf %max3A_734, %min3A_737 : vector<16xf32>
      %max3A_742 = arith.maximumf %max3A_738, %min3A_733 : vector<16xf32>
      %min3A_743 = arith.minimumf %max3A_738, %min3A_733 : vector<16xf32>
      %max3A_744 = arith.maximumf %max3A_742, %min3A_741 : vector<16xf32>
      %min3A_745 = arith.minimumf %max3A_742, %min3A_741 : vector<16xf32>
      %mul3A_746 = arith.constant 8 : i32
      %mul3A_747 = vector.broadcast %mul3A_746 : i32 to vector<16xi32>
      %mul3A_748 = arith.muli %sub3A_449, %mul3A_747 : vector<16xi32>
      %add3A_749 = arith.constant 0 : i32
      %add3A_750 = vector.broadcast %add3A_749 : i32 to vector<16xi32>
      %add3A_751 = arith.addi %mul3A_748, %add3A_750 : vector<16xi32>
      %gather3A_752 = tpu.vector_load_idx %arg5[%add3A_751, %add3A_21] : memref<64x128xf32, #tpu.memory_space<vmem>>[vector<16xi32>, vector<16xi32>], vector<16xf32>,
      %bitcast3A_753 = vector.bitcast %gather3A_752 : vector<16xf32> to vector<16xi32>
      %and3A_754 = arith.constant -64 : i32
      %and3A_755 = vector.broadcast %and3A_754 : i32 to vector<16xi32>
      %and3A_756 = arith.andi %bitcast3A_753, %and3A_755 : vector<16xi32>
      %sub3A_757 = arith.constant 63 : i32
      %sub3A_758 = vector.broadcast %sub3A_757 : i32 to vector<16xi32>
      %sub3A_759 = arith.subi %sub3A_758, %add3A_751 : vector<16xi32>
      %or3A_760 = arith.ori %and3A_756, %sub3A_759 : vector<16xi32>
      %bitcast3A_761 = vector.bitcast %or3A_760 : vector<16xi32> to vector<16xf32>
      %add3A_762 = arith.constant 1 : i32
      %add3A_763 = vector.broadcast %add3A_762 : i32 to vector<16xi32>
      %add3A_764 = arith.addi %mul3A_748, %add3A_763 : vector<16xi32>
      %gather3A_765 = tpu.vector_load_idx %arg5[%add3A_764, %add3A_21] : memref<64x128xf32, #tpu.memory_space<vmem>>[vector<16xi32>, vector<16xi32>], vector<16xf32>,
      %bitcast3A_766 = vector.bitcast %gather3A_765 : vector<16xf32> to vector<16xi32>
      %and3A_767 = arith.constant -64 : i32
      %and3A_768 = vector.broadcast %and3A_767 : i32 to vector<16xi32>
      %and3A_769 = arith.andi %bitcast3A_766, %and3A_768 : vector<16xi32>
      %sub3A_770 = arith.constant 63 : i32
      %sub3A_771 = vector.broadcast %sub3A_770 : i32 to vector<16xi32>
      %sub3A_772 = arith.subi %sub3A_771, %add3A_764 : vector<16xi32>
      %or3A_773 = arith.ori %and3A_769, %sub3A_772 : vector<16xi32>
      %bitcast3A_774 = vector.bitcast %or3A_773 : vector<16xi32> to vector<16xf32>
      %add3A_775 = arith.constant 2 : i32
      %add3A_776 = vector.broadcast %add3A_775 : i32 to vector<16xi32>
      %add3A_777 = arith.addi %mul3A_748, %add3A_776 : vector<16xi32>
      %gather3A_778 = tpu.vector_load_idx %arg5[%add3A_777, %add3A_21] : memref<64x128xf32, #tpu.memory_space<vmem>>[vector<16xi32>, vector<16xi32>], vector<16xf32>,
      %bitcast3A_779 = vector.bitcast %gather3A_778 : vector<16xf32> to vector<16xi32>
      %and3A_780 = arith.constant -64 : i32
      %and3A_781 = vector.broadcast %and3A_780 : i32 to vector<16xi32>
      %and3A_782 = arith.andi %bitcast3A_779, %and3A_781 : vector<16xi32>
      %sub3A_783 = arith.constant 63 : i32
      %sub3A_784 = vector.broadcast %sub3A_783 : i32 to vector<16xi32>
      %sub3A_785 = arith.subi %sub3A_784, %add3A_777 : vector<16xi32>
      %or3A_786 = arith.ori %and3A_782, %sub3A_785 : vector<16xi32>
      %bitcast3A_787 = vector.bitcast %or3A_786 : vector<16xi32> to vector<16xf32>
      %add3A_788 = arith.constant 3 : i32
      %add3A_789 = vector.broadcast %add3A_788 : i32 to vector<16xi32>
      %add3A_790 = arith.addi %mul3A_748, %add3A_789 : vector<16xi32>
      %gather3A_791 = tpu.vector_load_idx %arg5[%add3A_790, %add3A_21] : memref<64x128xf32, #tpu.memory_space<vmem>>[vector<16xi32>, vector<16xi32>], vector<16xf32>,
      %bitcast3A_792 = vector.bitcast %gather3A_791 : vector<16xf32> to vector<16xi32>
      %and3A_793 = arith.constant -64 : i32
      %and3A_794 = vector.broadcast %and3A_793 : i32 to vector<16xi32>
      %and3A_795 = arith.andi %bitcast3A_792, %and3A_794 : vector<16xi32>
      %sub3A_796 = arith.constant 63 : i32
      %sub3A_797 = vector.broadcast %sub3A_796 : i32 to vector<16xi32>
      %sub3A_798 = arith.subi %sub3A_797, %add3A_790 : vector<16xi32>
      %or3A_799 = arith.ori %and3A_795, %sub3A_798 : vector<16xi32>
      %bitcast3A_800 = vector.bitcast %or3A_799 : vector<16xi32> to vector<16xf32>
      %add3A_801 = arith.constant 4 : i32
      %add3A_802 = vector.broadcast %add3A_801 : i32 to vector<16xi32>
      %add3A_803 = arith.addi %mul3A_748, %add3A_802 : vector<16xi32>
      %gather3A_804 = tpu.vector_load_idx %arg5[%add3A_803, %add3A_21] : memref<64x128xf32, #tpu.memory_space<vmem>>[vector<16xi32>, vector<16xi32>], vector<16xf32>,
      %bitcast3A_805 = vector.bitcast %gather3A_804 : vector<16xf32> to vector<16xi32>
      %and3A_806 = arith.constant -64 : i32
      %and3A_807 = vector.broadcast %and3A_806 : i32 to vector<16xi32>
      %and3A_808 = arith.andi %bitcast3A_805, %and3A_807 : vector<16xi32>
      %sub3A_809 = arith.constant 63 : i32
      %sub3A_810 = vector.broadcast %sub3A_809 : i32 to vector<16xi32>
      %sub3A_811 = arith.subi %sub3A_810, %add3A_803 : vector<16xi32>
      %or3A_812 = arith.ori %and3A_808, %sub3A_811 : vector<16xi32>
      %bitcast3A_813 = vector.bitcast %or3A_812 : vector<16xi32> to vector<16xf32>
      %add3A_814 = arith.constant 5 : i32
      %add3A_815 = vector.broadcast %add3A_814 : i32 to vector<16xi32>
      %add3A_816 = arith.addi %mul3A_748, %add3A_815 : vector<16xi32>
      %gather3A_817 = tpu.vector_load_idx %arg5[%add3A_816, %add3A_21] : memref<64x128xf32, #tpu.memory_space<vmem>>[vector<16xi32>, vector<16xi32>], vector<16xf32>,
      %bitcast3A_818 = vector.bitcast %gather3A_817 : vector<16xf32> to vector<16xi32>
      %and3A_819 = arith.constant -64 : i32
      %and3A_820 = vector.broadcast %and3A_819 : i32 to vector<16xi32>
      %and3A_821 = arith.andi %bitcast3A_818, %and3A_820 : vector<16xi32>
      %sub3A_822 = arith.constant 63 : i32
      %sub3A_823 = vector.broadcast %sub3A_822 : i32 to vector<16xi32>
      %sub3A_824 = arith.subi %sub3A_823, %add3A_816 : vector<16xi32>
      %or3A_825 = arith.ori %and3A_821, %sub3A_824 : vector<16xi32>
      %bitcast3A_826 = vector.bitcast %or3A_825 : vector<16xi32> to vector<16xf32>
      %add3A_827 = arith.constant 6 : i32
      %add3A_828 = vector.broadcast %add3A_827 : i32 to vector<16xi32>
      %add3A_829 = arith.addi %mul3A_748, %add3A_828 : vector<16xi32>
      %gather3A_830 = tpu.vector_load_idx %arg5[%add3A_829, %add3A_21] : memref<64x128xf32, #tpu.memory_space<vmem>>[vector<16xi32>, vector<16xi32>], vector<16xf32>,
      %bitcast3A_831 = vector.bitcast %gather3A_830 : vector<16xf32> to vector<16xi32>
      %and3A_832 = arith.constant -64 : i32
      %and3A_833 = vector.broadcast %and3A_832 : i32 to vector<16xi32>
      %and3A_834 = arith.andi %bitcast3A_831, %and3A_833 : vector<16xi32>
      %sub3A_835 = arith.constant 63 : i32
      %sub3A_836 = vector.broadcast %sub3A_835 : i32 to vector<16xi32>
      %sub3A_837 = arith.subi %sub3A_836, %add3A_829 : vector<16xi32>
      %or3A_838 = arith.ori %and3A_834, %sub3A_837 : vector<16xi32>
      %bitcast3A_839 = vector.bitcast %or3A_838 : vector<16xi32> to vector<16xf32>
      %add3A_840 = arith.constant 7 : i32
      %add3A_841 = vector.broadcast %add3A_840 : i32 to vector<16xi32>
      %add3A_842 = arith.addi %mul3A_748, %add3A_841 : vector<16xi32>
      %gather3A_843 = tpu.vector_load_idx %arg5[%add3A_842, %add3A_21] : memref<64x128xf32, #tpu.memory_space<vmem>>[vector<16xi32>, vector<16xi32>], vector<16xf32>,
      %bitcast3A_844 = vector.bitcast %gather3A_843 : vector<16xf32> to vector<16xi32>
      %and3A_845 = arith.constant -64 : i32
      %and3A_846 = vector.broadcast %and3A_845 : i32 to vector<16xi32>
      %and3A_847 = arith.andi %bitcast3A_844, %and3A_846 : vector<16xi32>
      %sub3A_848 = arith.constant 63 : i32
      %sub3A_849 = vector.broadcast %sub3A_848 : i32 to vector<16xi32>
      %sub3A_850 = arith.subi %sub3A_849, %add3A_842 : vector<16xi32>
      %or3A_851 = arith.ori %and3A_847, %sub3A_850 : vector<16xi32>
      %bitcast3A_852 = vector.bitcast %or3A_851 : vector<16xi32> to vector<16xf32>
      %max3A_853 = arith.maximumf %bitcast3A_761, %bitcast3A_774 : vector<16xf32>
      %min3A_854 = arith.minimumf %bitcast3A_761, %bitcast3A_774 : vector<16xf32>
      %max3A_855 = arith.maximumf %bitcast3A_787, %bitcast3A_800 : vector<16xf32>
      %min3A_856 = arith.minimumf %bitcast3A_787, %bitcast3A_800 : vector<16xf32>
      %max3A_857 = arith.maximumf %bitcast3A_813, %bitcast3A_826 : vector<16xf32>
      %min3A_858 = arith.minimumf %bitcast3A_813, %bitcast3A_826 : vector<16xf32>
      %max3A_859 = arith.maximumf %bitcast3A_839, %bitcast3A_852 : vector<16xf32>
      %min3A_860 = arith.minimumf %bitcast3A_839, %bitcast3A_852 : vector<16xf32>
      %max3A_861 = arith.maximumf %max3A_853, %max3A_855 : vector<16xf32>
      %min3A_862 = arith.minimumf %max3A_853, %max3A_855 : vector<16xf32>
      %max3A_863 = arith.maximumf %min3A_854, %min3A_856 : vector<16xf32>
      %min3A_864 = arith.minimumf %min3A_854, %min3A_856 : vector<16xf32>
      %max3A_865 = arith.maximumf %max3A_857, %max3A_859 : vector<16xf32>
      %min3A_866 = arith.minimumf %max3A_857, %max3A_859 : vector<16xf32>
      %max3A_867 = arith.maximumf %min3A_858, %min3A_860 : vector<16xf32>
      %min3A_868 = arith.minimumf %min3A_858, %min3A_860 : vector<16xf32>
      %max3A_869 = arith.maximumf %max3A_863, %min3A_862 : vector<16xf32>
      %min3A_870 = arith.minimumf %max3A_863, %min3A_862 : vector<16xf32>
      %max3A_871 = arith.maximumf %max3A_867, %min3A_866 : vector<16xf32>
      %min3A_872 = arith.minimumf %max3A_867, %min3A_866 : vector<16xf32>
      %max3A_873 = arith.maximumf %max3A_861, %max3A_865 : vector<16xf32>
      %min3A_874 = arith.minimumf %max3A_861, %max3A_865 : vector<16xf32>
      %max3A_875 = arith.maximumf %min3A_864, %min3A_868 : vector<16xf32>
      %min3A_876 = arith.minimumf %min3A_864, %min3A_868 : vector<16xf32>
      %max3A_877 = arith.maximumf %max3A_869, %max3A_871 : vector<16xf32>
      %min3A_878 = arith.minimumf %max3A_869, %max3A_871 : vector<16xf32>
      %max3A_879 = arith.maximumf %min3A_870, %min3A_872 : vector<16xf32>
      %min3A_880 = arith.minimumf %min3A_870, %min3A_872 : vector<16xf32>
      %max3A_881 = arith.maximumf %max3A_877, %min3A_874 : vector<16xf32>
      %min3A_882 = arith.minimumf %max3A_877, %min3A_874 : vector<16xf32>
      %max3A_883 = arith.maximumf %max3A_875, %min3A_880 : vector<16xf32>
      %min3A_884 = arith.minimumf %max3A_875, %min3A_880 : vector<16xf32>
      %max3A_885 = arith.maximumf %max3A_879, %min3A_882 : vector<16xf32>
      %min3A_886 = arith.minimumf %max3A_879, %min3A_882 : vector<16xf32>
      %max3A_887 = arith.maximumf %max3A_883, %min3A_878 : vector<16xf32>
      %min3A_888 = arith.minimumf %max3A_883, %min3A_878 : vector<16xf32>
      %max3A_889 = arith.maximumf %max3A_887, %min3A_886 : vector<16xf32>
      %min3A_890 = arith.minimumf %max3A_887, %min3A_886 : vector<16xf32>
      %mul3A_891 = arith.constant 8 : i32
      %mul3A_892 = vector.broadcast %mul3A_891 : i32 to vector<16xi32>
      %mul3A_893 = arith.muli %sub3A_456, %mul3A_892 : vector<16xi32>
      %add3A_894 = arith.constant 0 : i32
      %add3A_895 = vector.broadcast %add3A_894 : i32 to vector<16xi32>
      %add3A_896 = arith.addi %mul3A_893, %add3A_895 : vector<16xi32>
      %gather3A_897 = tpu.vector_load_idx %arg5[%add3A_896, %add3A_21] : memref<64x128xf32, #tpu.memory_space<vmem>>[vector<16xi32>, vector<16xi32>], vector<16xf32>,
      %bitcast3A_898 = vector.bitcast %gather3A_897 : vector<16xf32> to vector<16xi32>
      %and3A_899 = arith.constant -64 : i32
      %and3A_900 = vector.broadcast %and3A_899 : i32 to vector<16xi32>
      %and3A_901 = arith.andi %bitcast3A_898, %and3A_900 : vector<16xi32>
      %sub3A_902 = arith.constant 63 : i32
      %sub3A_903 = vector.broadcast %sub3A_902 : i32 to vector<16xi32>
      %sub3A_904 = arith.subi %sub3A_903, %add3A_896 : vector<16xi32>
      %or3A_905 = arith.ori %and3A_901, %sub3A_904 : vector<16xi32>
      %bitcast3A_906 = vector.bitcast %or3A_905 : vector<16xi32> to vector<16xf32>
      %add3A_907 = arith.constant 1 : i32
      %add3A_908 = vector.broadcast %add3A_907 : i32 to vector<16xi32>
      %add3A_909 = arith.addi %mul3A_893, %add3A_908 : vector<16xi32>
      %gather3A_910 = tpu.vector_load_idx %arg5[%add3A_909, %add3A_21] : memref<64x128xf32, #tpu.memory_space<vmem>>[vector<16xi32>, vector<16xi32>], vector<16xf32>,
      %bitcast3A_911 = vector.bitcast %gather3A_910 : vector<16xf32> to vector<16xi32>
      %and3A_912 = arith.constant -64 : i32
      %and3A_913 = vector.broadcast %and3A_912 : i32 to vector<16xi32>
      %and3A_914 = arith.andi %bitcast3A_911, %and3A_913 : vector<16xi32>
      %sub3A_915 = arith.constant 63 : i32
      %sub3A_916 = vector.broadcast %sub3A_915 : i32 to vector<16xi32>
      %sub3A_917 = arith.subi %sub3A_916, %add3A_909 : vector<16xi32>
      %or3A_918 = arith.ori %and3A_914, %sub3A_917 : vector<16xi32>
      %bitcast3A_919 = vector.bitcast %or3A_918 : vector<16xi32> to vector<16xf32>
      %add3A_920 = arith.constant 2 : i32
      %add3A_921 = vector.broadcast %add3A_920 : i32 to vector<16xi32>
      %add3A_922 = arith.addi %mul3A_893, %add3A_921 : vector<16xi32>
      %gather3A_923 = tpu.vector_load_idx %arg5[%add3A_922, %add3A_21] : memref<64x128xf32, #tpu.memory_space<vmem>>[vector<16xi32>, vector<16xi32>], vector<16xf32>,
      %bitcast3A_924 = vector.bitcast %gather3A_923 : vector<16xf32> to vector<16xi32>
      %and3A_925 = arith.constant -64 : i32
      %and3A_926 = vector.broadcast %and3A_925 : i32 to vector<16xi32>
      %and3A_927 = arith.andi %bitcast3A_924, %and3A_926 : vector<16xi32>
      %sub3A_928 = arith.constant 63 : i32
      %sub3A_929 = vector.broadcast %sub3A_928 : i32 to vector<16xi32>
      %sub3A_930 = arith.subi %sub3A_929, %add3A_922 : vector<16xi32>
      %or3A_931 = arith.ori %and3A_927, %sub3A_930 : vector<16xi32>
      %bitcast3A_932 = vector.bitcast %or3A_931 : vector<16xi32> to vector<16xf32>
      %add3A_933 = arith.constant 3 : i32
      %add3A_934 = vector.broadcast %add3A_933 : i32 to vector<16xi32>
      %add3A_935 = arith.addi %mul3A_893, %add3A_934 : vector<16xi32>
      %gather3A_936 = tpu.vector_load_idx %arg5[%add3A_935, %add3A_21] : memref<64x128xf32, #tpu.memory_space<vmem>>[vector<16xi32>, vector<16xi32>], vector<16xf32>,
      %bitcast3A_937 = vector.bitcast %gather3A_936 : vector<16xf32> to vector<16xi32>
      %and3A_938 = arith.constant -64 : i32
      %and3A_939 = vector.broadcast %and3A_938 : i32 to vector<16xi32>
      %and3A_940 = arith.andi %bitcast3A_937, %and3A_939 : vector<16xi32>
      %sub3A_941 = arith.constant 63 : i32
      %sub3A_942 = vector.broadcast %sub3A_941 : i32 to vector<16xi32>
      %sub3A_943 = arith.subi %sub3A_942, %add3A_935 : vector<16xi32>
      %or3A_944 = arith.ori %and3A_940, %sub3A_943 : vector<16xi32>
      %bitcast3A_945 = vector.bitcast %or3A_944 : vector<16xi32> to vector<16xf32>
      %add3A_946 = arith.constant 4 : i32
      %add3A_947 = vector.broadcast %add3A_946 : i32 to vector<16xi32>
      %add3A_948 = arith.addi %mul3A_893, %add3A_947 : vector<16xi32>
      %gather3A_949 = tpu.vector_load_idx %arg5[%add3A_948, %add3A_21] : memref<64x128xf32, #tpu.memory_space<vmem>>[vector<16xi32>, vector<16xi32>], vector<16xf32>,
      %bitcast3A_950 = vector.bitcast %gather3A_949 : vector<16xf32> to vector<16xi32>
      %and3A_951 = arith.constant -64 : i32
      %and3A_952 = vector.broadcast %and3A_951 : i32 to vector<16xi32>
      %and3A_953 = arith.andi %bitcast3A_950, %and3A_952 : vector<16xi32>
      %sub3A_954 = arith.constant 63 : i32
      %sub3A_955 = vector.broadcast %sub3A_954 : i32 to vector<16xi32>
      %sub3A_956 = arith.subi %sub3A_955, %add3A_948 : vector<16xi32>
      %or3A_957 = arith.ori %and3A_953, %sub3A_956 : vector<16xi32>
      %bitcast3A_958 = vector.bitcast %or3A_957 : vector<16xi32> to vector<16xf32>
      %add3A_959 = arith.constant 5 : i32
      %add3A_960 = vector.broadcast %add3A_959 : i32 to vector<16xi32>
      %add3A_961 = arith.addi %mul3A_893, %add3A_960 : vector<16xi32>
      %gather3A_962 = tpu.vector_load_idx %arg5[%add3A_961, %add3A_21] : memref<64x128xf32, #tpu.memory_space<vmem>>[vector<16xi32>, vector<16xi32>], vector<16xf32>,
      %bitcast3A_963 = vector.bitcast %gather3A_962 : vector<16xf32> to vector<16xi32>
      %and3A_964 = arith.constant -64 : i32
      %and3A_965 = vector.broadcast %and3A_964 : i32 to vector<16xi32>
      %and3A_966 = arith.andi %bitcast3A_963, %and3A_965 : vector<16xi32>
      %sub3A_967 = arith.constant 63 : i32
      %sub3A_968 = vector.broadcast %sub3A_967 : i32 to vector<16xi32>
      %sub3A_969 = arith.subi %sub3A_968, %add3A_961 : vector<16xi32>
      %or3A_970 = arith.ori %and3A_966, %sub3A_969 : vector<16xi32>
      %bitcast3A_971 = vector.bitcast %or3A_970 : vector<16xi32> to vector<16xf32>
      %add3A_972 = arith.constant 6 : i32
      %add3A_973 = vector.broadcast %add3A_972 : i32 to vector<16xi32>
      %add3A_974 = arith.addi %mul3A_893, %add3A_973 : vector<16xi32>
      %gather3A_975 = tpu.vector_load_idx %arg5[%add3A_974, %add3A_21] : memref<64x128xf32, #tpu.memory_space<vmem>>[vector<16xi32>, vector<16xi32>], vector<16xf32>,
      %bitcast3A_976 = vector.bitcast %gather3A_975 : vector<16xf32> to vector<16xi32>
      %and3A_977 = arith.constant -64 : i32
      %and3A_978 = vector.broadcast %and3A_977 : i32 to vector<16xi32>
      %and3A_979 = arith.andi %bitcast3A_976, %and3A_978 : vector<16xi32>
      %sub3A_980 = arith.constant 63 : i32
      %sub3A_981 = vector.broadcast %sub3A_980 : i32 to vector<16xi32>
      %sub3A_982 = arith.subi %sub3A_981, %add3A_974 : vector<16xi32>
      %or3A_983 = arith.ori %and3A_979, %sub3A_982 : vector<16xi32>
      %bitcast3A_984 = vector.bitcast %or3A_983 : vector<16xi32> to vector<16xf32>
      %add3A_985 = arith.constant 7 : i32
      %add3A_986 = vector.broadcast %add3A_985 : i32 to vector<16xi32>
      %add3A_987 = arith.addi %mul3A_893, %add3A_986 : vector<16xi32>
      %gather3A_988 = tpu.vector_load_idx %arg5[%add3A_987, %add3A_21] : memref<64x128xf32, #tpu.memory_space<vmem>>[vector<16xi32>, vector<16xi32>], vector<16xf32>,
      %bitcast3A_989 = vector.bitcast %gather3A_988 : vector<16xf32> to vector<16xi32>
      %and3A_990 = arith.constant -64 : i32
      %and3A_991 = vector.broadcast %and3A_990 : i32 to vector<16xi32>
      %and3A_992 = arith.andi %bitcast3A_989, %and3A_991 : vector<16xi32>
      %sub3A_993 = arith.constant 63 : i32
      %sub3A_994 = vector.broadcast %sub3A_993 : i32 to vector<16xi32>
      %sub3A_995 = arith.subi %sub3A_994, %add3A_987 : vector<16xi32>
      %or3A_996 = arith.ori %and3A_992, %sub3A_995 : vector<16xi32>
      %bitcast3A_997 = vector.bitcast %or3A_996 : vector<16xi32> to vector<16xf32>
      %max3A_998 = arith.maximumf %bitcast3A_906, %bitcast3A_919 : vector<16xf32>
      %min3A_999 = arith.minimumf %bitcast3A_906, %bitcast3A_919 : vector<16xf32>
      %max3A_1000 = arith.maximumf %bitcast3A_932, %bitcast3A_945 : vector<16xf32>
      %min3A_1001 = arith.minimumf %bitcast3A_932, %bitcast3A_945 : vector<16xf32>
      %max3A_1002 = arith.maximumf %bitcast3A_958, %bitcast3A_971 : vector<16xf32>
      %min3A_1003 = arith.minimumf %bitcast3A_958, %bitcast3A_971 : vector<16xf32>
      %max3A_1004 = arith.maximumf %bitcast3A_984, %bitcast3A_997 : vector<16xf32>
      %min3A_1005 = arith.minimumf %bitcast3A_984, %bitcast3A_997 : vector<16xf32>
      %max3A_1006 = arith.maximumf %max3A_998, %max3A_1000 : vector<16xf32>
      %min3A_1007 = arith.minimumf %max3A_998, %max3A_1000 : vector<16xf32>
      %max3A_1008 = arith.maximumf %min3A_999, %min3A_1001 : vector<16xf32>
      %min3A_1009 = arith.minimumf %min3A_999, %min3A_1001 : vector<16xf32>
      %max3A_1010 = arith.maximumf %max3A_1002, %max3A_1004 : vector<16xf32>
      %min3A_1011 = arith.minimumf %max3A_1002, %max3A_1004 : vector<16xf32>
      %max3A_1012 = arith.maximumf %min3A_1003, %min3A_1005 : vector<16xf32>
      %min3A_1013 = arith.minimumf %min3A_1003, %min3A_1005 : vector<16xf32>
      %max3A_1014 = arith.maximumf %max3A_1008, %min3A_1007 : vector<16xf32>
      %min3A_1015 = arith.minimumf %max3A_1008, %min3A_1007 : vector<16xf32>
      %max3A_1016 = arith.maximumf %max3A_1012, %min3A_1011 : vector<16xf32>
      %min3A_1017 = arith.minimumf %max3A_1012, %min3A_1011 : vector<16xf32>
      %max3A_1018 = arith.maximumf %max3A_1006, %max3A_1010 : vector<16xf32>
      %min3A_1019 = arith.minimumf %max3A_1006, %max3A_1010 : vector<16xf32>
      %max3A_1020 = arith.maximumf %min3A_1009, %min3A_1013 : vector<16xf32>
      %min3A_1021 = arith.minimumf %min3A_1009, %min3A_1013 : vector<16xf32>
      %max3A_1022 = arith.maximumf %max3A_1014, %max3A_1016 : vector<16xf32>
      %min3A_1023 = arith.minimumf %max3A_1014, %max3A_1016 : vector<16xf32>
      %max3A_1024 = arith.maximumf %min3A_1015, %min3A_1017 : vector<16xf32>
      %min3A_1025 = arith.minimumf %min3A_1015, %min3A_1017 : vector<16xf32>
      %max3A_1026 = arith.maximumf %max3A_1022, %min3A_1019 : vector<16xf32>
      %min3A_1027 = arith.minimumf %max3A_1022, %min3A_1019 : vector<16xf32>
      %max3A_1028 = arith.maximumf %max3A_1020, %min3A_1025 : vector<16xf32>
      %min3A_1029 = arith.minimumf %max3A_1020, %min3A_1025 : vector<16xf32>
      %max3A_1030 = arith.maximumf %max3A_1024, %min3A_1027 : vector<16xf32>
      %min3A_1031 = arith.minimumf %max3A_1024, %min3A_1027 : vector<16xf32>
      %max3A_1032 = arith.maximumf %max3A_1028, %min3A_1023 : vector<16xf32>
      %min3A_1033 = arith.minimumf %max3A_1028, %min3A_1023 : vector<16xf32>
      %max3A_1034 = arith.maximumf %max3A_1032, %min3A_1031 : vector<16xf32>
      %min3A_1035 = arith.minimumf %max3A_1032, %min3A_1031 : vector<16xf32>
      %max3A_1036 = arith.maximumf %max3A_583, %min3A_731 : vector<16xf32>
      %max3A_1037 = arith.maximumf %max3A_591, %min3A_739 : vector<16xf32>
      %max3A_1038 = arith.maximumf %max3A_595, %min3A_743 : vector<16xf32>
      %max3A_1039 = arith.maximumf %max3A_599, %min3A_745 : vector<16xf32>
      %max3A_1040 = arith.maximumf %min3A_600, %max3A_744 : vector<16xf32>
      %max3A_1041 = arith.maximumf %min3A_598, %max3A_740 : vector<16xf32>
      %max3A_1042 = arith.maximumf %min3A_594, %max3A_736 : vector<16xf32>
      %max3A_1043 = arith.maximumf %min3A_586, %max3A_728 : vector<16xf32>
      %max3A_1044 = arith.maximumf %max3A_1036, %max3A_1040 : vector<16xf32>
      %min3A_1045 = arith.minimumf %max3A_1036, %max3A_1040 : vector<16xf32>
      %max3A_1046 = arith.maximumf %max3A_1037, %max3A_1041 : vector<16xf32>
      %min3A_1047 = arith.minimumf %max3A_1037, %max3A_1041 : vector<16xf32>
      %max3A_1048 = arith.maximumf %max3A_1038, %max3A_1042 : vector<16xf32>
      %min3A_1049 = arith.minimumf %max3A_1038, %max3A_1042 : vector<16xf32>
      %max3A_1050 = arith.maximumf %max3A_1039, %max3A_1043 : vector<16xf32>
      %min3A_1051 = arith.minimumf %max3A_1039, %max3A_1043 : vector<16xf32>
      %max3A_1052 = arith.maximumf %max3A_1044, %max3A_1048 : vector<16xf32>
      %min3A_1053 = arith.minimumf %max3A_1044, %max3A_1048 : vector<16xf32>
      %max3A_1054 = arith.maximumf %max3A_1046, %max3A_1050 : vector<16xf32>
      %min3A_1055 = arith.minimumf %max3A_1046, %max3A_1050 : vector<16xf32>
      %max3A_1056 = arith.maximumf %min3A_1045, %min3A_1049 : vector<16xf32>
      %min3A_1057 = arith.minimumf %min3A_1045, %min3A_1049 : vector<16xf32>
      %max3A_1058 = arith.maximumf %min3A_1047, %min3A_1051 : vector<16xf32>
      %min3A_1059 = arith.minimumf %min3A_1047, %min3A_1051 : vector<16xf32>
      %max3A_1060 = arith.maximumf %max3A_1052, %max3A_1054 : vector<16xf32>
      %min3A_1061 = arith.minimumf %max3A_1052, %max3A_1054 : vector<16xf32>
      %max3A_1062 = arith.maximumf %min3A_1053, %min3A_1055 : vector<16xf32>
      %min3A_1063 = arith.minimumf %min3A_1053, %min3A_1055 : vector<16xf32>
      %max3A_1064 = arith.maximumf %max3A_1056, %max3A_1058 : vector<16xf32>
      %min3A_1065 = arith.minimumf %max3A_1056, %max3A_1058 : vector<16xf32>
      %max3A_1066 = arith.maximumf %min3A_1057, %min3A_1059 : vector<16xf32>
      %min3A_1067 = arith.minimumf %min3A_1057, %min3A_1059 : vector<16xf32>
      %max3A_1068 = arith.maximumf %max3A_873, %min3A_1021 : vector<16xf32>
      %max3A_1069 = arith.maximumf %max3A_881, %min3A_1029 : vector<16xf32>
      %max3A_1070 = arith.maximumf %max3A_885, %min3A_1033 : vector<16xf32>
      %max3A_1071 = arith.maximumf %max3A_889, %min3A_1035 : vector<16xf32>
      %max3A_1072 = arith.maximumf %min3A_890, %max3A_1034 : vector<16xf32>
      %max3A_1073 = arith.maximumf %min3A_888, %max3A_1030 : vector<16xf32>
      %max3A_1074 = arith.maximumf %min3A_884, %max3A_1026 : vector<16xf32>
      %max3A_1075 = arith.maximumf %min3A_876, %max3A_1018 : vector<16xf32>
      %max3A_1076 = arith.maximumf %max3A_1068, %max3A_1072 : vector<16xf32>
      %min3A_1077 = arith.minimumf %max3A_1068, %max3A_1072 : vector<16xf32>
      %max3A_1078 = arith.maximumf %max3A_1069, %max3A_1073 : vector<16xf32>
      %min3A_1079 = arith.minimumf %max3A_1069, %max3A_1073 : vector<16xf32>
      %max3A_1080 = arith.maximumf %max3A_1070, %max3A_1074 : vector<16xf32>
      %min3A_1081 = arith.minimumf %max3A_1070, %max3A_1074 : vector<16xf32>
      %max3A_1082 = arith.maximumf %max3A_1071, %max3A_1075 : vector<16xf32>
      %min3A_1083 = arith.minimumf %max3A_1071, %max3A_1075 : vector<16xf32>
      %max3A_1084 = arith.maximumf %max3A_1076, %max3A_1080 : vector<16xf32>
      %min3A_1085 = arith.minimumf %max3A_1076, %max3A_1080 : vector<16xf32>
      %max3A_1086 = arith.maximumf %max3A_1078, %max3A_1082 : vector<16xf32>
      %min3A_1087 = arith.minimumf %max3A_1078, %max3A_1082 : vector<16xf32>
      %max3A_1088 = arith.maximumf %min3A_1077, %min3A_1081 : vector<16xf32>
      %min3A_1089 = arith.minimumf %min3A_1077, %min3A_1081 : vector<16xf32>
      %max3A_1090 = arith.maximumf %min3A_1079, %min3A_1083 : vector<16xf32>
      %min3A_1091 = arith.minimumf %min3A_1079, %min3A_1083 : vector<16xf32>
      %max3A_1092 = arith.maximumf %max3A_1084, %max3A_1086 : vector<16xf32>
      %min3A_1093 = arith.minimumf %max3A_1084, %max3A_1086 : vector<16xf32>
      %max3A_1094 = arith.maximumf %min3A_1085, %min3A_1087 : vector<16xf32>
      %min3A_1095 = arith.minimumf %min3A_1085, %min3A_1087 : vector<16xf32>
      %max3A_1096 = arith.maximumf %max3A_1088, %max3A_1090 : vector<16xf32>
      %min3A_1097 = arith.minimumf %max3A_1088, %max3A_1090 : vector<16xf32>
      %max3A_1098 = arith.maximumf %min3A_1089, %min3A_1091 : vector<16xf32>
      %min3A_1099 = arith.minimumf %min3A_1089, %min3A_1091 : vector<16xf32>
      %max3A_1100 = arith.maximumf %max3A_1060, %min3A_1099 : vector<16xf32>
      %max3A_1101 = arith.maximumf %min3A_1061, %max3A_1098 : vector<16xf32>
      %max3A_1102 = arith.maximumf %max3A_1062, %min3A_1097 : vector<16xf32>
      %max3A_1103 = arith.maximumf %min3A_1063, %max3A_1096 : vector<16xf32>
      %max3A_1104 = arith.maximumf %max3A_1064, %min3A_1095 : vector<16xf32>
      %max3A_1105 = arith.maximumf %min3A_1065, %max3A_1094 : vector<16xf32>
      %max3A_1106 = arith.maximumf %max3A_1066, %min3A_1093 : vector<16xf32>
      %max3A_1107 = arith.maximumf %min3A_1067, %max3A_1092 : vector<16xf32>
      %max3A_1108 = arith.maximumf %max3A_1100, %max3A_1104 : vector<16xf32>
      %min3A_1109 = arith.minimumf %max3A_1100, %max3A_1104 : vector<16xf32>
      %max3A_1110 = arith.maximumf %max3A_1101, %max3A_1105 : vector<16xf32>
      %min3A_1111 = arith.minimumf %max3A_1101, %max3A_1105 : vector<16xf32>
      %max3A_1112 = arith.maximumf %max3A_1102, %max3A_1106 : vector<16xf32>
      %min3A_1113 = arith.minimumf %max3A_1102, %max3A_1106 : vector<16xf32>
      %max3A_1114 = arith.maximumf %max3A_1103, %max3A_1107 : vector<16xf32>
      %min3A_1115 = arith.minimumf %max3A_1103, %max3A_1107 : vector<16xf32>
      %max3A_1116 = arith.maximumf %max3A_1108, %max3A_1112 : vector<16xf32>
      %min3A_1117 = arith.minimumf %max3A_1108, %max3A_1112 : vector<16xf32>
      %max3A_1118 = arith.maximumf %max3A_1110, %max3A_1114 : vector<16xf32>
      %min3A_1119 = arith.minimumf %max3A_1110, %max3A_1114 : vector<16xf32>
      %max3A_1120 = arith.maximumf %min3A_1109, %min3A_1113 : vector<16xf32>
      %min3A_1121 = arith.minimumf %min3A_1109, %min3A_1113 : vector<16xf32>
      %max3A_1122 = arith.maximumf %min3A_1111, %min3A_1115 : vector<16xf32>
      %min3A_1123 = arith.minimumf %min3A_1111, %min3A_1115 : vector<16xf32>
      %max3A_1124 = arith.maximumf %max3A_1116, %max3A_1118 : vector<16xf32>
      %min3A_1125 = arith.minimumf %max3A_1116, %max3A_1118 : vector<16xf32>
      %max3A_1126 = arith.maximumf %min3A_1117, %min3A_1119 : vector<16xf32>
      %min3A_1127 = arith.minimumf %min3A_1117, %min3A_1119 : vector<16xf32>
      %max3A_1128 = arith.maximumf %max3A_1120, %max3A_1122 : vector<16xf32>
      %min3A_1129 = arith.minimumf %max3A_1120, %max3A_1122 : vector<16xf32>
      %max3A_1130 = arith.maximumf %min3A_1121, %min3A_1123 : vector<16xf32>
      %min3A_1131 = arith.minimumf %min3A_1121, %min3A_1123 : vector<16xf32>
      %broadcast_in_dim3A = arith.constant 0.000000e+00 : f32
      %broadcast_in_dim3A_1132 = vector.broadcast %broadcast_in_dim3A : f32 to vector<16xf32>
      %bitcast3A_1133 = vector.bitcast %max3A_1124 : vector<16xf32> to vector<16xi32>
      %and3A_1134 = arith.constant 63 : i32
      %and3A_1135 = vector.broadcast %and3A_1134 : i32 to vector<16xi32>
      %and3A_1136 = arith.andi %bitcast3A_1133, %and3A_1135 : vector<16xi32>
      %sub3A_1137 = arith.constant 63 : i32
      %sub3A_1138 = vector.broadcast %sub3A_1137 : i32 to vector<16xi32>
      %sub3A_1139 = arith.subi %sub3A_1138, %and3A_1136 : vector<16xi32>
      %and3A_1140 = arith.constant -64 : i32
      %and3A_1141 = vector.broadcast %and3A_1140 : i32 to vector<16xi32>
      %and3A_1142 = arith.andi %bitcast3A_1133, %and3A_1141 : vector<16xi32>
      %bitcast3A_1143 = vector.bitcast %and3A_1142 : vector<16xi32> to vector<16xf32>
      %add3A_1144 = arith.addf %broadcast_in_dim3A_1132, %bitcast3A_1143 : vector<16xf32>
      %bitcast3A_1145 = vector.bitcast %min3A_1125 : vector<16xf32> to vector<16xi32>
      %and3A_1146 = arith.constant 63 : i32
      %and3A_1147 = vector.broadcast %and3A_1146 : i32 to vector<16xi32>
      %and3A_1148 = arith.andi %bitcast3A_1145, %and3A_1147 : vector<16xi32>
      %sub3A_1149 = arith.constant 63 : i32
      %sub3A_1150 = vector.broadcast %sub3A_1149 : i32 to vector<16xi32>
      %sub3A_1151 = arith.subi %sub3A_1150, %and3A_1148 : vector<16xi32>
      %and3A_1152 = arith.constant -64 : i32
      %and3A_1153 = vector.broadcast %and3A_1152 : i32 to vector<16xi32>
      %and3A_1154 = arith.andi %bitcast3A_1145, %and3A_1153 : vector<16xi32>
      %bitcast3A_1155 = vector.bitcast %and3A_1154 : vector<16xi32> to vector<16xf32>
      %add3A_1156 = arith.addf %add3A_1144, %bitcast3A_1155 : vector<16xf32>
      %bitcast3A_1157 = vector.bitcast %max3A_1126 : vector<16xf32> to vector<16xi32>
      %and3A_1158 = arith.constant 63 : i32
      %and3A_1159 = vector.broadcast %and3A_1158 : i32 to vector<16xi32>
      %and3A_1160 = arith.andi %bitcast3A_1157, %and3A_1159 : vector<16xi32>
      %sub3A_1161 = arith.constant 63 : i32
      %sub3A_1162 = vector.broadcast %sub3A_1161 : i32 to vector<16xi32>
      %sub3A_1163 = arith.subi %sub3A_1162, %and3A_1160 : vector<16xi32>
      %and3A_1164 = arith.constant -64 : i32
      %and3A_1165 = vector.broadcast %and3A_1164 : i32 to vector<16xi32>
      %and3A_1166 = arith.andi %bitcast3A_1157, %and3A_1165 : vector<16xi32>
      %bitcast3A_1167 = vector.bitcast %and3A_1166 : vector<16xi32> to vector<16xf32>
      %add3A_1168 = arith.addf %add3A_1156, %bitcast3A_1167 : vector<16xf32>
      %bitcast3A_1169 = vector.bitcast %min3A_1127 : vector<16xf32> to vector<16xi32>
      %and3A_1170 = arith.constant 63 : i32
      %and3A_1171 = vector.broadcast %and3A_1170 : i32 to vector<16xi32>
      %and3A_1172 = arith.andi %bitcast3A_1169, %and3A_1171 : vector<16xi32>
      %sub3A_1173 = arith.constant 63 : i32
      %sub3A_1174 = vector.broadcast %sub3A_1173 : i32 to vector<16xi32>
      %sub3A_1175 = arith.subi %sub3A_1174, %and3A_1172 : vector<16xi32>
      %and3A_1176 = arith.constant -64 : i32
      %and3A_1177 = vector.broadcast %and3A_1176 : i32 to vector<16xi32>
      %and3A_1178 = arith.andi %bitcast3A_1169, %and3A_1177 : vector<16xi32>
      %bitcast3A_1179 = vector.bitcast %and3A_1178 : vector<16xi32> to vector<16xf32>
      %add3A_1180 = arith.addf %add3A_1168, %bitcast3A_1179 : vector<16xf32>
      %bitcast3A_1181 = vector.bitcast %max3A_1128 : vector<16xf32> to vector<16xi32>
      %and3A_1182 = arith.constant 63 : i32
      %and3A_1183 = vector.broadcast %and3A_1182 : i32 to vector<16xi32>
      %and3A_1184 = arith.andi %bitcast3A_1181, %and3A_1183 : vector<16xi32>
      %sub3A_1185 = arith.constant 63 : i32
      %sub3A_1186 = vector.broadcast %sub3A_1185 : i32 to vector<16xi32>
      %sub3A_1187 = arith.subi %sub3A_1186, %and3A_1184 : vector<16xi32>
      %and3A_1188 = arith.constant -64 : i32
      %and3A_1189 = vector.broadcast %and3A_1188 : i32 to vector<16xi32>
      %and3A_1190 = arith.andi %bitcast3A_1181, %and3A_1189 : vector<16xi32>
      %bitcast3A_1191 = vector.bitcast %and3A_1190 : vector<16xi32> to vector<16xf32>
      %add3A_1192 = arith.addf %add3A_1180, %bitcast3A_1191 : vector<16xf32>
      %bitcast3A_1193 = vector.bitcast %min3A_1129 : vector<16xf32> to vector<16xi32>
      %and3A_1194 = arith.constant 63 : i32
      %and3A_1195 = vector.broadcast %and3A_1194 : i32 to vector<16xi32>
      %and3A_1196 = arith.andi %bitcast3A_1193, %and3A_1195 : vector<16xi32>
      %sub3A_1197 = arith.constant 63 : i32
      %sub3A_1198 = vector.broadcast %sub3A_1197 : i32 to vector<16xi32>
      %sub3A_1199 = arith.subi %sub3A_1198, %and3A_1196 : vector<16xi32>
      %and3A_1200 = arith.constant -64 : i32
      %and3A_1201 = vector.broadcast %and3A_1200 : i32 to vector<16xi32>
      %and3A_1202 = arith.andi %bitcast3A_1193, %and3A_1201 : vector<16xi32>
      %bitcast3A_1203 = vector.bitcast %and3A_1202 : vector<16xi32> to vector<16xf32>
      %add3A_1204 = arith.addf %add3A_1192, %bitcast3A_1203 : vector<16xf32>
      %bitcast3A_1205 = vector.bitcast %max3A_1130 : vector<16xf32> to vector<16xi32>
      %and3A_1206 = arith.constant 63 : i32
      %and3A_1207 = vector.broadcast %and3A_1206 : i32 to vector<16xi32>
      %and3A_1208 = arith.andi %bitcast3A_1205, %and3A_1207 : vector<16xi32>
      %sub3A_1209 = arith.constant 63 : i32
      %sub3A_1210 = vector.broadcast %sub3A_1209 : i32 to vector<16xi32>
      %sub3A_1211 = arith.subi %sub3A_1210, %and3A_1208 : vector<16xi32>
      %and3A_1212 = arith.constant -64 : i32
      %and3A_1213 = vector.broadcast %and3A_1212 : i32 to vector<16xi32>
      %and3A_1214 = arith.andi %bitcast3A_1205, %and3A_1213 : vector<16xi32>
      %bitcast3A_1215 = vector.bitcast %and3A_1214 : vector<16xi32> to vector<16xf32>
      %add3A_1216 = arith.addf %add3A_1204, %bitcast3A_1215 : vector<16xf32>
      %bitcast3A_1217 = vector.bitcast %min3A_1131 : vector<16xf32> to vector<16xi32>
      %and3A_1218 = arith.constant 63 : i32
      %and3A_1219 = vector.broadcast %and3A_1218 : i32 to vector<16xi32>
      %and3A_1220 = arith.andi %bitcast3A_1217, %and3A_1219 : vector<16xi32>
      %sub3A_1221 = arith.constant 63 : i32
      %sub3A_1222 = vector.broadcast %sub3A_1221 : i32 to vector<16xi32>
      %sub3A_1223 = arith.subi %sub3A_1222, %and3A_1220 : vector<16xi32>
      %and3A_1224 = arith.constant -64 : i32
      %and3A_1225 = vector.broadcast %and3A_1224 : i32 to vector<16xi32>
      %and3A_1226 = arith.andi %bitcast3A_1217, %and3A_1225 : vector<16xi32>
      %bitcast3A_1227 = vector.bitcast %and3A_1226 : vector<16xi32> to vector<16xf32>
      %add3A_1228 = arith.addf %add3A_1216, %bitcast3A_1227 : vector<16xf32>
      %add3A_1229 = arith.constant 9.99999997E-7 : f32
      %add3A_1230 = vector.broadcast %add3A_1229 : f32 to vector<16xf32>
      %add3A_1231 = arith.addf %add3A_1228, %add3A_1230 : vector<16xf32>
      %div3A = arith.constant 1.000000e+00 : f32
      %div3A_1232 = vector.broadcast %div3A : f32 to vector<16xf32>
      %div3A_1233 = arith.divf %div3A_1232, %add3A_1231 : vector<16xf32>
      %mul3A_1234 = arith.constant 8 : i32
      %mul3A_1235 = vector.broadcast %mul3A_1234 : i32 to vector<16xi32>
      %mul3A_1236 = arith.muli %add3A_21, %mul3A_1235 : vector<16xi32>
      %add3A_1237 = arith.constant 0 : i32
      %add3A_1238 = vector.broadcast %add3A_1237 : i32 to vector<16xi32>
      %add3A_1239 = arith.addi %mul3A_1236, %add3A_1238 : vector<16xi32>
      %mul3A_1240 = arith.mulf %bitcast3A_1143, %div3A_1233 : vector<16xf32>
      tpu.vector_store_idx %arg6[%add3A_1239], %mul3A_1240 : memref<1024xf32, #tpu.memory_space<vmem>>[vector<16xi32>], vector<16xf32>,
      %add3A_1241 = arith.constant 0 : i32
      %add3A_1242 = vector.broadcast %add3A_1241 : i32 to vector<16xi32>
      %add3A_1243 = arith.addi %mul3A_1236, %add3A_1242 : vector<16xi32>
      tpu.vector_store_idx %arg7[%add3A_1243], %sub3A_1139 : memref<1024xi32, #tpu.memory_space<vmem>>[vector<16xi32>], vector<16xi32>,
      %add3A_1244 = arith.constant 1 : i32
      %add3A_1245 = vector.broadcast %add3A_1244 : i32 to vector<16xi32>
      %add3A_1246 = arith.addi %mul3A_1236, %add3A_1245 : vector<16xi32>
      %mul3A_1247 = arith.mulf %bitcast3A_1155, %div3A_1233 : vector<16xf32>
      tpu.vector_store_idx %arg6[%add3A_1246], %mul3A_1247 : memref<1024xf32, #tpu.memory_space<vmem>>[vector<16xi32>], vector<16xf32>,
      %add3A_1248 = arith.constant 1 : i32
      %add3A_1249 = vector.broadcast %add3A_1248 : i32 to vector<16xi32>
      %add3A_1250 = arith.addi %mul3A_1236, %add3A_1249 : vector<16xi32>
      tpu.vector_store_idx %arg7[%add3A_1250], %sub3A_1151 : memref<1024xi32, #tpu.memory_space<vmem>>[vector<16xi32>], vector<16xi32>,
      %add3A_1251 = arith.constant 2 : i32
      %add3A_1252 = vector.broadcast %add3A_1251 : i32 to vector<16xi32>
      %add3A_1253 = arith.addi %mul3A_1236, %add3A_1252 : vector<16xi32>
      %mul3A_1254 = arith.mulf %bitcast3A_1167, %div3A_1233 : vector<16xf32>
      tpu.vector_store_idx %arg6[%add3A_1253], %mul3A_1254 : memref<1024xf32, #tpu.memory_space<vmem>>[vector<16xi32>], vector<16xf32>,
      %add3A_1255 = arith.constant 2 : i32
      %add3A_1256 = vector.broadcast %add3A_1255 : i32 to vector<16xi32>
      %add3A_1257 = arith.addi %mul3A_1236, %add3A_1256 : vector<16xi32>
      tpu.vector_store_idx %arg7[%add3A_1257], %sub3A_1163 : memref<1024xi32, #tpu.memory_space<vmem>>[vector<16xi32>], vector<16xi32>,
      %add3A_1258 = arith.constant 3 : i32
      %add3A_1259 = vector.broadcast %add3A_1258 : i32 to vector<16xi32>
      %add3A_1260 = arith.addi %mul3A_1236, %add3A_1259 : vector<16xi32>
      %mul3A_1261 = arith.mulf %bitcast3A_1179, %div3A_1233 : vector<16xf32>
      tpu.vector_store_idx %arg6[%add3A_1260], %mul3A_1261 : memref<1024xf32, #tpu.memory_space<vmem>>[vector<16xi32>], vector<16xf32>,
      %add3A_1262 = arith.constant 3 : i32
      %add3A_1263 = vector.broadcast %add3A_1262 : i32 to vector<16xi32>
      %add3A_1264 = arith.addi %mul3A_1236, %add3A_1263 : vector<16xi32>
      tpu.vector_store_idx %arg7[%add3A_1264], %sub3A_1175 : memref<1024xi32, #tpu.memory_space<vmem>>[vector<16xi32>], vector<16xi32>,
      %add3A_1265 = arith.constant 4 : i32
      %add3A_1266 = vector.broadcast %add3A_1265 : i32 to vector<16xi32>
      %add3A_1267 = arith.addi %mul3A_1236, %add3A_1266 : vector<16xi32>
      %mul3A_1268 = arith.mulf %bitcast3A_1191, %div3A_1233 : vector<16xf32>
      tpu.vector_store_idx %arg6[%add3A_1267], %mul3A_1268 : memref<1024xf32, #tpu.memory_space<vmem>>[vector<16xi32>], vector<16xf32>,
      %add3A_1269 = arith.constant 4 : i32
      %add3A_1270 = vector.broadcast %add3A_1269 : i32 to vector<16xi32>
      %add3A_1271 = arith.addi %mul3A_1236, %add3A_1270 : vector<16xi32>
      tpu.vector_store_idx %arg7[%add3A_1271], %sub3A_1187 : memref<1024xi32, #tpu.memory_space<vmem>>[vector<16xi32>], vector<16xi32>,
      %add3A_1272 = arith.constant 5 : i32
      %add3A_1273 = vector.broadcast %add3A_1272 : i32 to vector<16xi32>
      %add3A_1274 = arith.addi %mul3A_1236, %add3A_1273 : vector<16xi32>
      %mul3A_1275 = arith.mulf %bitcast3A_1203, %div3A_1233 : vector<16xf32>
      tpu.vector_store_idx %arg6[%add3A_1274], %mul3A_1275 : memref<1024xf32, #tpu.memory_space<vmem>>[vector<16xi32>], vector<16xf32>,
      %add3A_1276 = arith.constant 5 : i32
      %add3A_1277 = vector.broadcast %add3A_1276 : i32 to vector<16xi32>
      %add3A_1278 = arith.addi %mul3A_1236, %add3A_1277 : vector<16xi32>
      tpu.vector_store_idx %arg7[%add3A_1278], %sub3A_1199 : memref<1024xi32, #tpu.memory_space<vmem>>[vector<16xi32>], vector<16xi32>,
      %add3A_1279 = arith.constant 6 : i32
      %add3A_1280 = vector.broadcast %add3A_1279 : i32 to vector<16xi32>
      %add3A_1281 = arith.addi %mul3A_1236, %add3A_1280 : vector<16xi32>
      %mul3A_1282 = arith.mulf %bitcast3A_1215, %div3A_1233 : vector<16xf32>
      tpu.vector_store_idx %arg6[%add3A_1281], %mul3A_1282 : memref<1024xf32, #tpu.memory_space<vmem>>[vector<16xi32>], vector<16xf32>,
      %add3A_1283 = arith.constant 6 : i32
      %add3A_1284 = vector.broadcast %add3A_1283 : i32 to vector<16xi32>
      %add3A_1285 = arith.addi %mul3A_1236, %add3A_1284 : vector<16xi32>
      tpu.vector_store_idx %arg7[%add3A_1285], %sub3A_1211 : memref<1024xi32, #tpu.memory_space<vmem>>[vector<16xi32>], vector<16xi32>,
      %add3A_1286 = arith.constant 7 : i32
      %add3A_1287 = vector.broadcast %add3A_1286 : i32 to vector<16xi32>
      %add3A_1288 = arith.addi %mul3A_1236, %add3A_1287 : vector<16xi32>
      %mul3A_1289 = arith.mulf %bitcast3A_1227, %div3A_1233 : vector<16xf32>
      tpu.vector_store_idx %arg6[%add3A_1288], %mul3A_1289 : memref<1024xf32, #tpu.memory_space<vmem>>[vector<16xi32>], vector<16xf32>,
      %add3A_1290 = arith.constant 7 : i32
      %add3A_1291 = vector.broadcast %add3A_1290 : i32 to vector<16xi32>
      %add3A_1292 = arith.addi %mul3A_1236, %add3A_1291 : vector<16xi32>
      tpu.vector_store_idx %arg7[%add3A_1292], %sub3A_1223 : memref<1024xi32, #tpu.memory_space<vmem>>[vector<16xi32>], vector<16xi32>,
    }
    %scan3A_4 = arith.constant 8 : i32
    %mul3A_5 = arith.constant 1024 : i32
    %mul3A_6 = arith.muli %add3A, %mul3A_5 : i32
    %dma_start3A = tpu.memref_slice %arg3[%mul3A_6] : memref<32768xf32, #tpu.memory_space<hbm>> -> memref<1024xf32, #tpu.memory_space<hbm>>
    %dma_start3A_7 = tpu.memref_slice %arg3[%mul3A_6] : memref<32768xf32, #tpu.memory_space<hbm>> -> memref<1024xf32, #tpu.memory_space<hbm>>
    tpu.enqueue_dma source(%arg6 : memref<1024xf32, #tpu.memory_space<vmem>>) target(%dma_start3A_7 : memref<1024xf32, #tpu.memory_space<hbm>>) target_semaphore(%arg8 : memref<!tpu.dma_semaphore, #tpu.memory_space<semaphore_mem>>)
    %dma_start3A_8 = tpu.memref_slice %arg4[%mul3A_6] : memref<32768xi32, #tpu.memory_space<hbm>> -> memref<1024xi32, #tpu.memory_space<hbm>>
    %dma_start3A_9 = tpu.memref_slice %arg4[%mul3A_6] : memref<32768xi32, #tpu.memory_space<hbm>> -> memref<1024xi32, #tpu.memory_space<hbm>>
    tpu.enqueue_dma source(%arg7 : memref<1024xi32, #tpu.memory_space<vmem>>) target(%dma_start3A_9 : memref<1024xi32, #tpu.memory_space<hbm>>) target_semaphore(%arg9 : memref<!tpu.dma_semaphore, #tpu.memory_space<semaphore_mem>>)
    %dma_wait3A = tpu.memref_slice %arg3[%mul3A_6] : memref<32768xf32, #tpu.memory_space<hbm>> -> memref<1024xf32, #tpu.memory_space<hbm>>
    %dma_wait3A_10 = tpu.memref_slice %arg3[%mul3A_6] : memref<32768xf32, #tpu.memory_space<hbm>> -> memref<1024xf32, #tpu.memory_space<hbm>>
    tpu.wait_dma2 semaphore(%arg8 : memref<!tpu.dma_semaphore, #tpu.memory_space<semaphore_mem>>) src(%arg6 : memref<1024xf32, #tpu.memory_space<vmem>>) dst(%dma_wait3A_10 : memref<1024xf32, #tpu.memory_space<hbm>>)
    %dma_wait3A_11 = tpu.memref_slice %arg4[%mul3A_6] : memref<32768xi32, #tpu.memory_space<hbm>> -> memref<1024xi32, #tpu.memory_space<hbm>>
    %dma_wait3A_12 = tpu.memref_slice %arg4[%mul3A_6] : memref<32768xi32, #tpu.memory_space<hbm>> -> memref<1024xi32, #tpu.memory_space<hbm>>
    tpu.wait_dma2 semaphore(%arg9 : memref<!tpu.dma_semaphore, #tpu.memory_space<semaphore_mem>>) src(%arg7 : memref<1024xi32, #tpu.memory_space<vmem>>) dst(%dma_wait3A_12 : memref<1024xi32, #tpu.memory_space<hbm>>)
    return
  }
}

module attributes {stable_mosaic.version = 14 : i64} {
  func.func @_gate_scores_body(%arg0: i32, %arg1: memref<512x4096xf32, #tpu.memory_space<vmem>>, %arg2: memref<64x4096xf32, #tpu.memory_space<vmem>>, %arg3: memref<64x1xf32, #tpu.memory_space<vmem>>, %arg4: memref<4x64x128xf32, #tpu.memory_space<vmem>>) attributes {dimension_semantics = [#tpu.dimension_semantics<parallel>], iteration_bounds = array<i64: 8>, scalar_prefetch = 0 : i64, scratch_operands = 0 : i64, tpu.core_type = #tpu.core_type<tc>, window_params = [{transform_indices = @transform_0, window_bounds = array<i64: 512, 4096>}, {pipeline_mode = #tpu.pipeline_mode<synchronous>, transform_indices = @transform_1, window_bounds = array<i64: 64, 4096>}, {pipeline_mode = #tpu.pipeline_mode<synchronous>, transform_indices = @transform_2, window_bounds = array<i64: 64, 1>}, {transform_indices = @transform_3, window_bounds = array<i64: 4, 64, 128>}]} {
    %get3A = arith.constant 0 : index
    %get3A_0 = arith.constant 0 : index
    %get3A_1 = vector.load %arg2[%get3A, %get3A_0] : memref<64x4096xf32, #tpu.memory_space<vmem>>, vector<64x4096xf32>
    %convert_element_type3A = arith.truncf %get3A_1 : vector<64x4096xf32> to vector<64x4096xbf16>
    %get3A_2 = arith.constant 0 : index
    %get3A_3 = arith.constant 0 : index
    %get3A_4 = vector.load %arg1[%get3A_2, %get3A_3] : memref<512x4096xf32, #tpu.memory_space<vmem>>, vector<512x4096xf32>
    %convert_element_type3A_5 = arith.truncf %get3A_4 : vector<512x4096xf32> to vector<512x4096xbf16>
    %dot_general3A = arith.constant dense<0.000000e+00> : vector<64x512xf32>
    %dot_general3A_6 = tpu.matmul %convert_element_type3A, %convert_element_type3A_5, %dot_general3A {dimension_numbers = #tpu.dot_dimension_numbers<[1], [1], [0], [0], [0, 0, 1, 0], [], []>, transpose_lhs_hint = false} : vector<64x4096xbf16>, vector<512x4096xbf16>, vector<64x512xf32> -> vector<64x512xf32>
    %logistic3A = arith.negf %dot_general3A_6 : vector<64x512xf32>
    %logistic3A_7 = math.exp %logistic3A : vector<64x512xf32>
    %logistic3A_8 = arith.constant 1.000000e+00 : f32
    %logistic3A_9 = vector.broadcast %logistic3A_8 : f32 to vector<64x512xf32>
    %logistic3A_10 = arith.addf %logistic3A_9, %logistic3A_7 : vector<64x512xf32>
    %logistic3A_11 = arith.divf %logistic3A_9, %logistic3A_10 : vector<64x512xf32>
    %get3A_12 = arith.constant 0 : index
    %get3A_13 = arith.constant 0 : index
    %get3A_14 = vector.load %arg3[%get3A_12, %get3A_13] : memref<64x1xf32, #tpu.memory_space<vmem>>, vector<64x1xf32>
    %add3A = vector.broadcast %get3A_14 : vector<64x1xf32> to vector<64x512xf32>
    %add3A_15 = arith.addf %logistic3A_11, %add3A : vector<64x512xf32>
    %slice3A = vector.extract_strided_slice %add3A_15 {offsets = [0, 0], sizes = [64, 128], strides = [1, 1]} : vector<64x512xf32> to vector<64x128xf32>
    %swap3A = arith.constant 0 : index
    %swap3A_16 = arith.constant 0 : index
    %swap3A_17 = arith.constant 0 : index
    %swap3A_18 = vector.load %arg4[%swap3A, %swap3A_16, %swap3A_17] : memref<4x64x128xf32, #tpu.memory_space<vmem>>, vector<1x64x128xf32>
    %swap3A_19 = vector.shape_cast %swap3A_18 : vector<1x64x128xf32> to vector<64x128xf32>
    %swap3A_20 = vector.shape_cast %slice3A : vector<64x128xf32> to vector<1x64x128xf32>
    tpu.vector_store %arg4[%swap3A, %swap3A_16, %swap3A_17], %swap3A_20 {strides = array<i32>} : memref<4x64x128xf32, #tpu.memory_space<vmem>>, vector<1x64x128xf32>,
    %slice3A_21 = vector.extract_strided_slice %add3A_15 {offsets = [0, 128], sizes = [64, 128], strides = [1, 1]} : vector<64x512xf32> to vector<64x128xf32>
    %swap3A_22 = arith.constant 1 : index
    %swap3A_23 = arith.constant 0 : index
    %swap3A_24 = arith.constant 0 : index
    %swap3A_25 = vector.load %arg4[%swap3A_22, %swap3A_23, %swap3A_24] : memref<4x64x128xf32, #tpu.memory_space<vmem>>, vector<1x64x128xf32>
    %swap3A_26 = vector.shape_cast %swap3A_25 : vector<1x64x128xf32> to vector<64x128xf32>
    %swap3A_27 = vector.shape_cast %slice3A_21 : vector<64x128xf32> to vector<1x64x128xf32>
    tpu.vector_store %arg4[%swap3A_22, %swap3A_23, %swap3A_24], %swap3A_27 {strides = array<i32>} : memref<4x64x128xf32, #tpu.memory_space<vmem>>, vector<1x64x128xf32>,
    %slice3A_28 = vector.extract_strided_slice %add3A_15 {offsets = [0, 256], sizes = [64, 128], strides = [1, 1]} : vector<64x512xf32> to vector<64x128xf32>
    %swap3A_29 = arith.constant 2 : index
    %swap3A_30 = arith.constant 0 : index
    %swap3A_31 = arith.constant 0 : index
    %swap3A_32 = vector.load %arg4[%swap3A_29, %swap3A_30, %swap3A_31] : memref<4x64x128xf32, #tpu.memory_space<vmem>>, vector<1x64x128xf32>
    %swap3A_33 = vector.shape_cast %swap3A_32 : vector<1x64x128xf32> to vector<64x128xf32>
    %swap3A_34 = vector.shape_cast %slice3A_28 : vector<64x128xf32> to vector<1x64x128xf32>
    tpu.vector_store %arg4[%swap3A_29, %swap3A_30, %swap3A_31], %swap3A_34 {strides = array<i32>} : memref<4x64x128xf32, #tpu.memory_space<vmem>>, vector<1x64x128xf32>,
    %slice3A_35 = vector.extract_strided_slice %add3A_15 {offsets = [0, 384], sizes = [64, 128], strides = [1, 1]} : vector<64x512xf32> to vector<64x128xf32>
    %swap3A_36 = arith.constant 3 : index
    %swap3A_37 = arith.constant 0 : index
    %swap3A_38 = arith.constant 0 : index
    %swap3A_39 = vector.load %arg4[%swap3A_36, %swap3A_37, %swap3A_38] : memref<4x64x128xf32, #tpu.memory_space<vmem>>, vector<1x64x128xf32>
    %swap3A_40 = vector.shape_cast %swap3A_39 : vector<1x64x128xf32> to vector<64x128xf32>
    %swap3A_41 = vector.shape_cast %slice3A_35 : vector<64x128xf32> to vector<1x64x128xf32>
    tpu.vector_store %arg4[%swap3A_36, %swap3A_37, %swap3A_38], %swap3A_41 {strides = array<i32>} : memref<4x64x128xf32, #tpu.memory_space<vmem>>, vector<1x64x128xf32>,
    return
  }
  func.func @transform_0(%arg0: i32) -> (i32, i32) {
    %add3A = arith.constant 8 : i32
    %add3A_0 = arith.addi %arg0, %add3A : i32
    %c0_i32 = arith.constant 0 : i32
    %c0_i32_1 = arith.constant 0 : i32
    return %add3A_0, %c0_i32 : i32, i32
  }
  func.func @transform_1(%arg0: i32) -> (i32, i32) {
    %c0_i32 = arith.constant 0 : i32
    %c0_i32_0 = arith.constant 0 : i32
    %c0_i32_1 = arith.constant 0 : i32
    return %c0_i32, %c0_i32_0 : i32, i32
  }
  func.func @transform_2(%arg0: i32) -> (i32, i32) {
    %c0_i32 = arith.constant 0 : i32
    %c0_i32_0 = arith.constant 0 : i32
    %c0_i32_1 = arith.constant 0 : i32
    return %c0_i32, %c0_i32_0 : i32, i32
  }
  func.func @transform_3(%arg0: i32) -> (i32, i32, i32) {
    %c0_i32 = arith.constant 0 : i32
    %c0_i32_0 = arith.constant 0 : i32
    %c0_i32_1 = arith.constant 0 : i32
    return %arg0, %c0_i32, %c0_i32_0 : i32, i32, i32
  }
}

module attributes {stable_mosaic.version = 14 : i64} {
  func.func @_gate_scores_body(%arg0: i32, %arg1: memref<512x4096xf32, #tpu.memory_space<vmem>>, %arg2: memref<64x4096xf32, #tpu.memory_space<vmem>>, %arg3: memref<64x1xf32, #tpu.memory_space<vmem>>, %arg4: memref<4x64x128xf32, #tpu.memory_space<vmem>>) attributes {dimension_semantics = [#tpu.dimension_semantics<parallel>], iteration_bounds = array<i64: 8>, scalar_prefetch = 0 : i64, scratch_operands = 0 : i64, tpu.core_type = #tpu.core_type<tc>, window_params = [{transform_indices = @transform_0, window_bounds = array<i64: 512, 4096>}, {pipeline_mode = #tpu.pipeline_mode<synchronous>, transform_indices = @transform_1, window_bounds = array<i64: 64, 4096>}, {pipeline_mode = #tpu.pipeline_mode<synchronous>, transform_indices = @transform_2, window_bounds = array<i64: 64, 1>}, {transform_indices = @transform_3, window_bounds = array<i64: 4, 64, 128>}]} {
    %get3A = arith.constant 0 : index
    %get3A_0 = arith.constant 0 : index
    %get3A_1 = vector.load %arg2[%get3A, %get3A_0] : memref<64x4096xf32, #tpu.memory_space<vmem>>, vector<64x4096xf32>
    %convert_element_type3A = arith.truncf %get3A_1 : vector<64x4096xf32> to vector<64x4096xbf16>
    %get3A_2 = arith.constant 0 : index
    %get3A_3 = arith.constant 0 : index
    %get3A_4 = vector.load %arg1[%get3A_2, %get3A_3] : memref<512x4096xf32, #tpu.memory_space<vmem>>, vector<512x4096xf32>
    %convert_element_type3A_5 = arith.truncf %get3A_4 : vector<512x4096xf32> to vector<512x4096xbf16>
    %dot_general3A = arith.constant dense<0.000000e+00> : vector<64x512xf32>
    %dot_general3A_6 = tpu.matmul %convert_element_type3A, %convert_element_type3A_5, %dot_general3A {dimension_numbers = #tpu.dot_dimension_numbers<[1], [1], [0], [0], [0, 0, 1, 0], [], []>, transpose_lhs_hint = false} : vector<64x4096xbf16>, vector<512x4096xbf16>, vector<64x512xf32> -> vector<64x512xf32>
    %logistic3A = arith.negf %dot_general3A_6 : vector<64x512xf32>
    %logistic3A_7 = math.exp %logistic3A : vector<64x512xf32>
    %logistic3A_8 = arith.constant 1.000000e+00 : f32
    %logistic3A_9 = vector.broadcast %logistic3A_8 : f32 to vector<64x512xf32>
    %logistic3A_10 = arith.addf %logistic3A_9, %logistic3A_7 : vector<64x512xf32>
    %logistic3A_11 = arith.divf %logistic3A_9, %logistic3A_10 : vector<64x512xf32>
    %get3A_12 = arith.constant 0 : index
    %get3A_13 = arith.constant 0 : index
    %get3A_14 = vector.load %arg3[%get3A_12, %get3A_13] : memref<64x1xf32, #tpu.memory_space<vmem>>, vector<64x1xf32>
    %add3A = vector.broadcast %get3A_14 : vector<64x1xf32> to vector<64x512xf32>
    %add3A_15 = arith.addf %logistic3A_11, %add3A : vector<64x512xf32>
    %slice3A = vector.extract_strided_slice %add3A_15 {offsets = [0, 0], sizes = [64, 128], strides = [1, 1]} : vector<64x512xf32> to vector<64x128xf32>
    %swap3A = arith.constant 0 : index
    %swap3A_16 = arith.constant 0 : index
    %swap3A_17 = arith.constant 0 : index
    %swap3A_18 = vector.load %arg4[%swap3A, %swap3A_16, %swap3A_17] : memref<4x64x128xf32, #tpu.memory_space<vmem>>, vector<1x64x128xf32>
    %swap3A_19 = vector.shape_cast %swap3A_18 : vector<1x64x128xf32> to vector<64x128xf32>
    %swap3A_20 = vector.shape_cast %slice3A : vector<64x128xf32> to vector<1x64x128xf32>
    tpu.vector_store %arg4[%swap3A, %swap3A_16, %swap3A_17], %swap3A_20 {strides = array<i32>} : memref<4x64x128xf32, #tpu.memory_space<vmem>>, vector<1x64x128xf32>,
    %slice3A_21 = vector.extract_strided_slice %add3A_15 {offsets = [0, 128], sizes = [64, 128], strides = [1, 1]} : vector<64x512xf32> to vector<64x128xf32>
    %swap3A_22 = arith.constant 1 : index
    %swap3A_23 = arith.constant 0 : index
    %swap3A_24 = arith.constant 0 : index
    %swap3A_25 = vector.load %arg4[%swap3A_22, %swap3A_23, %swap3A_24] : memref<4x64x128xf32, #tpu.memory_space<vmem>>, vector<1x64x128xf32>
    %swap3A_26 = vector.shape_cast %swap3A_25 : vector<1x64x128xf32> to vector<64x128xf32>
    %swap3A_27 = vector.shape_cast %slice3A_21 : vector<64x128xf32> to vector<1x64x128xf32>
    tpu.vector_store %arg4[%swap3A_22, %swap3A_23, %swap3A_24], %swap3A_27 {strides = array<i32>} : memref<4x64x128xf32, #tpu.memory_space<vmem>>, vector<1x64x128xf32>,
    %slice3A_28 = vector.extract_strided_slice %add3A_15 {offsets = [0, 256], sizes = [64, 128], strides = [1, 1]} : vector<64x512xf32> to vector<64x128xf32>
    %swap3A_29 = arith.constant 2 : index
    %swap3A_30 = arith.constant 0 : index
    %swap3A_31 = arith.constant 0 : index
    %swap3A_32 = vector.load %arg4[%swap3A_29, %swap3A_30, %swap3A_31] : memref<4x64x128xf32, #tpu.memory_space<vmem>>, vector<1x64x128xf32>
    %swap3A_33 = vector.shape_cast %swap3A_32 : vector<1x64x128xf32> to vector<64x128xf32>
    %swap3A_34 = vector.shape_cast %slice3A_28 : vector<64x128xf32> to vector<1x64x128xf32>
    tpu.vector_store %arg4[%swap3A_29, %swap3A_30, %swap3A_31], %swap3A_34 {strides = array<i32>} : memref<4x64x128xf32, #tpu.memory_space<vmem>>, vector<1x64x128xf32>,
    %slice3A_35 = vector.extract_strided_slice %add3A_15 {offsets = [0, 384], sizes = [64, 128], strides = [1, 1]} : vector<64x512xf32> to vector<64x128xf32>
    %swap3A_36 = arith.constant 3 : index
    %swap3A_37 = arith.constant 0 : index
    %swap3A_38 = arith.constant 0 : index
    %swap3A_39 = vector.load %arg4[%swap3A_36, %swap3A_37, %swap3A_38] : memref<4x64x128xf32, #tpu.memory_space<vmem>>, vector<1x64x128xf32>
    %swap3A_40 = vector.shape_cast %swap3A_39 : vector<1x64x128xf32> to vector<64x128xf32>
    %swap3A_41 = vector.shape_cast %slice3A_35 : vector<64x128xf32> to vector<1x64x128xf32>
    tpu.vector_store %arg4[%swap3A_36, %swap3A_37, %swap3A_38], %swap3A_41 {strides = array<i32>} : memref<4x64x128xf32, #tpu.memory_space<vmem>>, vector<1x64x128xf32>,
    return
  }
  func.func @transform_0(%arg0: i32) -> (i32, i32) {
    %add3A = arith.constant 0 : i32
    %add3A_0 = arith.addi %arg0, %add3A : i32
    %c0_i32 = arith.constant 0 : i32
    %c0_i32_1 = arith.constant 0 : i32
    return %add3A_0, %c0_i32 : i32, i32
  }
  func.func @transform_1(%arg0: i32) -> (i32, i32) {
    %c0_i32 = arith.constant 0 : i32
    %c0_i32_0 = arith.constant 0 : i32
    %c0_i32_1 = arith.constant 0 : i32
    return %c0_i32, %c0_i32_0 : i32, i32
  }
  func.func @transform_2(%arg0: i32) -> (i32, i32) {
    %c0_i32 = arith.constant 0 : i32
    %c0_i32_0 = arith.constant 0 : i32
    %c0_i32_1 = arith.constant 0 : i32
    return %c0_i32, %c0_i32_0 : i32, i32
  }
  func.func @transform_3(%arg0: i32) -> (i32, i32, i32) {
    %c0_i32 = arith.constant 0 : i32
    %c0_i32_0 = arith.constant 0 : i32
    %c0_i32_1 = arith.constant 0 : i32
    return %arg0, %c0_i32, %c0_i32_0 : i32, i32, i32
  }
}

</mosaic_0001>

<sc_bundles>
// kernel: kernel.6.cloned.1.call-start
scs
__scs_entry_jumppad:
0x0: {  	(pc) =	sbr.rel $0x88, $3  }
0x1: {  	(tag) =	ssettag $0x0;
	lr =	simm.s32 $0x1  }
0x2: {  	[smem:$0x3F9E] =	sst lr;
	_ =	strace $0xD0000000  }
0x3: {  	_ = 	snop  }
0x4: {  	_ = 	snop  }
0x5: {  	_ = 	snop  }
0x6: {  	_ = 	snop  }
0x7: {  	_ = 	snop  }
__scs_overlays_trampoline_lowered:
0x8: {  	[smem:$0x3FAD] =	sst s0  }
0x9: {  	[smem:$0x3FAE] =	sst s1  }
0xa: {  	[smem:$0x3FAF] =	sst s2  }
0xb: {  	[smem:$0x3FB0] =	sst s3  }
0xc: {  	[smem:$0x3FB1] =	sst s4  }
0xd: {  	[smem:$0x3FB2] =	sst s5  }
0xe: {  	[smem:$0x3FB3] =	sst s6  }
0xf: {  	[smem:$0x3FB4] =	sst s7  }
0x10: {  	[smem:$0x3FB5] =	sst s8  }
0x11: {  	[smem:$0x3FB6] =	sst s9;
	s0 =	simm.s32 @!p0 $0x0  }
0x12: {  	s1 =	sld [smem:$0x3F9C];
	s0 =	simm.s32 @p0 $0x1  }
0x13: {  	[smem:$0x3FB7] =	sst s0;
	s0 =	simm.s32 @!p1 $0x0  }
0x14: {  	s2 =	sld [smem:$0x3F9B];
	s0 =	simm.s32 @p1 $0x1  }
0x15: {  	[smem:$0x3FB8] =	sst s0;
	s0 =	simm.s32 @!p2 $0x0  }
0x16: {  	s3 =	sld [smem:$0x3FDB];
	s0 =	simm.s32 @p2 $0x1  }
0x17: {  	s4 =	simm.s32 $0x1BF5;
	[smem:$0x3FBA] =	sst s0  }
0x18: {  	s0 =	sld [smem:$0x3F9D];
	_ =	swait.ge [sflag:s4], $0x0  }
0x19: {  	s7 =	sld [smem:$0x3F9E]  }
0x1a: {  	s8 =	sadd.s32 $0xFFFFE003, lr  }
0x1b: {  	s9 =	sadd.s32 $0xFFFFFEF7, lr;
	s5 =	simm.s32 $0xFFFFFFFF;
	p2 =	slt.u32 s8, $0xFFFFF086  }
0x1c: {  	p1 =	slt.u32 s9, $0xF7A;
	s5 =	simm.s32 @!p2 $0x0  }
0x1d: {  	s5 =	simm.s32 @p1 $0x1;
	p0 =	seq.s32 s7, s2  }
0x1e: {  	s7 =	smul.u32 @!p0 $0xF7A, s2;
	p2 =	seq.s32 @!p0 s5, $0x0  }
0x1f: {  	s9 =	smul.u32 $0xF7A, s1;
	s8 =	simm.s32 @!p0 $0x1BF5;
	p2 =	por !p2, p0  }
0x20: {  	[sflag:s8] =	ssyncset.s32 @!p0 $0xFFFFF086;
	s6 =	sadd.s32 @!p0 s3, s7;
	s7 =	simm.s32 @!p0 $0x108  }
0x21: {  	s3 =	sadd.s32 s3, s9;
	s6 =	sadd.s32 @!p0 $0x88, s6;
	s7 =	simm.s32 @p2 $0x1082  }
0x22: {  	[simem:s7], [sflag:s8] =	dma.local @!p0 [hbm:s6], $0xF7A  }
0x23: {  	s9 =	sor.u32 $0xD0000000, s2;
	s6 =	simm.s32 $0x108;
	_ =	swait.ge @!p0 [sflag:s8], $0x0  }
0x24: {  	s3 =	sadd.s32 $0x88, s3;
	s6 =	simm.s32 @!p1 $0x1082;
	[sflag:s4] =	ssyncset.s32 $0xFFFFF086  }
0x25: {  	[simem:s6], [sflag:s4] =	dma.local [hbm:s3], $0xF7A  }
0x26: {  	[smem:$0x3F9E] =	sst s1;
	(tag) =	ssettag s2;
	_ =	strace s9  }
0x27: {  	s1 =	sld [smem:$0x3FAE]  }
0x28: {  	s2 =	sld [smem:$0x3FAF]  }
0x29: {  	s4 =	sld [smem:$0x3FB1]  }
0x2a: {  	p0 =	seq.s32 s5, $0x0;
	s5 =	sld [smem:$0x3FB2]  }
0x2b: {  	s6 =	sld [smem:$0x3FB3]  }
0x2c: {  	s7 =	sld [smem:$0x3FB4]  }
0x2d: {  	s3 =	simm.s32 $0x108;
	s8 =	sld [smem:$0x3FB5]  }
0x2e: {  	s3 =	simm.s32 @!p0 $0x1082;
	s9 =	sld [smem:$0x3FB6]  }
0x2f: {  	lr =	sadd.s32 s0, s3;
	s0 =	sld [smem:$0x3FAD]  }
0x30: {  	s3 =	sld [smem:$0x3FB0]  }
0x31: {  	[smem:$0x3FB9] =	sst s10  }
0x32: {  	s10 =	sld [smem:$0x3FB7];
	_ =	sdelay $0x3  }
0x33: {  	p0 =	seq.s32 s10, $0x1;
	s10 =	sld [smem:$0x3FB9];
	_ =	sdelay $0x3  }
0x34: {  	[smem:$0x3FB9] =	sst s10  }
0x35: {  	s10 =	sld [smem:$0x3FB8];
	_ =	sdelay $0x3  }
0x36: {  	p1 =	seq.s32 s10, $0x1;
	s10 =	sld [smem:$0x3FB9];
	_ =	sdelay $0x3  }
0x37: {  	[smem:$0x3FB9] =	sst s10  }
0x38: {  	s10 =	sld [smem:$0x3FBA]  }
0x39: {  	_ = 	snop;
	(pc) =	sbr.ind lr, $3  }
0x3a: {  	_ = 	snop  }
0x3b: {  	_ = 	snop  }
0x3c: {  	p2 =	seq.s32 s10, $0x1;
	s10 =	sld [smem:$0x3FB9]  }
0x3d: {  	_ =	shalt  }
0x3e: {  	_ =	shalt  }
0x3f: {  	_ =	shalt  }
0x40: {  	_ =	shalt  }
0x41: {  	_ =	shalt  }
0x42: {  	_ =	shalt  }
0x43: {  	_ =	shalt  }
0x44: {  	_ =	shalt  }
0x45: {  	_ =	shalt  }
0x46: {  	_ =	shalt  }
0x47: {  	_ =	shalt  }
0x48: {  	_ =	shalt  }
0x49: {  	_ =	shalt  }
0x4a: {  	_ =	shalt  }
0x4b: {  	_ =	shalt  }
0x4c: {  	_ =	shalt  }
0x4d: {  	_ =	shalt  }
0x4e: {  	_ =	shalt  }
0x4f: {  	_ =	shalt  }
0x50: {  	_ =	shalt  }
0x51: {  	_ =	shalt  }
0x52: {  	_ =	shalt  }
0x53: {  	_ =	shalt  }
0x54: {  	_ =	shalt  }
0x55: {  	_ =	shalt  }
0x56: {  	_ =	shalt  }
0x57: {  	_ =	shalt  }
0x58: {  	_ =	shalt  }
0x59: {  	_ =	shalt  }
0x5a: {  	_ =	shalt  }
0x5b: {  	_ =	shalt  }
0x5c: {  	_ =	shalt  }
0x5d: {  	_ =	shalt  }
0x5e: {  	_ =	shalt  }
0x5f: {  	_ =	shalt  }
0x60: {  	_ =	shalt  }
0x61: {  	_ =	shalt  }
0x62: {  	_ =	shalt  }
0x63: {  	_ =	shalt  }
0x64: {  	_ =	shalt  }
0x65: {  	_ =	shalt  }
0x66: {  	_ =	shalt  }
0x67: {  	_ =	shalt  }
0x68: {  	_ =	shalt  }
0x69: {  	_ =	shalt  }
0x6a: {  	_ =	shalt  }
0x6b: {  	_ =	shalt  }
0x6c: {  	_ =	shalt  }
0x6d: {  	_ =	shalt  }
0x6e: {  	_ =	shalt  }
0x6f: {  	_ =	shalt  }
0x70: {  	_ =	shalt  }
0x71: {  	_ =	shalt  }
0x72: {  	_ =	shalt  }
0x73: {  	_ =	shalt  }
0x74: {  	_ =	shalt  }
0x75: {  	_ =	shalt  }
0x76: {  	_ =	shalt  }
0x77: {  	_ =	shalt  }
0x78: {  	_ =	shalt  }
0x79: {  	_ =	shalt  }
0x7a: {  	_ =	shalt  }
0x7b: {  	_ =	shalt  }
0x7c: {  	_ =	shalt  }
0x7d: {  	_ =	shalt  }
0x7e: {  	_ =	shalt  }
0x7f: {  	_ =	shalt  }
0x80: {  	_ =	shalt  }
0x81: {  	_ =	shalt  }
0x82: {  	_ =	shalt  }
0x83: {  	_ =	shalt  }
0x84: {  	_ =	shalt  }
0x85: {  	_ =	shalt  }
0x86: {  	_ =	shalt  }
0x87: {  	_ =	shalt  }
.Lfunc_end0:
.L_simem_size_0:
called_computation_lowered:
.L_overlay_start_0:
0x88: {  	s2 =	sld [smem:$0x3FD9]  }
0x89: {  	s3 =	sld [smem:$0x3FFE];
	_ =	sdelay $0x1  }
0x8a: {  	s1 =	srdreg.scid  }
0x8b: {  	s0 =	sand.u32 $0x1, s1  }
0x8c: {  	s16 =	sshll.u32 s0, $0xA;
	s2 =	sadd.s32 s3, s2  }
0x8d: {  	s2 =	sadd.s32 s2, s16  }
0x8e: {  	[smem:$0x3FC5] =	sst s2  }
0x8f: {  	_ = 	snop  }
0x90: {  	(tm) =	ssettm $0x1  }
0x91: {  	s17 =	sld [smem:$0x3FFB];
	_ =	sdelay $0x3  }
0x92: {  	_ =	strace s17  }
0x93: {  	s2 =	sld [smem:$0x3FFC];
	_ =	sdelay $0x3  }
0x94: {  	_ =	strace s2  }
0x95: {  	s2 =	sld [smem:$0x3FFD];
	_ =	sdelay $0x3  }
0x96: {  	_ =	strace s2  }
0x97: {  	_ =	strace $0x8FFFFFFF  }
0x98: {  	s18 =	sld [smem:$0x3FDB];
	_ =	sdelay $0x1  }
0x99: {  	s19 =	simm.s32 $_scs_section_size  }
0x9a: {  	s4 =	simm.s32 $_size__tile_overlayer_lowered;
	s5 =	simm.s32 $_tile_overlayer_lowered  }
0x9b: {  	s22 =	simm.s32 $0x1BFF;
	s21 =	sshll.u32 s5, $0x1;
	s2 =	sadd.s32 s19, s18  }
0x9c: {  	s6 =	simm.s32 $0x0;
	s20 =	sshll.u32 s4, $0x1;
	s4 =	sadd.s32 s21, s2  }
0x9d: {  	[timem:s6], [sflag:s22] =	dma.local [hbm:s4], s20  }
0x9e: {  	_ =	swait.ge [sflag:s22], s20  }
0x9f: {  	s3 =	ssub.s32 $0x0, s20;
	[sflag:s22] =	ssyncset.done $0x0  }
0xa0: {  	[sflag:s22] =	ssyncadd.s32 s3;
	_ =	sdelay $0x1  }
0xa1: {  	s23 =	simm.s32 $0x1B8B  }
0xa2: {  	_ =	swait.ge [sflag:s23], $0x1  }
0xa3: {  	[sflag:s23] =	ssyncset.done $0x0  }
0xa4: {  	s25 =	simm.s32 $0x1B8E;
	s24 =	sld [smem:$0x3FFE];
	[sflag:s23] =	ssyncadd.s32 $0xFFFFFFFF  }
0xa5: {  	s26 =	simm.s32 $execute0_lowered;
	[smem:$0x3FD2] =	sst s25  }
0xa6: {  	s4 =	sshll.u32 s26, $0x1;
	_ =	strace $0x80000046;
	[dreg:$0x1] =	wrdreg $0xFFFFFFFF  }
0xa7: {  	s28 =	simm.s32 $_size_execute0_lowered;
	s2 =	sadd.s32 s2, s4;
	[dreg:$0x0] =	wrdreg $0x0  }
0xa8: {  	s4 =	sshll.u32 s28, $0x1;
	[dreg:$0x2] =	wrdreg s2  }
0xa9: {  	[dreg:$0x3] =	wrdreg s4  }
0xaa: {  	[dreg:$0x4] =	wrdreg $0xC0  }
0xab: {  	_ =	task [dreg:s6], $0x5FFFF  }
0xac: {  	[dreg:$0x1] =	wrdreg $0xFFFFFFFF  }
0xad: {  	[dreg:$0x0] =	wrdreg $0x60  }
0xae: {  	[dreg:$0x2] =	wrdreg s24  }
0xaf: {  	[dreg:$0x3] =	wrdreg $0x9  }
0xb0: {  	_ =	task.clear_ibuf [dreg:s6], $0x4FFFF;
	_ =	strace $0x90000046  }
0xb1: {  	s29 =	simm.s32 $0x9;
	_ =	strace $0x80000048  }
0xb2: {  	_ =	swait.ge [sflag:s29], $0x1  }
0xb3: {  	[sflag:s29] =	ssyncadd.s32 $0xFFFFFFFF  }
0xb4: {  	_ =	strace $0x90000048  }
0xb5: {  	_ =	sfence  }
0xb6: {  	s30 =	sld [smem:$0x0];
	_ =	sdelay $0x2  }
0xb7: {  	s31 =	sshll.u32 s1, $0xD;
	s1 =	sshrl.u32 s1, $0x2  }
0xb8: {  	s3 =	sand.u32 $0x4000, s31;
	s1 =	sadd.s32 s1, s30  }
0xb9: {  	s0 =	sor.u32 s3, s0;
	s1 =	sshll.u32 s1, $0x11  }
0xba: {  	s0 =	sor.u32 s1, s0  }
0xbb: {  	s0 =	sadd.s32 $0x8F2B, s0  }
0xbc: {  	[sflag:s0] =	ssyncadd.remote.s32 $0x1  }
0xbd: {  	_ =	sfence.sel $0xFFFF  }
0xbe: {  	[dreg:$0x0] =	wrdreg $0xFFFFFFFF;
	(pc) =	sbr.abs _section_cstart, $3  }
0xbf: {  	[dreg:$0x1] =	wrdreg $0xFFFFFFFF  }
0xc0: {  	_ =	task.clear_ibuf [dreg:s6], $0x2FFFF;
	_ =	strace $0x9FFFFFFF  }
0xc1: {  	(tm) =	ssettm $0x7FFFFFFF  }
tec
execute0_lowered:
.L_overlay_start_1:
0x0: {  	(tag) =	ssettag $0x1  }
0x1: {  	s3 =	rddreg [dreg:$0x0]  }
0x2: {  	s0 =	rddreg [dreg:$0x1];
	s4 =	srdreg.scid  }
0x3: {  	s1 =	stileid.u32;
	s2 =	simm.s32 $0x0;
	s8 =	simm.s32 $0x2000  }
0x4: {  	s9 =	simm.s32 $0x2400;
	s10 =	simm.s32 $0x1;
	s11 =	simm.s32 $0x2  }
0x5: {  	s4 =	sand.u32 $0x1, s4;
	s5 =	sshll.u32 s1, $0x1;
	[smem:$0x7FF] =	sst s2  }
0x6: {  	s12 =	simm.s32 $0x0;
	s5 =	sor.u32 s4, s5;
	_ =	strace $0x80000047  }
0x7: {  	s4 =	ssub.s32 $0x2, s4;
	s6 =	sshll.u32 s5, $0xA;
	s5 =	sshll.u32 s5, $0x7  }
0x8: {  	s7 =	sshrl.u32 s4, $0x1;
	s6 =	sadd.s32 s6, s3;
	s5 =	sadd.s32 s5, s3  }
0x9: {  	s7 =	ssub.s32 s4, s7;
	s3 =	sadd.s32 $0x1A00, s6;
	s4 =	sadd.s32 $0x9A00, s5  }
0xa: {  	v0 =	vlaneseq.u32;
	s5 =	sadd.s32 $0xAA00, s5;
	s6 =	smax.u32 s7, $0x1;
	s7 =	simm.s32 $0x3  }
.LBB2_1:
0xb: {  	[tilespmem:s2], [sflag:$0x3] =	stream.linear.gather [hbm4b:s3+s2], $0x2000, $0x38;
	[tilespmem:$0x2800] =	vst v63  }
0xc: {  	_ =	swait.ge [sflag:s7], $0x2000  }
0xd: {  	[sflag:s7] =	ssyncset.done $0x0  }
0xe: {  	s13 =	simm.s32 $0x1000;
	s14 =	simm.s32 $0x0;
	[sflag:s7] =	ssyncadd.s32 $0xFFFFE000  }
.LBB2_2:
0xf: {  	v1 =	vld [tilespmem:s13+$0xFFFFF000]  }
0x10: {  	v2 =	vld [tilespmem:s13+$0xFFFFF080]  }
0x11: {  	v3 =	vld [tilespmem:s13+$0xFFFFF100]  }
0x12: {  	v4 =	vld [tilespmem:s13+$0xFFFFF180]  }
0x13: {  	v5 =	vld [tilespmem:s13+$0xFFFFF200]  }
0x14: {  	v6 =	vld [tilespmem:s13+$0xFFFFF280]  }
0x15: {  	v7 =	vld [tilespmem:s13+$0xFFFFF300]  }
0x16: {  	v8 =	vld [tilespmem:s13+$0xFFFFF380]  }
0x17: {  	v9 =	vld [tilespmem:s13+$0xFFFFF400]  }
0x18: {  	v10 =	vld [tilespmem:s13+$0xFFFFF480]  }
0x19: {  	v11 =	vld [tilespmem:s13+$0xFFFFF500]  }
0x1a: {  	v12 =	vld [tilespmem:s13+$0xFFFFF580]  }
0x1b: {  	v13 =	vld [tilespmem:s13+$0xFFFFF600]  }
0x1c: {  	v14 =	vld [tilespmem:s13+$0xFFFFF680]  }
0x1d: {  	v15 =	vld [tilespmem:s13+$0xFFFFF700]  }
0x1e: {  	v16 =	vld [tilespmem:s13+$0xFFFFF780]  }
0x1f: {  	v17 =	vld [tilespmem:s13+$0xFFFFF800]  }
0x20: {  	v18 =	vld [tilespmem:s13+$0xFFFFF880]  }
0x21: {  	v19 =	vld [tilespmem:s13+$0xFFFFF900]  }
0x22: {  	v20 =	vld [tilespmem:s13+$0xFFFFF980]  }
0x23: {  	v21 =	vld [tilespmem:s13+$0xFFFFFA00]  }
0x24: {  	v22 =	vld [tilespmem:s13+$0xFFFFFA80]  }
0x25: {  	v23 =	vld [tilespmem:s13+$0xFFFFFB00]  }
0x26: {  	v24 =	vld [tilespmem:s13+$0xFFFFFB80]  }
0x27: {  	v25 =	vld [tilespmem:s13+$0xFFFFFC00]  }
0x28: {  	v26 =	vld [tilespmem:s13+$0xFFFFFC80]  }
0x29: {  	v27 =	vld [tilespmem:s13+$0xFFFFFD00]  }
0x2a: {  	v28 =	vld [tilespmem:s13+$0xFFFFFD80]  }
0x2b: {  	v29 =	vld [tilespmem:s13+$0xFFFFFE00]  }
0x2c: {  	v30 =	vld [tilespmem:s13+$0xFFFFFE80]  }
0x2d: {  	v31 =	vld [tilespmem:s13+$0xFFFFFF00]  }
0x2e: {  	v32 =	vld [tilespmem:s13+$0xFFFFFF80]  }
0x2f: {  	v33 =	vld [tilespmem:s13+$0x0]  }
0x30: {  	v34 =	vld [tilespmem:s13+$0x80]  }
0x31: {  	v35 =	vld [tilespmem:s13+$0x100]  }
0x32: {  	v36 =	vld [tilespmem:s13+$0x180]  }
0x33: {  	v37 =	vld [tilespmem:s13+$0x200]  }
0x34: {  	v38 =	vld [tilespmem:s13+$0x280]  }
0x35: {  	v39 =	vld [tilespmem:s13+$0x300]  }
0x36: {  	v40 =	vld [tilespmem:s13+$0x380]  }
0x37: {  	v41 =	vld [tilespmem:s13+$0x400]  }
0x38: {  	v42 =	vld [tilespmem:s13+$0x480]  }
0x39: {  	v43 =	vld [tilespmem:s13+$0x500]  }
0x3a: {  	v44 =	vld [tilespmem:s13+$0x580]  }
0x3b: {  	v50 =	vld [tilespmem:s13+$0xC00]  }
0x3c: {  	v51 =	vld [tilespmem:s13+$0xC80];
	v1 =	vmax.f32 v1, v2;
	v2 =	vmax.f32 v9, v10  }
0x3d: {  	v45 =	vld [tilespmem:s13+$0x600];
	v1 =	vmax.f32 v1, v3;
	v2 =	vmax.f32 v2, v11  }
0x3e: {  	v59 =	vld [tilespmem:s13+$0x800];
	v1 =	vmax.f32 v1, v4;
	v2 =	vmax.f32 v2, v12  }
0x3f: {  	v61 =	vld [tilespmem:s13+$0x880];
	v1 =	vmax.f32 v1, v5;
	v2 =	vmax.f32 v2, v13  }
0x40: {  	v62 =	vld [tilespmem:s13+$0x900];
	v60 =	vmax.f32 v17, v18;
	v1 =	vmax.f32 v1, v6;
	v2 =	vmax.f32 v2, v14  }
0x41: {  	v52 =	vld [tilespmem:s13+$0xD00];
	v58 =	vmax.f32 v50, v51;
	v1 =	vmax.f32 v1, v7;
	v2 =	vmax.f32 v2, v15  }
0x42: {  	v63 =	vld [tilespmem:s13+$0x980];
	v6 =	vmax.f32 v60, v19;
	v1 =	vmax.f32 v1, v8;
	v2 =	vmax.f32 v2, v16  }
0x43: {  	v53 =	vld [tilespmem:s13+$0xD80];
	v11 =	vor.u32 $0x7, v1;
	v1 =	vand.u32 $0xFFFFFFF8, v2;
	v2 =	vmax.f32 v25, v26  }
0x44: {  	v47 =	vld [tilespmem:s13+$0xA80];
	v46 =	vor.u32 $0x6, v1;
	v1 =	vmax.f32 v2, v27;
	v2 =	vmax.f32 v33, v34  }
0x45: {  	v48 =	vld [tilespmem:s13+$0xB00];
	v6 =	vmax.f32 v6, v20;
	v1 =	vmax.f32 v1, v28;
	v2 =	vmax.f32 v2, v35  }
0x46: {  	v49 =	vld [tilespmem:s13+$0xB80];
	v7 =	vmax.f32 v58, v52;
	v1 =	vmax.f32 v1, v29;
	v2 =	vmax.f32 v2, v36  }
0x47: {  	v55 =	vld [tilespmem:s13+$0xE00];
	v6 =	vmax.f32 v6, v21;
	v1 =	vmax.f32 v1, v30;
	v2 =	vmax.f32 v2, v37  }
0x48: {  	v57 =	vld [tilespmem:s13+$0xE80];
	v7 =	vmax.f32 v7, v53;
	v1 =	vmax.f32 v1, v31;
	v2 =	vmax.f32 v2, v38  }
0x49: {  	v9 =	vld [tilespmem:s13+$0x680];
	v6 =	vmax.f32 v6, v22;
	v1 =	vmax.f32 v1, v32;
	v2 =	vmax.f32 v2, v39  }
0x4a: {  	v26 =	vld [tilespmem:s13+$0xA00];
	v6 =	vmax.f32 v6, v23;
	v1 =	vand.u32 $0xFFFFFFF8, v1;
	v2 =	vmax.f32 v2, v40  }
0x4b: {  	v3 =	vld [tilespmem:s13+$0x700];
	v54 =	vor.u32 $0x4, v1;
	v1 =	vand.u32 $0xFFFFFFF8, v2;
	v2 =	vmax.f32 v41, v42  }
0x4c: {  	v4 =	vld [tilespmem:s13+$0x780];
	v56 =	vor.u32 $0x3, v1;
	v1 =	vmax.f32 v2, v43;
	v2 =	vmax.f32 v59, v61  }
0x4d: {  	v6 =	vmax.f32 v6, v24;
	v59 =	vld [tilespmem:s13+$0xF00];
	v1 =	vmax.f32 v1, v44;
	v2 =	vmax.f32 v2, v62  }
0x4e: {  	v60 =	vld [tilespmem:s13+$0xF80];
	v6 =	vand.u32 $0xFFFFFFF8, v6;
	v1 =	vmax.f32 v1, v45;
	v2 =	vmax.f32 v2, v63  }
0x4f: {  	v6 =	vor.u32 $0x5, v6;
	v1 =	vmax.f32 v1, v9;
	v2 =	vmax.f32 v2, v26  }
0x50: {  	v1 =	vmax.f32 v1, v3;
	v2 =	vmax.f32 v2, v47;
	v3 =	vmax.f32 v7, v55  }
0x51: {  	v1 =	vmax.f32 v1, v4;
	v2 =	vmax.f32 v2, v48;
	v3 =	vmax.f32 v3, v57  }
0x52: {  	v1 =	vand.u32 $0xFFFFFFF8, v1;
	v2 =	vmax.f32 v2, v49;
	v3 =	vmax.f32 v3, v59  }
0x53: {  	v61 =	vor.u32 $0x2, v1;
	v1 =	vand.u32 $0xFFFFFFF8, v2;
	v2 =	vmax.f32 v3, v60  }
0x54: {  	v62 =	vmax.f32 v11, v46;
	v3 =	vor.u32 $0x1, v1;
	v2 =	vand.u32 $0xFFFFFFF8, v2  }
0x55: {  	v63 =	vmax.f32 v6, v54;
	v20 =	vmax.f32 v56, v61;
	v22 =	vmax.f32 v3, v2  }
0x56: {  	v24 =	vmax.f32 v62, v63;
	v25 =	vmax.f32 v20, v22  }
0x57: {  	v1 =	vmax.f32 v24, v25  }
0x58: {  	v1 =	vshll.u32 v1, $0x3  }
0x59: {  	v26 =	vand.u32 $0x38, v1  }
0x5a: {  	v1 =	vor.u32 s14, v0;
	v27 =	vshll.u32 v26, $0x7  }
0x5b: {  	v11 =	vmin.f32 v11, v46;
	v6 =	vmin.f32 v6, v54;
	v28 =	vor.u32 v1, v27  }
0x5c: {  	v31 =	vmax.f32 v11, v6;
	v15 =	vsub.s32 v1, v27;
	v29 =	vxor.u32 $0x1C00, v28  }
0x5d: {  	v6 =	vmin.f32 v11, v6;
	v4 =	vmin.f32 v56, v61;
	v30 =	vadd.s32 $0x1C80, v15  }
0x5e: {  	v2 =	vmin.f32 v3, v2;
	v3 =	vmin.f32 v62, v63;
	v32 =	vadd.s32 $0x1D00, v15  }
0x5f: {  	v8 =	vmin.f32 v20, v22;
	v33 =	vmax.f32 v4, v2;
	v34 =	vadd.s32 $0x1D80, v15  }
0x60: {  	v2 =	vmin.f32 v4, v2;
	v35 =	vmax.f32 v31, v3;
	v36 =	vadd.s32 $0x1E00, v15  }
0x61: {  	v3 =	vmin.f32 v31, v3;
	v37 =	vmax.f32 v33, v8;
	v38 =	vadd.s32 $0x1E80, v15;
	v16 =	vld.idx.msk [tilespmem:v29+s2+$0x0], $0xffff  }
0x62: {  	v8 =	vmin.f32 v33, v8;
	v39 =	vmin.f32 v24, v25;
	v40 =	vadd.s32 $0x1F00, v15;
	v5 =	vld.idx.msk [tilespmem:v30+s2+$0x0], $0xffff  }
0x63: {  	v2 =	vmax.f32 v6, v2;
	v41 =	vmax.f32 v35, v37;
	v4 =	vmin.f32 v35, v37;
	v11 =	vld.idx.msk [tilespmem:v32+s2+$0x0], $0xffff  }
0x64: {  	v43 =	vmax.f32 v3, v8;
	v3 =	vmin.f32 v3, v8;
	v45 =	vmax.f32 v41, v39;
	v44 =	vld.idx.msk [tilespmem:v34+s2+$0x0], $0xffff  }
0x65: {  	v2 =	vmax.f32 v2, v3;
	v57 =	vshll.u32 v45, $0x3;
	v42 =	vxor.u32 $0x1F80, v28;
	v3 =	vld.idx.msk [tilespmem:v36+s2+$0x0], $0xffff  }
0x66: {  	v6 =	vmin.f32 v41, v39;
	v2 =	vmax.f32 v2, v4;
	v59 =	vand.u32 $0x38, v57;
	v47 =	vld.idx.msk [tilespmem:v38+s2+$0x0], $0xffff  }
0x67: {  	v15 =	vmax.f32 v43, v6;
	v6 =	vmin.f32 v43, v6;
	v61 =	vshll.u32 v59, $0x7;
	v49 =	vld.idx.msk [tilespmem:v40+s2+$0x0], $0xffff  }
0x68: {  	v10 =	vmax.f32 v2, v6;
	v63 =	vor.u32 v1, v61;
	v15 =	vshll.u32 v15, $0x3  }
0x69: {  	v24 =	vxor.u32 $0x1C00, v63;
	v37 =	vxor.u32 $0x1F80, v63;
	v10 =	vshll.u32 v10, $0x3  }
0x6a: {  	v10 =	vand.u32 $0x38, v10;
	v51 =	vld.idx.msk [tilespmem:v42+s2+$0x0], $0xffff;
	v46 =	vand.u32 $0xFFFFFFC0, v16;
	v5 =	vand.u32 $0xFFFFFFC0, v5  }
0x6b: {  	v52 =	vand.u32 $0xFFFFFFC0, v11;
	v8 =	vand.u32 $0xFFFFFFC0, v44;
	v3 =	vand.u32 $0xFFFFFFC0, v3  }
0x6c: {  	v9 =	vand.u32 $0xFFFFFFC0, v47;
	v7 =	vand.u32 $0xFFFFFFC0, v49;
	v48 =	vor.u32 v26, v46  }
0x6d: {  	v50 =	vor.u32 v26, v5;
	v6 =	vor.u32 v26, v52;
	v8 =	vor.u32 v26, v8  }
0x6e: {  	v3 =	vor.u32 v26, v3;
	v9 =	vor.u32 v26, v9;
	v7 =	vor.u32 v26, v7  }
0x6f: {  	v5 =	vand.u32 $0xFFFFFFC0, v51;
	v2 =	vor.u32 $0x7, v48;
	v4 =	vor.u32 $0x6, v50  }
0x70: {  	v6 =	vor.u32 $0x5, v6;
	v8 =	vor.u32 $0x4, v8;
	v3 =	vor.u32 $0x3, v3  }
0x71: {  	v9 =	vor.u32 $0x2, v9;
	v7 =	vor.u32 $0x1, v7;
	v5 =	vor.u32 v26, v5  }
0x72: {  	v53 =	vmax.f32 v2, v4;
	v2 =	vmin.f32 v2, v4;
	v54 =	vmax.f32 v6, v8  }
0x73: {  	v6 =	vmin.f32 v6, v8;
	v55 =	vmax.f32 v3, v9;
	v3 =	vmin.f32 v3, v9  }
0x74: {  	v56 =	vmax.f32 v7, v5;
	v5 =	vmin.f32 v7, v5;
	v58 =	vmax.f32 v53, v54  }
0x75: {  	v4 =	vmin.f32 v53, v54;
	v60 =	vmax.f32 v2, v6;
	v2 =	vmin.f32 v2, v6  }
0x76: {  	v62 =	vmax.f32 v55, v56;
	v8 =	vmin.f32 v55, v56;
	v6 =	vsub.s32 v1, v61  }
0x77: {  	v23 =	vmax.f32 v3, v5;
	v5 =	vmin.f32 v3, v5;
	v26 =	vadd.s32 $0x1C80, v6  }
0x78: {  	v16 =	vld.idx.msk [tilespmem:v24+s2+$0x0], $0xffff;
	v54 =	vand.u32 $0x38, v15;
	v25 =	vmax.f32 v60, v4;
	v28 =	vadd.s32 $0x1D00, v6  }
0x79: {  	v4 =	vmin.f32 v60, v4;
	v27 =	vmax.f32 v23, v8;
	v29 =	vadd.s32 $0x1D80, v6  }
0x7a: {  	v8 =	vmin.f32 v23, v8;
	v3 =	vmax.f32 v58, v62;
	v31 =	vadd.s32 $0x1E00, v6  }
0x7b: {  	v49 =	vld.idx.msk [tilespmem:v37+s2+$0x0], $0xffff;
	v12 =	vmin.f32 v58, v62;
	v30 =	vmax.f32 v2, v5;
	v33 =	vadd.s32 $0x1E80, v6  }
0x7c: {  	v2 =	vmin.f32 v2, v5;
	v35 =	vadd.s32 $0x1F00, v6;
	v56 =	vshll.u32 v54, $0x7;
	v18 =	vld.idx.msk [tilespmem:v26+s2+$0x0], $0xffff  }
0x7d: {  	v16 =	vand.u32 $0xFFFFFFC0, v16;
	v32 =	vmax.f32 v25, v27;
	v58 =	vor.u32 v1, v56;
	v19 =	vld.idx.msk [tilespmem:v28+s2+$0x0], $0xffff  }
0x7e: {  	v7 =	vmin.f32 v25, v27;
	v34 =	vmax.f32 v4, v8;
	v60 =	vxor.u32 $0x1C00, v58;
	v40 =	vld.idx.msk [tilespmem:v29+s2+$0x0], $0xffff  }
0x7f: {  	v36 =	vmin.f32 v4, v8;
	v45 =	vor.u32 v59, v16;
	v4 =	vmax.f32 v32, v12;
	v43 =	vld.idx.msk [tilespmem:v31+s2+$0x0], $0xffff  }
0x80: {  	v38 =	vmin.f32 v32, v12;
	v39 =	vmax.f32 v30, v36;
	v5 =	vmin.f32 v30, v36;
	v44 =	vld.idx.msk [tilespmem:v33+s2+$0x0], $0xffff  }
0x81: {  	v13 =	vor.u32 $0x7, v45;
	v22 =	vxor.u32 $0x1F80, v58;
	v6 =	vmax.f32 v34, v38;
	v47 =	vld.idx.msk [tilespmem:v35+s2+$0x0], $0xffff  }
0x82: {  	v41 =	vmin.f32 v34, v38;
	v42 =	vmax.f32 v39, v7;
	v7 =	vmin.f32 v39, v7  }
0x83: {  	v8 =	vmax.f32 v42, v41;
	v9 =	vmin.f32 v42, v41;
	v23 =	vld.idx.msk [tilespmem:v60+s2+$0x0], $0xffff;
	v60 =	vshll.u32 v10, $0x7  }
0x84: {  	v28 =	vsub.s32 v1, v60;
	v46 =	vand.u32 $0xFFFFFFC0, v18;
	v48 =	vand.u32 $0xFFFFFFC0, v19  }
0x85: {  	v12 =	vand.u32 $0xFFFFFFC0, v40;
	v17 =	vand.u32 $0xFFFFFFC0, v43;
	v20 =	vand.u32 $0xFFFFFFC0, v44  }
0x86: {  	v22 =	vld.idx.msk [tilespmem:v22+s2+$0x0], $0xffff;
	v16 =	vand.u32 $0xFFFFFFC0, v47;
	v19 =	vand.u32 $0xFFFFFFC0, v49;
	v14 =	vor.u32 v46, v59  }
0x87: {  	v18 =	vor.u32 v48, v59;
	v12 =	vor.u32 v12, v59;
	v17 =	vor.u32 v17, v59  }
0x88: {  	v20 =	vor.u32 v20, v59;
	v16 =	vor.u32 v16, v59;
	v11 =	vor.u32 v59, v19  }
0x89: {  	v14 =	vor.u32 $0x6, v14;
	v18 =	vor.u32 $0x5, v18;
	v12 =	vor.u32 $0x4, v12  }
0x8a: {  	v17 =	vor.u32 $0x3, v17;
	v20 =	vor.u32 $0x2, v20;
	v16 =	vor.u32 $0x1, v16  }
0x8b: {  	v23 =	vand.u32 $0xFFFFFFC0, v23;
	v22 =	vand.u32 $0xFFFFFFC0, v22;
	v50 =	vmax.f32 v13, v14  }
0x8c: {  	v13 =	vmin.f32 v13, v14;
	v51 =	vmax.f32 v18, v12;
	v12 =	vmin.f32 v18, v12  }
0x8d: {  	v52 =	vmax.f32 v17, v20;
	v17 =	vmin.f32 v17, v20;
	v53 =	vmax.f32 v16, v11  }
0x8e: {  	v11 =	vmin.f32 v16, v11;
	v16 =	vsub.s32 v1, v56;
	v23 =	vor.u32 v23, v54  }
0x8f: {  	v21 =	vor.u32 v54, v22;
	v55 =	vmax.f32 v50, v51;
	v14 =	vmin.f32 v50, v51  }
0x90: {  	v57 =	vmax.f32 v13, v12;
	v12 =	vmin.f32 v13, v12;
	v59 =	vmax.f32 v52, v53  }
0x91: {  	v18 =	vmin.f32 v52, v53;
	v61 =	vmax.f32 v17, v11;
	v62 =	vadd.s32 $0x1C80, v16  }
0x92: {  	v17 =	vmin.f32 v17, v11;
	v33 =	vadd.s32 $0x1D00, v16;
	v35 =	vadd.s32 $0x1D80, v16  }
0x93: {  	v36 =	vadd.s32 $0x1E00, v16;
	v38 =	vadd.s32 $0x1E80, v16;
	v40 =	vadd.s32 $0x1F00, v16  }
0x94: {  	v48 =	vor.u32 $0x7, v23;
	v63 =	vmax.f32 v57, v14;
	v14 =	vmin.f32 v57, v14  }
0x95: {  	v34 =	vmax.f32 v61, v18;
	v18 =	vmin.f32 v61, v18;
	v11 =	vmax.f32 v55, v59  }
0x96: {  	v15 =	vmin.f32 v55, v59;
	v37 =	vmax.f32 v12, v17;
	v12 =	vmin.f32 v12, v17  }
0x97: {  	v39 =	vmax.f32 v63, v34;
	v41 =	vmin.f32 v63, v34;
	v42 =	vmax.f32 v14, v18  }
0x98: {  	v14 =	vmin.f32 v14, v18;
	v3 =	vmax.f32 v3, v12;
	v2 =	vmax.f32 v2, v11  }
0x99: {  	v13 =	vmax.f32 v39, v15;
	v17 =	vmin.f32 v39, v15;
	v18 =	vmax.f32 v37, v14;
	v24 =	vld.idx.msk [tilespmem:v62+s2+$0x0], $0xffff  }
0x9a: {  	v15 =	vmin.f32 v37, v14;
	v37 =	vadd.s32 $0x1C80, v28;
	v39 =	vadd.s32 $0x1D00, v28;
	v43 =	vld.idx.msk [tilespmem:v33+s2+$0x0], $0xffff  }
0x9b: {  	v14 =	vmax.f32 v42, v17;
	v19 =	vmin.f32 v42, v17;
	v45 =	vmax.f32 v18, v41;
	v44 =	vld.idx.msk [tilespmem:v35+s2+$0x0], $0xffff  }
0x9c: {  	v17 =	vmin.f32 v18, v41;
	v41 =	vadd.s32 $0x1D80, v28;
	v42 =	vadd.s32 $0x1E00, v28;
	v20 =	vld.idx.msk [tilespmem:v36+s2+$0x0], $0xffff  }
0x9d: {  	v4 =	vmax.f32 v4, v15;
	v5 =	vmax.f32 v5, v13;
	v46 =	vld.idx.msk [tilespmem:v38+s2+$0x0], $0xffff;
	v16 =	vmax.f32 v45, v19  }
0x9e: {  	v47 =	vld.idx.msk [tilespmem:v40+s2+$0x0], $0xffff;
	v18 =	vmin.f32 v45, v19;
	v62 =	vor.u32 v1, v60;
	v45 =	vadd.s32 $0x1E80, v28  }
0x9f: {  	v28 =	vadd.s32 $0x1F00, v28;
	v6 =	vmax.f32 v6, v17;
	v7 =	vmax.f32 v7, v14  }
0xa0: {  	v63 =	vxor.u32 $0x1C00, v62;
	v8 =	vmax.f32 v8, v18;
	v9 =	vmax.f32 v9, v16  }
0xa1: {  	v30 =	vld.idx.msk [tilespmem:v41+s2+$0x0], $0xffff;
	v41 =	vmax.f32 v3, v9;
	v3 =	vmin.f32 v3, v9;
	v49 =	vand.u32 $0xFFFFFFC0, v24  }
0xa2: {  	v50 =	vand.u32 $0xFFFFFFC0, v43;
	v51 =	vand.u32 $0xFFFFFFC0, v44;
	v20 =	vand.u32 $0xFFFFFFC0, v20  }
0xa3: {  	v52 =	vand.u32 $0xFFFFFFC0, v46;
	v53 =	vand.u32 $0xFFFFFFC0, v47;
	v23 =	vor.u32 v49, v54  }
0xa4: {  	v24 =	vor.u32 v50, v54;
	v25 =	vor.u32 v51, v54;
	v20 =	vor.u32 v20, v54  }
0xa5: {  	v26 =	vor.u32 v52, v54;
	v27 =	vor.u32 v53, v54;
	v23 =	vor.u32 $0x6, v23  }
0xa6: {  	v24 =	vor.u32 $0x5, v24;
	v25 =	vor.u32 $0x4, v25;
	v20 =	vor.u32 $0x3, v20  }
0xa7: {  	v26 =	vor.u32 $0x2, v26;
	v27 =	vor.u32 $0x1, v27;
	v54 =	vmax.f32 v48, v23  }
0xa8: {  	v19 =	vmin.f32 v48, v23;
	v55 =	vmax.f32 v24, v25;
	v24 =	vmin.f32 v24, v25  }
0xa9: {  	v56 =	vmax.f32 v20, v26;
	v20 =	vmin.f32 v20, v26;
	v57 =	vmax.f32 v27, v21  }
0xaa: {  	v21 =	vmin.f32 v27, v21;
	v48 =	vxor.u32 $0x1F80, v62;
	v27 =	vld.idx.msk [tilespmem:v42+s2+$0x0], $0xffff;
	v42 =	vmax.f32 v4, v7  }
0xab: {  	v4 =	vmin.f32 v4, v7;
	v58 =	vmax.f32 v54, v55;
	v22 =	vmin.f32 v54, v55  }
0xac: {  	v28 =	vld.idx.msk [tilespmem:v28+s2+$0x0], $0xffff;
	v59 =	vmax.f32 v19, v24;
	v19 =	vmin.f32 v19, v24;
	v61 =	vmax.f32 v56, v57  }
0xad: {  	v25 =	vmin.f32 v56, v57;
	v36 =	vmax.f32 v20, v21;
	v20 =	vmin.f32 v20, v21  }
0xae: {  	v44 =	vld.idx.msk [tilespmem:v63+s2+$0x0], $0xffff;
	v30 =	vand.u32 $0xFFFFFFC0, v30;
	v38 =	vmax.f32 v59, v22;
	v22 =	vmin.f32 v59, v22  }
0xaf: {  	v40 =	vmax.f32 v36, v25;
	v25 =	vmin.f32 v36, v25;
	v33 =	vmax.f32 v58, v61  }
0xb0: {  	v24 =	vmin.f32 v58, v61;
	v43 =	vmax.f32 v19, v20;
	v19 =	vmin.f32 v19, v20  }
0xb1: {  	v30 =	vor.u32 v30, v10;
	v28 =	vand.u32 $0xFFFFFFC0, v28;
	v46 =	vmax.f32 v38, v40  }
0xb2: {  	v31 =	vmin.f32 v38, v40;
	v47 =	vmax.f32 v22, v25;
	v22 =	vmin.f32 v22, v25  }
0xb3: {  	v20 =	vand.u32 $0xFFFFFFC0, v44;
	v30 =	vor.u32 $0x4, v30;
	v28 =	vor.u32 v28, v10  }
0xb4: {  	v23 =	vld.idx.msk [tilespmem:v39+s2+$0x0], $0xffff;
	v44 =	vmax.f32 v8, v2;
	v2 =	vmin.f32 v8, v2;
	v29 =	vmax.f32 v46, v24  }
0xb5: {  	v26 =	vld.idx.msk [tilespmem:v45+s2+$0x0], $0xffff;
	v24 =	vmin.f32 v46, v24;
	v49 =	vmax.f32 v43, v22;
	v22 =	vmin.f32 v43, v22  }
0xb6: {  	v20 =	vor.u32 v20, v10;
	v28 =	vor.u32 $0x1, v28;
	v43 =	vmax.f32 v6, v5  }
0xb7: {  	v5 =	vmin.f32 v6, v5;
	v46 =	vmax.f32 v42, v44;
	v6 =	vmin.f32 v42, v44  }
0xb8: {  	v21 =	vld.idx.msk [tilespmem:v37+s2+$0x0], $0xffff;
	v34 =	vmax.f32 v47, v24;
	v24 =	vmin.f32 v47, v24;
	v50 =	vmax.f32 v49, v31  }
0xb9: {  	v31 =	vmin.f32 v49, v31;
	v20 =	vor.u32 $0x7, v20;
	v23 =	vand.u32 $0xFFFFFFC0, v23  }
0xba: {  	v27 =	vand.u32 $0xFFFFFFC0, v27;
	v26 =	vand.u32 $0xFFFFFFC0, v26;
	v45 =	vmax.f32 v41, v43  }
0xbb: {  	v7 =	vmin.f32 v41, v43;
	v47 =	vmax.f32 v3, v5;
	v3 =	vmin.f32 v3, v5  }
0xbc: {  	v25 =	vld.idx.msk [tilespmem:v48+s2+$0x0], $0xffff;
	v48 =	vmax.f32 v4, v2;
	v2 =	vmin.f32 v4, v2;
	v35 =	vmax.f32 v50, v24  }
0xbd: {  	v21 =	vand.u32 $0xFFFFFFC0, v21;
	v24 =	vmin.f32 v50, v24;
	v23 =	vor.u32 v23, v10  }
0xbe: {  	v27 =	vor.u32 v27, v10;
	v26 =	vor.u32 v26, v10;
	v49 =	vmax.f32 v45, v46  }
0xbf: {  	v8 =	vmin.f32 v45, v46;
	v50 =	vmax.f32 v7, v6;
	v6 =	vmin.f32 v7, v6  }
0xc0: {  	v5 =	vmin.f32 v47, v48;
	v21 =	vor.u32 v21, v10;
	v23 =	vor.u32 $0x5, v23  }
0xc1: {  	v27 =	vor.u32 $0x3, v27;
	v26 =	vor.u32 $0x2, v26;
	v21 =	vor.u32 $0x6, v21  }
0xc2: {  	v52 =	vmax.f32 v23, v30;
	v23 =	vmin.f32 v23, v30;
	v53 =	vmax.f32 v27, v26  }
0xc3: {  	v26 =	vmin.f32 v27, v26;
	v51 =	vmax.f32 v20, v21;
	v20 =	vmin.f32 v20, v21  }
0xc4: {  	v25 =	vand.u32 $0xFFFFFFC0, v25;
	v55 =	vmax.f32 v51, v52;
	v21 =	vmin.f32 v51, v52  }
0xc5: {  	v56 =	vmax.f32 v20, v23;
	v20 =	vmin.f32 v20, v23;
	v51 =	vmax.f32 v47, v48  }
0xc6: {  	v52 =	vmax.f32 v3, v2;
	v2 =	vmin.f32 v3, v2;
	v10 =	vor.u32 v10, v25  }
0xc7: {  	v59 =	vmax.f32 v56, v21;
	v54 =	vmax.f32 v28, v10;
	v10 =	vmin.f32 v28, v10  }
0xc8: {  	v21 =	vmin.f32 v56, v21;
	v27 =	vmin.f32 v53, v54;
	v58 =	vmax.f32 v26, v10  }
0xc9: {  	v57 =	vmax.f32 v53, v54;
	v10 =	vmin.f32 v26, v10;
	v60 =	vmax.f32 v58, v27  }
0xca: {  	v27 =	vmin.f32 v58, v27;
	v61 =	vmax.f32 v55, v57;
	v23 =	vmin.f32 v55, v57  }
0xcb: {  	v62 =	vmax.f32 v20, v10;
	v10 =	vmin.f32 v20, v10;
	v63 =	vmax.f32 v59, v60  }
0xcc: {  	v25 =	vmin.f32 v59, v60;
	v32 =	vmax.f32 v21, v27;
	v21 =	vmin.f32 v21, v27  }
0xcd: {  	v3 =	vmax.f32 v33, v10;
	v59 =	vmax.f32 v19, v61;
	v36 =	vmax.f32 v63, v23  }
0xce: {  	v20 =	vmin.f32 v63, v23;
	v37 =	vmax.f32 v62, v21;
	v21 =	vmin.f32 v62, v21  }
0xcf: {  	v38 =	vmax.f32 v32, v20;
	v20 =	vmin.f32 v32, v20;
	v39 =	vmax.f32 v37, v25  }
0xd0: {  	v23 =	vmin.f32 v37, v25;
	v53 =	vmax.f32 v29, v21;
	v58 =	vmax.f32 v22, v36  }
0xd1: {  	v40 =	vmax.f32 v39, v20;
	v20 =	vmin.f32 v39, v20;
	v54 =	vmax.f32 v34, v23  }
0xd2: {  	v57 =	vmax.f32 v31, v38;
	v55 =	vmax.f32 v35, v20;
	v56 =	vmax.f32 v24, v40  }
0xd3: {  	v61 =	vmax.f32 v53, v57;
	v10 =	vmin.f32 v53, v57;
	v62 =	vmax.f32 v54, v58  }
0xd4: {  	v12 =	vmin.f32 v54, v58;
	v60 =	vmax.f32 v3, v56;
	v3 =	vmin.f32 v3, v56  }
0xd5: {  	v63 =	vmax.f32 v55, v59;
	v13 =	vmin.f32 v55, v59;
	v21 =	vmax.f32 v60, v62  }
0xd6: {  	v15 =	vmin.f32 v60, v62;
	v22 =	vmax.f32 v61, v63;
	v14 =	vmin.f32 v61, v63  }
0xd7: {  	v23 =	vmax.f32 v3, v12;
	v3 =	vmin.f32 v3, v12;
	v24 =	vmax.f32 v10, v13  }
0xd8: {  	v10 =	vmin.f32 v10, v13;
	v25 =	vmax.f32 v21, v22;
	v17 =	vmin.f32 v21, v22  }
0xd9: {  	v26 =	vmax.f32 v15, v14;
	v14 =	vmin.f32 v15, v14;
	v27 =	vmax.f32 v23, v24  }
0xda: {  	v12 =	vmin.f32 v23, v24;
	v28 =	vmax.f32 v3, v10;
	v3 =	vmin.f32 v3, v10  }
0xdb: {  	v3 =	vmax.f32 v49, v3;
	v29 =	vmax.f32 v8, v28;
	v30 =	vmax.f32 v50, v12  }
0xdc: {  	v6 =	vmax.f32 v6, v27;
	v7 =	vmax.f32 v51, v14;
	v5 =	vmax.f32 v5, v26  }
0xdd: {  	v9 =	vmax.f32 v52, v17;
	v2 =	vmax.f32 v2, v25;
	v31 =	vmax.f32 v3, v7  }
0xde: {  	v32 =	vmax.f32 v29, v5;
	v12 =	vmax.f32 v30, v9;
	v13 =	vmax.f32 v6, v2  }
0xdf: {  	v33 =	vmax.f32 v31, v12;
	v34 =	vmax.f32 v32, v13  }
0xe0: {  	v35 =	vmax.f32 v33, v34  }
0xe1: {  	v36 =	vand.u32 $0xFFFFFFC0, v35  }
0xe2: {  	v14 =	vmin.f32 v33, v34;
	v37 =	vadd.f32 $0.0e+00, v36  }
0xe3: {  	v10 =	vmin.f32 v31, v12;
	v11 =	vmin.f32 v32, v13;
	v38 =	vand.u32 $0xFFFFFFC0, v14  }
0xe4: {  	v3 =	vmin.f32 v3, v7;
	v39 =	vmax.f32 v10, v11;
	v40 =	vadd.f32 v38, v37  }
0xe5: {  	v4 =	vmin.f32 v29, v5;
	v41 =	vmin.f32 v30, v9;
	v42 =	vand.u32 $0xFFFFFFC0, v39  }
0xe6: {  	v2 =	vmin.f32 v6, v2;
	v43 =	vmin.f32 v10, v11;
	v44 =	vadd.f32 v42, v40  }
0xe7: {  	v45 =	vmax.f32 v3, v41;
	v46 =	vmax.f32 v4, v2;
	v47 =	vand.u32 $0xFFFFFFC0, v43  }
0xe8: {  	v48 =	vmax.f32 v45, v46;
	v9 =	vadd.f32 v47, v44  }
0xe9: {  	v49 =	vand.u32 $0xFFFFFFC0, v48  }
0xea: {  	v10 =	vmin.f32 v45, v46;
	v9 =	vadd.f32 v49, v9  }
0xeb: {  	v3 =	vmin.f32 v3, v41;
	v2 =	vmin.f32 v4, v2;
	v50 =	vand.u32 $0xFFFFFFC0, v10  }
0xec: {  	v5 =	vmax.f32 v3, v2;
	v9 =	vadd.f32 v50, v9  }
0xed: {  	v51 =	vand.u32 $0xFFFFFFC0, v5  }
0xee: {  	v2 =	vmin.f32 v3, v2;
	v3 =	vadd.f32 v51, v9  }
0xef: {  	v52 =	vand.u32 $0xFFFFFFC0, v2  }
0xf0: {  	v3 =	vadd.f32 v52, v3;
	_ =	sdelay $0x1  }
0xf1: {  	v3 =	vadd.f32 $9.999999970e-07, v3;
	_ =	sdelay $0x1  }
0xf2: {  	(erf) = vrcp.f32 v3;
	_ =	sdelay $0x6  }
0xf3: {  	v1 =	vshll.u32 v1, $0x3;
	_ =	sdelay $0x1  }
0xf4: {  	v53 =	vor.u32 $0x1, v1;
	v3 =	vpop (erf)  }
0xf5: {  	v17 =	vmul.f32 v36, v3  }
0xf6: {  	v54 =	vor.u32 $0x2, v1  }
0xf7: {  	v16 =	vandn.u32 $0x3F, v35;
	v12 =	vmul.f32 v38, v3;
	[tilespmem:v1+s8+$0x0] =	vst.idx.msk $0xffff, v17  }
0xf8: {  	v55 =	vor.u32 $0x3, v1;
	[tilespmem:v1+s9+$0x0] =	vst.idx.msk $0xffff, v16  }
0xf9: {  	v14 =	vandn.u32 $0x3F, v14;
	v8 =	vmul.f32 v42, v3;
	[tilespmem:v53+s8+$0x0] =	vst.idx.msk $0xffff, v12  }
0xfa: {  	v56 =	vor.u32 $0x4, v1;
	[tilespmem:v53+s9+$0x0] =	vst.idx.msk $0xffff, v14  }
0xfb: {  	v7 =	vandn.u32 $0x3F, v39;
	v57 =	vmul.f32 v47, v3;
	[tilespmem:v54+s8+$0x0] =	vst.idx.msk $0xffff, v8  }
0xfc: {  	v58 =	vor.u32 $0x5, v1;
	[tilespmem:v54+s9+$0x0] =	vst.idx.msk $0xffff, v7  }
0xfd: {  	v6 =	vandn.u32 $0x3F, v43;
	v59 =	vmul.f32 v49, v3;
	[tilespmem:v55+s8+$0x0] =	vst.idx.msk $0xffff, v57  }
0xfe: {  	v60 =	vor.u32 $0x6, v1;
	[tilespmem:v55+s9+$0x0] =	vst.idx.msk $0xffff, v6  }
0xff: {  	v61 =	vandn.u32 $0x3F, v48;
	v4 =	vmul.f32 v50, v3;
	[tilespmem:v56+s8+$0x0] =	vst.idx.msk $0xffff, v59  }
0x100: {  	v1 =	vor.u32 $0x7, v1;
	[tilespmem:v56+s9+$0x0] =	vst.idx.msk $0xffff, v61  }
0x101: {  	p0 =	sne.s32 s14, $0x70;
	v62 =	vandn.u32 $0x3F, v10;
	v63 =	vmul.f32 v51, v3;
	[tilespmem:v58+s8+$0x0] =	vst.idx.msk $0xffff, v4  }
.Ltmp0:
0x102: {  	[tilespmem:v58+s9+$0x0] =	vst.idx.msk $0xffff, v62;
	(pc) =	sbr.rel @p0 .LBB2_2-.Ltmp0, $4  }
0x103: {  	v5 =	vandn.u32 $0x3F, v5;
	v3 =	vmul.f32 v52, v3;
	[tilespmem:v60+s8+$0x0] =	vst.idx.msk $0xffff, v63  }
0x104: {  	[tilespmem:v60+s9+$0x0] =	vst.idx.msk $0xffff, v5  }
0x105: {  	v2 =	vandn.u32 $0x3F, v2;
	[tilespmem:v1+s8+$0x0] =	vst.idx.msk $0xffff, v3  }
0x106: {  	s13 =	sadd.s32 $0x10, s13;
	s14 =	sadd.s32 $0x10, s14;
	[tilespmem:v1+s9+$0x0] =	vst.idx.msk $0xffff, v2  }
0x107: {  	[hbm4b:s4+s2] =	stream.linear.scatter [tilespmem:s8], [sflag:$0x1], $0x400, $0x38;
	[tilespmem:$0x2800] =	vst v63  }
0x108: {  	s12 =	sadd.s32 $0x1, s12  }
0x109: {  	[hbm4b:s5+s2] =	stream.linear.scatter [tilespmem:s9], [sflag:$0x2], $0x400, $0x38;
	[tilespmem:$0x2800] =	vst v63  }
0x10a: {  	p0 =	sne.s32 s12, s6;
	_ =	swait.ge [sflag:s10], $0x400  }
.Ltmp1:
0x10b: {  	[sflag:s10] =	ssyncset.done $0x0;
	(pc) =	sbr.rel @p0 .LBB2_1-.Ltmp1, $4  }
0x10c: {  	[sflag:s10] =	ssyncadd.s32 $0xFFFFFC00  }
0x10d: {  	_ =	swait.ge [sflag:s11], $0x400  }
0x10e: {  	[sflag:s11] =	ssyncset.done $0x0  }
0x10f: {  	[sflag:s11] =	ssyncadd.s32 $0xFFFFFC00  }
0x110: {  	_ =	sfence.sel $0x180000  }
0x111: {  	[bflag:$0x0] =	sbarrier.arrive $0xFFFF  }
0x112: {  	p0 =	sne.s32 s1, $0x0;
	_ =	strace $0x90000047  }
0x113: {  	s0 =	sadd.s32 @!p0 $0x100000, s0;
	[bflag:$0x2] =	sbarrier.arrive $0xFFFF  }
0x114: {  	[sflag:s0] =	ssyncadd.tile.s32 @!p0 $0x1;
	_ =	shalt  }
.Lfunc_end2:
_tile_overlayer_lowered:
.L_overlay_start_2:
0x115: {  	(tag) =	ssettag $0x2  }
0x116: {  	s0 =	rddreg [dreg:$0x0];
	s2 =	stileid.u32  }
0x117: {  	s1 =	rddreg [dreg:$0x1];
	p0 =	sne.s32 s2, $0x0  }
0x118: {  	s3 =	rddreg [dreg:$0x2];
	[bflag:$0x3] =	sbarrier.arrive $0xFFFF;
	s2 =	simm.s32 @!p0 $0x1C03  }
0x119: {  	[timem:s3], [sflag:s2] =	dma.local @!p0 [hbm:s0], s1  }
0x11a: {  	s0 =	simm.s32 @!p0 $0x3  }
0x11b: {  	_ =	swait.ge @!p0 [sflag:s0], s1  }
0x11c: {  	s1 =	ssub.s32 @!p0 $0x0, s1;
	[sflag:s0] =	ssyncset.done @!p0 $0x0  }
0x11d: {  	[sflag:s0] =	ssyncadd.s32 @!p0 s1  }
0x11e: {  	[bflag:$0x3] =	sbarrier.arrive $0xFFFF  }
0x11f: {  	_ =	shalt  }

// kernel: kernel.9.cloned.1.call-start
scs
__scs_entry_jumppad:
0x0: {  	(pc) =	sbr.rel $0x88, $3  }
0x1: {  	(tag) =	ssettag $0x0;
	lr =	simm.s32 $0x1  }
0x2: {  	[smem:$0x3F9E] =	sst lr;
	_ =	strace $0xD0000000  }
0x3: {  	_ = 	snop  }
0x4: {  	_ = 	snop  }
0x5: {  	_ = 	snop  }
0x6: {  	_ = 	snop  }
0x7: {  	_ = 	snop  }
__scs_overlays_trampoline_lowered:
0x8: {  	[smem:$0x3FAD] =	sst s0  }
0x9: {  	[smem:$0x3FAE] =	sst s1  }
0xa: {  	[smem:$0x3FAF] =	sst s2  }
0xb: {  	[smem:$0x3FB0] =	sst s3  }
0xc: {  	[smem:$0x3FB1] =	sst s4  }
0xd: {  	[smem:$0x3FB2] =	sst s5  }
0xe: {  	[smem:$0x3FB3] =	sst s6  }
0xf: {  	[smem:$0x3FB4] =	sst s7  }
0x10: {  	[smem:$0x3FB5] =	sst s8  }
0x11: {  	[smem:$0x3FB6] =	sst s9;
	s0 =	simm.s32 @!p0 $0x0  }
0x12: {  	s1 =	sld [smem:$0x3F9C];
	s0 =	simm.s32 @p0 $0x1  }
0x13: {  	[smem:$0x3FB7] =	sst s0;
	s0 =	simm.s32 @!p1 $0x0  }
0x14: {  	s2 =	sld [smem:$0x3F9B];
	s0 =	simm.s32 @p1 $0x1  }
0x15: {  	[smem:$0x3FB8] =	sst s0;
	s0 =	simm.s32 @!p2 $0x0  }
0x16: {  	s3 =	sld [smem:$0x3FDB];
	s0 =	simm.s32 @p2 $0x1  }
0x17: {  	s4 =	simm.s32 $0x1BF5;
	[smem:$0x3FBA] =	sst s0  }
0x18: {  	s0 =	sld [smem:$0x3F9D];
	_ =	swait.ge [sflag:s4], $0x0  }
0x19: {  	s7 =	sld [smem:$0x3F9E]  }
0x1a: {  	s8 =	sadd.s32 $0xFFFFE003, lr  }
0x1b: {  	s9 =	sadd.s32 $0xFFFFFEF7, lr;
	s5 =	simm.s32 $0xFFFFFFFF;
	p2 =	slt.u32 s8, $0xFFFFF086  }
0x1c: {  	p1 =	slt.u32 s9, $0xF7A;
	s5 =	simm.s32 @!p2 $0x0  }
0x1d: {  	s5 =	simm.s32 @p1 $0x1;
	p0 =	seq.s32 s7, s2  }
0x1e: {  	s7 =	smul.u32 @!p0 $0xF7A, s2;
	p2 =	seq.s32 @!p0 s5, $0x0  }
0x1f: {  	s9 =	smul.u32 $0xF7A, s1;
	s8 =	simm.s32 @!p0 $0x1BF5;
	p2 =	por !p2, p0  }
0x20: {  	[sflag:s8] =	ssyncset.s32 @!p0 $0xFFFFF086;
	s6 =	sadd.s32 @!p0 s3, s7;
	s7 =	simm.s32 @!p0 $0x108  }
0x21: {  	s3 =	sadd.s32 s3, s9;
	s6 =	sadd.s32 @!p0 $0x88, s6;
	s7 =	simm.s32 @p2 $0x1082  }
0x22: {  	[simem:s7], [sflag:s8] =	dma.local @!p0 [hbm:s6], $0xF7A  }
0x23: {  	s9 =	sor.u32 $0xD0000000, s2;
	s6 =	simm.s32 $0x108;
	_ =	swait.ge @!p0 [sflag:s8], $0x0  }
0x24: {  	s3 =	sadd.s32 $0x88, s3;
	s6 =	simm.s32 @!p1 $0x1082;
	[sflag:s4] =	ssyncset.s32 $0xFFFFF086  }
0x25: {  	[simem:s6], [sflag:s4] =	dma.local [hbm:s3], $0xF7A  }
0x26: {  	[smem:$0x3F9E] =	sst s1;
	(tag) =	ssettag s2;
	_ =	strace s9  }
0x27: {  	s1 =	sld [smem:$0x3FAE]  }
0x28: {  	s2 =	sld [smem:$0x3FAF]  }
0x29: {  	s4 =	sld [smem:$0x3FB1]  }
0x2a: {  	p0 =	seq.s32 s5, $0x0;
	s5 =	sld [smem:$0x3FB2]  }
0x2b: {  	s6 =	sld [smem:$0x3FB3]  }
0x2c: {  	s7 =	sld [smem:$0x3FB4]  }
0x2d: {  	s3 =	simm.s32 $0x108;
	s8 =	sld [smem:$0x3FB5]  }
0x2e: {  	s3 =	simm.s32 @!p0 $0x1082;
	s9 =	sld [smem:$0x3FB6]  }
0x2f: {  	lr =	sadd.s32 s0, s3;
	s0 =	sld [smem:$0x3FAD]  }
0x30: {  	s3 =	sld [smem:$0x3FB0]  }
0x31: {  	[smem:$0x3FB9] =	sst s10  }
0x32: {  	s10 =	sld [smem:$0x3FB7];
	_ =	sdelay $0x3  }
0x33: {  	p0 =	seq.s32 s10, $0x1;
	s10 =	sld [smem:$0x3FB9];
	_ =	sdelay $0x3  }
0x34: {  	[smem:$0x3FB9] =	sst s10  }
0x35: {  	s10 =	sld [smem:$0x3FB8];
	_ =	sdelay $0x3  }
0x36: {  	p1 =	seq.s32 s10, $0x1;
	s10 =	sld [smem:$0x3FB9];
	_ =	sdelay $0x3  }
0x37: {  	[smem:$0x3FB9] =	sst s10  }
0x38: {  	s10 =	sld [smem:$0x3FBA]  }
0x39: {  	_ = 	snop;
	(pc) =	sbr.ind lr, $3  }
0x3a: {  	_ = 	snop  }
0x3b: {  	_ = 	snop  }
0x3c: {  	p2 =	seq.s32 s10, $0x1;
	s10 =	sld [smem:$0x3FB9]  }
0x3d: {  	_ =	shalt  }
0x3e: {  	_ =	shalt  }
0x3f: {  	_ =	shalt  }
0x40: {  	_ =	shalt  }
0x41: {  	_ =	shalt  }
0x42: {  	_ =	shalt  }
0x43: {  	_ =	shalt  }
0x44: {  	_ =	shalt  }
0x45: {  	_ =	shalt  }
0x46: {  	_ =	shalt  }
0x47: {  	_ =	shalt  }
0x48: {  	_ =	shalt  }
0x49: {  	_ =	shalt  }
0x4a: {  	_ =	shalt  }
0x4b: {  	_ =	shalt  }
0x4c: {  	_ =	shalt  }
0x4d: {  	_ =	shalt  }
0x4e: {  	_ =	shalt  }
0x4f: {  	_ =	shalt  }
0x50: {  	_ =	shalt  }
0x51: {  	_ =	shalt  }
0x52: {  	_ =	shalt  }
0x53: {  	_ =	shalt  }
0x54: {  	_ =	shalt  }
0x55: {  	_ =	shalt  }
0x56: {  	_ =	shalt  }
0x57: {  	_ =	shalt  }
0x58: {  	_ =	shalt  }
0x59: {  	_ =	shalt  }
0x5a: {  	_ =	shalt  }
0x5b: {  	_ =	shalt  }
0x5c: {  	_ =	shalt  }
0x5d: {  	_ =	shalt  }
0x5e: {  	_ =	shalt  }
0x5f: {  	_ =	shalt  }
0x60: {  	_ =	shalt  }
0x61: {  	_ =	shalt  }
0x62: {  	_ =	shalt  }
0x63: {  	_ =	shalt  }
0x64: {  	_ =	shalt  }
0x65: {  	_ =	shalt  }
0x66: {  	_ =	shalt  }
0x67: {  	_ =	shalt  }
0x68: {  	_ =	shalt  }
0x69: {  	_ =	shalt  }
0x6a: {  	_ =	shalt  }
0x6b: {  	_ =	shalt  }
0x6c: {  	_ =	shalt  }
0x6d: {  	_ =	shalt  }
0x6e: {  	_ =	shalt  }
0x6f: {  	_ =	shalt  }
0x70: {  	_ =	shalt  }
0x71: {  	_ =	shalt  }
0x72: {  	_ =	shalt  }
0x73: {  	_ =	shalt  }
0x74: {  	_ =	shalt  }
0x75: {  	_ =	shalt  }
0x76: {  	_ =	shalt  }
0x77: {  	_ =	shalt  }
0x78: {  	_ =	shalt  }
0x79: {  	_ =	shalt  }
0x7a: {  	_ =	shalt  }
0x7b: {  	_ =	shalt  }
0x7c: {  	_ =	shalt  }
0x7d: {  	_ =	shalt  }
0x7e: {  	_ =	shalt  }
0x7f: {  	_ =	shalt  }
0x80: {  	_ =	shalt  }
0x81: {  	_ =	shalt  }
0x82: {  	_ =	shalt  }
0x83: {  	_ =	shalt  }
0x84: {  	_ =	shalt  }
0x85: {  	_ =	shalt  }
0x86: {  	_ =	shalt  }
0x87: {  	_ =	shalt  }
.Lfunc_end0:
.L_simem_size_0:
called_computation.1_lowered:
.L_overlay_start_0:
0x88: {  	s2 =	sld [smem:$0x3FD9]  }
0x89: {  	s3 =	sld [smem:$0x3FFE];
	_ =	sdelay $0x1  }
0x8a: {  	s1 =	srdreg.scid  }
0x8b: {  	s0 =	sand.u32 $0x1, s1  }
0x8c: {  	s15 =	sshll.u32 s0, $0xA;
	s2 =	sadd.s32 s3, s2  }
0x8d: {  	s2 =	sadd.s32 s2, s15  }
0x8e: {  	[smem:$0x3FC5] =	sst s2  }
0x8f: {  	_ = 	snop  }
0x90: {  	s2 =	sld [smem:$0x3FD0];
	_ =	sdelay $0x2  }
0x91: {  	s4 =	simm.s32 $0xB;
	s16 =	simm.s32 $0x10  }
0x92: {  	[smem:s16], [sflag:s4] =	dma.local [hbm:s2], $0x1  }
0x93: {  	_ =	swait.eq [sflag:s4], $0x1  }
0x94: {  	[sflag:s4] =	ssyncset.done $0x0  }
0x95: {  	s17 =	sld [smem:$0x10];
	[sflag:s4] =	ssyncadd.s32 $0xFFFFFFFF  }
0x96: {  	s18 =	sld [smem:$0x11];
	(tm) =	ssettm $0x1  }
0x97: {  	s19 =	sld [smem:$0x3FFB];
	_ =	sdelay $0x3  }
0x98: {  	_ =	strace s19  }
0x99: {  	s2 =	sld [smem:$0x3FFC];
	_ =	sdelay $0x3  }
0x9a: {  	_ =	strace s2  }
0x9b: {  	s2 =	sld [smem:$0x3FFD];
	_ =	sdelay $0x3  }
0x9c: {  	_ =	strace s2  }
0x9d: {  	_ =	strace $0x8FFFFFFF  }
0x9e: {  	s20 =	sld [smem:$0x3FDB];
	_ =	sdelay $0x1  }
0x9f: {  	s5 =	simm.s32 $_scs_section_size  }
0xa0: {  	s6 =	simm.s32 $_size__tile_overlayer_lowered;
	s7 =	simm.s32 $_tile_overlayer_lowered  }
0xa1: {  	s8 =	simm.s32 $0x1BFF;
	s21 =	sshll.u32 s7, $0x1;
	s5 =	sadd.s32 s5, s20  }
0xa2: {  	s22 =	simm.s32 $0x0;
	s6 =	sshll.u32 s6, $0x1;
	s7 =	sadd.s32 s21, s5  }
0xa3: {  	[timem:s22], [sflag:s8] =	dma.local [hbm:s7], s6  }
0xa4: {  	_ =	swait.ge [sflag:s8], s6  }
0xa5: {  	s6 =	ssub.s32 $0x0, s6;
	[sflag:s8] =	ssyncset.done $0x0  }
0xa6: {  	[sflag:s8] =	ssyncadd.s32 s6;
	_ =	sdelay $0x1  }
0xa7: {  	s23 =	simm.s32 $0x1B8B  }
0xa8: {  	_ =	swait.ge [sflag:s23], $0x1  }
0xa9: {  	[sflag:s23] =	ssyncset.done $0x0  }
0xaa: {  	[sflag:s23] =	ssyncadd.s32 $0xFFFFFFFF  }
0xab: {  	s6 =	sld [smem:$0x0]  }
0xac: {  	s7 =	sand.u32 $0xFFFFFFFE, s1  }
0xad: {  	p0 =	sne.s32 s1, s7  }
0xae: {  	s7 =	sshll.u32 @p0 s7, $0xE  }
0xaf: {  	s7 =	sadd.s32 @p0 $0x11B8D, s7;
	s8 =	sshll.u32 @p0 s6, $0x11  }
0xb0: {  	s7 =	sor.u32 @p0 s8, s7  }
0xb1: {  	[sflag:s7] =	ssyncadd.remote.s32 @p0 $0x1;
	_ =	sdelay $0x1  }
0xb2: {  	s7 =	simm.s32 @p0 $0x1B8D  }
0xb3: {  	_ =	swait.eq @p0 [sflag:s7], $0x1  }
0xb4: {  	[sflag:s7] =	ssyncadd.s32 @p0 $0xFFFFFFFF  }
0xb5: {  	s8 =	sshll.u32 @!p0 s1, $0xE  }
0xb6: {  	s8 =	sor.u32 @!p0 $0x4000, s8;
	s7 =	simm.s32 @!p0 $0x1B8D  }
0xb7: {  	s6 =	sshll.u32 @!p0 s6, $0x11;
	s8 =	sadd.s32 @!p0 $0x11B8D, s8;
	_ =	swait.eq @!p0 [sflag:s7], $0x1  }
0xb8: {  	s6 =	sor.u32 @!p0 s6, s8;
	[sflag:s7] =	ssyncadd.s32 @!p0 $0xFFFFFFFF  }
0xb9: {  	s25 =	simm.s32 $0x1B8E;
	s24 =	sld [smem:$0x3FFE];
	[sflag:s6] =	ssyncadd.remote.s32 @!p0 $0x1  }
0xba: {  	s26 =	simm.s32 $execute0_lowered;
	[smem:$0x3FD2] =	sst s25  }
0xbb: {  	s7 =	sshll.u32 s26, $0x1;
	_ =	strace $0x80000049;
	[dreg:$0x1] =	wrdreg $0xFFFFFFFF  }
0xbc: {  	s28 =	simm.s32 $_size_execute0_lowered;
	s5 =	sadd.s32 s5, s7;
	[dreg:$0x0] =	wrdreg $0x0  }
0xbd: {  	s7 =	sshll.u32 s28, $0x1;
	[dreg:$0x2] =	wrdreg s5  }
0xbe: {  	[dreg:$0x3] =	wrdreg s7  }
0xbf: {  	[dreg:$0x4] =	wrdreg $0xC0  }
0xc0: {  	_ =	task [dreg:s22], $0x5FFFF  }
0xc1: {  	[dreg:$0x1] =	wrdreg $0xFFFFFFFF  }
0xc2: {  	[dreg:$0x0] =	wrdreg $0x60  }
0xc3: {  	[dreg:$0x2] =	wrdreg s24  }
0xc4: {  	[dreg:$0x3] =	wrdreg s18  }
0xc5: {  	[dreg:$0x4] =	wrdreg s17  }
0xc6: {  	[dreg:$0x5] =	wrdreg $0xA  }
0xc7: {  	_ =	task.clear_ibuf [dreg:s22], $0x6FFFF;
	_ =	strace $0x90000049  }
0xc8: {  	s29 =	simm.s32 $0xA;
	_ =	strace $0x8000004B  }
0xc9: {  	_ =	swait.ge [sflag:s29], $0x1  }
0xca: {  	[sflag:s29] =	ssyncadd.s32 $0xFFFFFFFF  }
0xcb: {  	_ =	strace $0x9000004B  }
0xcc: {  	_ =	sfence  }
0xcd: {  	s30 =	sld [smem:$0x0];
	_ =	sdelay $0x2  }
0xce: {  	s31 =	sshll.u32 s1, $0xD;
	s1 =	sshrl.u32 s1, $0x2  }
0xcf: {  	s4 =	sand.u32 $0x4000, s31;
	s1 =	sadd.s32 s1, s30  }
0xd0: {  	s0 =	sor.u32 s4, s0;
	s1 =	sshll.u32 s1, $0x11  }
0xd1: {  	s0 =	sor.u32 s1, s0  }
0xd2: {  	s0 =	sadd.s32 $0x8F2B, s0  }
0xd3: {  	[sflag:s0] =	ssyncadd.remote.s32 $0x1  }
0xd4: {  	_ =	sfence.sel $0xFFFF  }
0xd5: {  	[dreg:$0x0] =	wrdreg $0xFFFFFFFF;
	(pc) =	sbr.abs _section_cstart, $3  }
0xd6: {  	[dreg:$0x1] =	wrdreg $0xFFFFFFFF  }
0xd7: {  	_ =	task.clear_ibuf [dreg:s22], $0x2FFFF;
	_ =	strace $0x9FFFFFFF  }
0xd8: {  	(tm) =	ssettm $0x7FFFFFFF  }
0xd9: {  	_ =	shalt  }
tec
execute0_lowered:
.L_overlay_start_1:
0x0: {  	(tag) =	ssettag $0x1  }
0x1: {  	s3 =	rddreg [dreg:$0x0]  }
0x2: {  	s4 =	rddreg [dreg:$0x1]  }
0x3: {  	s1 =	srdreg.scid;
	s0 =	stileid.u32  }
0x4: {  	s5 =	rddreg [dreg:$0x2];
	s2 =	simm.s32 $0x0;
	s9 =	simm.s32 $0x2400  }
0x5: {  	s10 =	simm.s32 $0x1;
	s11 =	simm.s32 $0x2;
	s12 =	simm.s32 $0x0  }
0x6: {  	s6 =	sand.u32 $0x1, s1;
	s7 =	sshll.u32 s0, $0x1;
	s1 =	rddreg [dreg:$0x3]  }
0x7: {  	[smem:$0x7FF] =	sst s2;
	s7 =	sor.u32 s6, s7;
	s6 =	ssub.s32 $0x2, s6  }
0x8: {  	_ =	strace $0x8000004A;
	s8 =	sshll.u32 s7, $0xA;
	s31 =	sshrl.u32 s6, $0x1  }
0x9: {  	s7 =	sshll.u32 s7, $0x7;
	s3 =	sadd.s32 s8, s3;
	s6 =	ssub.s32 s6, s31  }
0xa: {  	s4 =	sadd.s32 s4, s7;
	s5 =	sadd.s32 s5, s7;
	s7 =	simm.s32 $0x3  }
0xb: {  	v0 =	vlaneseq.u32;
	s8 =	simm.s32 $0x2000;
	s3 =	sadd.s32 $0xBA00, s3;
	s6 =	smax.u32 s6, $0x1  }
.LBB2_1:
0xc: {  	[tilespmem:s2], [sflag:$0x3] =	stream.linear.gather [hbm4b:s3+s2], $0x2000, $0x38;
	[tilespmem:$0x2800] =	vst v63  }
0xd: {  	_ =	swait.ge [sflag:s7], $0x2000  }
0xe: {  	[sflag:s7] =	ssyncset.done $0x0  }
0xf: {  	s13 =	simm.s32 $0x1000;
	s14 =	simm.s32 $0x0;
	[sflag:s7] =	ssyncadd.s32 $0xFFFFE000  }
.LBB2_2:
0x10: {  	v1 =	vld [tilespmem:s13+$0xFFFFF000]  }
0x11: {  	v2 =	vld [tilespmem:s13+$0xFFFFF080]  }
0x12: {  	v3 =	vld [tilespmem:s13+$0xFFFFF100]  }
0x13: {  	v4 =	vld [tilespmem:s13+$0xFFFFF180]  }
0x14: {  	v5 =	vld [tilespmem:s13+$0xFFFFF200]  }
0x15: {  	v6 =	vld [tilespmem:s13+$0xFFFFF280]  }
0x16: {  	v7 =	vld [tilespmem:s13+$0xFFFFF300]  }
0x17: {  	v8 =	vld [tilespmem:s13+$0xFFFFF380]  }
0x18: {  	v9 =	vld [tilespmem:s13+$0xFFFFF400]  }
0x19: {  	v10 =	vld [tilespmem:s13+$0xFFFFF480]  }
0x1a: {  	v11 =	vld [tilespmem:s13+$0xFFFFF500]  }
0x1b: {  	v12 =	vld [tilespmem:s13+$0xFFFFF580]  }
0x1c: {  	v13 =	vld [tilespmem:s13+$0xFFFFF600]  }
0x1d: {  	v14 =	vld [tilespmem:s13+$0xFFFFF680]  }
0x1e: {  	v15 =	vld [tilespmem:s13+$0xFFFFF700]  }
0x1f: {  	v16 =	vld [tilespmem:s13+$0xFFFFF780]  }
0x20: {  	v17 =	vld [tilespmem:s13+$0xFFFFF800]  }
0x21: {  	v18 =	vld [tilespmem:s13+$0xFFFFF880]  }
0x22: {  	v19 =	vld [tilespmem:s13+$0xFFFFF900]  }
0x23: {  	v20 =	vld [tilespmem:s13+$0xFFFFF980]  }
0x24: {  	v21 =	vld [tilespmem:s13+$0xFFFFFA00]  }
0x25: {  	v22 =	vld [tilespmem:s13+$0xFFFFFA80]  }
0x26: {  	v23 =	vld [tilespmem:s13+$0xFFFFFB00]  }
0x27: {  	v24 =	vld [tilespmem:s13+$0xFFFFFB80]  }
0x28: {  	v25 =	vld [tilespmem:s13+$0xFFFFFC00]  }
0x29: {  	v26 =	vld [tilespmem:s13+$0xFFFFFC80]  }
0x2a: {  	v27 =	vld [tilespmem:s13+$0xFFFFFD00]  }
0x2b: {  	v28 =	vld [tilespmem:s13+$0xFFFFFD80]  }
0x2c: {  	v29 =	vld [tilespmem:s13+$0xFFFFFE00]  }
0x2d: {  	v30 =	vld [tilespmem:s13+$0xFFFFFE80]  }
0x2e: {  	v31 =	vld [tilespmem:s13+$0xFFFFFF00]  }
0x2f: {  	v32 =	vld [tilespmem:s13+$0xFFFFFF80]  }
0x30: {  	v33 =	vld [tilespmem:s13+$0x0]  }
0x31: {  	v34 =	vld [tilespmem:s13+$0x80]  }
0x32: {  	v35 =	vld [tilespmem:s13+$0x100]  }
0x33: {  	v36 =	vld [tilespmem:s13+$0x180]  }
0x34: {  	v37 =	vld [tilespmem:s13+$0x200]  }
0x35: {  	v38 =	vld [tilespmem:s13+$0x280]  }
0x36: {  	v39 =	vld [tilespmem:s13+$0x300]  }
0x37: {  	v40 =	vld [tilespmem:s13+$0x380]  }
0x38: {  	v41 =	vld [tilespmem:s13+$0x400]  }
0x39: {  	v42 =	vld [tilespmem:s13+$0x480]  }
0x3a: {  	v43 =	vld [tilespmem:s13+$0x500]  }
0x3b: {  	v44 =	vld [tilespmem:s13+$0x580]  }
0x3c: {  	v50 =	vld [tilespmem:s13+$0xC00]  }
0x3d: {  	v51 =	vld [tilespmem:s13+$0xC80];
	v1 =	vmax.f32 v1, v2;
	v2 =	vmax.f32 v9, v10  }
0x3e: {  	v45 =	vld [tilespmem:s13+$0x600];
	v1 =	vmax.f32 v1, v3;
	v2 =	vmax.f32 v2, v11  }
0x3f: {  	v59 =	vld [tilespmem:s13+$0x800];
	v1 =	vmax.f32 v1, v4;
	v2 =	vmax.f32 v2, v12  }
0x40: {  	v61 =	vld [tilespmem:s13+$0x880];
	v1 =	vmax.f32 v1, v5;
	v2 =	vmax.f32 v2, v13  }
0x41: {  	v62 =	vld [tilespmem:s13+$0x900];
	v60 =	vmax.f32 v17, v18;
	v1 =	vmax.f32 v1, v6;
	v2 =	vmax.f32 v2, v14  }
0x42: {  	v52 =	vld [tilespmem:s13+$0xD00];
	v58 =	vmax.f32 v50, v51;
	v1 =	vmax.f32 v1, v7;
	v2 =	vmax.f32 v2, v15  }
0x43: {  	v63 =	vld [tilespmem:s13+$0x980];
	v6 =	vmax.f32 v60, v19;
	v1 =	vmax.f32 v1, v8;
	v2 =	vmax.f32 v2, v16  }
0x44: {  	v53 =	vld [tilespmem:s13+$0xD80];
	v11 =	vor.u32 $0x7, v1;
	v1 =	vand.u32 $0xFFFFFFF8, v2;
	v2 =	vmax.f32 v25, v26  }
0x45: {  	v47 =	vld [tilespmem:s13+$0xA80];
	v46 =	vor.u32 $0x6, v1;
	v1 =	vmax.f32 v2, v27;
	v2 =	vmax.f32 v33, v34  }
0x46: {  	v48 =	vld [tilespmem:s13+$0xB00];
	v6 =	vmax.f32 v6, v20;
	v1 =	vmax.f32 v1, v28;
	v2 =	vmax.f32 v2, v35  }
0x47: {  	v49 =	vld [tilespmem:s13+$0xB80];
	v7 =	vmax.f32 v58, v52;
	v1 =	vmax.f32 v1, v29;
	v2 =	vmax.f32 v2, v36  }
0x48: {  	v55 =	vld [tilespmem:s13+$0xE00];
	v6 =	vmax.f32 v6, v21;
	v1 =	vmax.f32 v1, v30;
	v2 =	vmax.f32 v2, v37  }
0x49: {  	v57 =	vld [tilespmem:s13+$0xE80];
	v7 =	vmax.f32 v7, v53;
	v1 =	vmax.f32 v1, v31;
	v2 =	vmax.f32 v2, v38  }
0x4a: {  	v9 =	vld [tilespmem:s13+$0x680];
	v6 =	vmax.f32 v6, v22;
	v1 =	vmax.f32 v1, v32;
	v2 =	vmax.f32 v2, v39  }
0x4b: {  	v26 =	vld [tilespmem:s13+$0xA00];
	v6 =	vmax.f32 v6, v23;
	v1 =	vand.u32 $0xFFFFFFF8, v1;
	v2 =	vmax.f32 v2, v40  }
0x4c: {  	v3 =	vld [tilespmem:s13+$0x700];
	v54 =	vor.u32 $0x4, v1;
	v1 =	vand.u32 $0xFFFFFFF8, v2;
	v2 =	vmax.f32 v41, v42  }
0x4d: {  	v4 =	vld [tilespmem:s13+$0x780];
	v56 =	vor.u32 $0x3, v1;
	v1 =	vmax.f32 v2, v43;
	v2 =	vmax.f32 v59, v61  }
0x4e: {  	v6 =	vmax.f32 v6, v24;
	v59 =	vld [tilespmem:s13+$0xF00];
	v1 =	vmax.f32 v1, v44;
	v2 =	vmax.f32 v2, v62  }
0x4f: {  	v60 =	vld [tilespmem:s13+$0xF80];
	v6 =	vand.u32 $0xFFFFFFF8, v6;
	v1 =	vmax.f32 v1, v45;
	v2 =	vmax.f32 v2, v63  }
0x50: {  	v6 =	vor.u32 $0x5, v6;
	v1 =	vmax.f32 v1, v9;
	v2 =	vmax.f32 v2, v26  }
0x51: {  	v1 =	vmax.f32 v1, v3;
	v2 =	vmax.f32 v2, v47;
	v3 =	vmax.f32 v7, v55  }
0x52: {  	v1 =	vmax.f32 v1, v4;
	v2 =	vmax.f32 v2, v48;
	v3 =	vmax.f32 v3, v57  }
0x53: {  	v1 =	vand.u32 $0xFFFFFFF8, v1;
	v2 =	vmax.f32 v2, v49;
	v3 =	vmax.f32 v3, v59  }
0x54: {  	v61 =	vor.u32 $0x2, v1;
	v1 =	vand.u32 $0xFFFFFFF8, v2;
	v2 =	vmax.f32 v3, v60  }
0x55: {  	v62 =	vmax.f32 v11, v46;
	v3 =	vor.u32 $0x1, v1;
	v2 =	vand.u32 $0xFFFFFFF8, v2  }
0x56: {  	v63 =	vmax.f32 v6, v54;
	v20 =	vmax.f32 v56, v61;
	v22 =	vmax.f32 v3, v2  }
0x57: {  	v24 =	vmax.f32 v62, v63;
	v25 =	vmax.f32 v20, v22  }
0x58: {  	v1 =	vmax.f32 v24, v25  }
0x59: {  	v1 =	vshll.u32 v1, $0x3  }
0x5a: {  	v26 =	vand.u32 $0x38, v1  }
0x5b: {  	v1 =	vor.u32 s14, v0;
	v27 =	vshll.u32 v26, $0x7  }
0x5c: {  	v11 =	vmin.f32 v11, v46;
	v6 =	vmin.f32 v6, v54;
	v28 =	vor.u32 v1, v27  }
0x5d: {  	v31 =	vmax.f32 v11, v6;
	v15 =	vsub.s32 v1, v27;
	v29 =	vxor.u32 $0x1C00, v28  }
0x5e: {  	v6 =	vmin.f32 v11, v6;
	v4 =	vmin.f32 v56, v61;
	v30 =	vadd.s32 $0x1C80, v15  }
0x5f: {  	v2 =	vmin.f32 v3, v2;
	v3 =	vmin.f32 v62, v63;
	v32 =	vadd.s32 $0x1D00, v15  }
0x60: {  	v8 =	vmin.f32 v20, v22;
	v33 =	vmax.f32 v4, v2;
	v34 =	vadd.s32 $0x1D80, v15  }
0x61: {  	v2 =	vmin.f32 v4, v2;
	v35 =	vmax.f32 v31, v3;
	v36 =	vadd.s32 $0x1E00, v15  }
0x62: {  	v3 =	vmin.f32 v31, v3;
	v37 =	vmax.f32 v33, v8;
	v38 =	vadd.s32 $0x1E80, v15;
	v16 =	vld.idx.msk [tilespmem:v29+s2+$0x0], $0xffff  }
0x63: {  	v8 =	vmin.f32 v33, v8;
	v39 =	vmin.f32 v24, v25;
	v40 =	vadd.s32 $0x1F00, v15;
	v5 =	vld.idx.msk [tilespmem:v30+s2+$0x0], $0xffff  }
0x64: {  	v2 =	vmax.f32 v6, v2;
	v41 =	vmax.f32 v35, v37;
	v4 =	vmin.f32 v35, v37;
	v11 =	vld.idx.msk [tilespmem:v32+s2+$0x0], $0xffff  }
0x65: {  	v43 =	vmax.f32 v3, v8;
	v3 =	vmin.f32 v3, v8;
	v45 =	vmax.f32 v41, v39;
	v44 =	vld.idx.msk [tilespmem:v34+s2+$0x0], $0xffff  }
0x66: {  	v2 =	vmax.f32 v2, v3;
	v57 =	vshll.u32 v45, $0x3;
	v42 =	vxor.u32 $0x1F80, v28;
	v3 =	vld.idx.msk [tilespmem:v36+s2+$0x0], $0xffff  }
0x67: {  	v6 =	vmin.f32 v41, v39;
	v2 =	vmax.f32 v2, v4;
	v59 =	vand.u32 $0x38, v57;
	v47 =	vld.idx.msk [tilespmem:v38+s2+$0x0], $0xffff  }
0x68: {  	v15 =	vmax.f32 v43, v6;
	v6 =	vmin.f32 v43, v6;
	v61 =	vshll.u32 v59, $0x7;
	v49 =	vld.idx.msk [tilespmem:v40+s2+$0x0], $0xffff  }
0x69: {  	v10 =	vmax.f32 v2, v6;
	v63 =	vor.u32 v1, v61;
	v15 =	vshll.u32 v15, $0x3  }
0x6a: {  	v24 =	vxor.u32 $0x1C00, v63;
	v37 =	vxor.u32 $0x1F80, v63;
	v10 =	vshll.u32 v10, $0x3  }
0x6b: {  	v10 =	vand.u32 $0x38, v10;
	v51 =	vld.idx.msk [tilespmem:v42+s2+$0x0], $0xffff;
	v46 =	vand.u32 $0xFFFFFFC0, v16;
	v5 =	vand.u32 $0xFFFFFFC0, v5  }
0x6c: {  	v52 =	vand.u32 $0xFFFFFFC0, v11;
	v8 =	vand.u32 $0xFFFFFFC0, v44;
	v3 =	vand.u32 $0xFFFFFFC0, v3  }
0x6d: {  	v9 =	vand.u32 $0xFFFFFFC0, v47;
	v7 =	vand.u32 $0xFFFFFFC0, v49;
	v48 =	vor.u32 v26, v46  }
0x6e: {  	v50 =	vor.u32 v26, v5;
	v6 =	vor.u32 v26, v52;
	v8 =	vor.u32 v26, v8  }
0x6f: {  	v3 =	vor.u32 v26, v3;
	v9 =	vor.u32 v26, v9;
	v7 =	vor.u32 v26, v7  }
0x70: {  	v5 =	vand.u32 $0xFFFFFFC0, v51;
	v2 =	vor.u32 $0x7, v48;
	v4 =	vor.u32 $0x6, v50  }
0x71: {  	v6 =	vor.u32 $0x5, v6;
	v8 =	vor.u32 $0x4, v8;
	v3 =	vor.u32 $0x3, v3  }
0x72: {  	v9 =	vor.u32 $0x2, v9;
	v7 =	vor.u32 $0x1, v7;
	v5 =	vor.u32 v26, v5  }
0x73: {  	v53 =	vmax.f32 v2, v4;
	v2 =	vmin.f32 v2, v4;
	v54 =	vmax.f32 v6, v8  }
0x74: {  	v6 =	vmin.f32 v6, v8;
	v55 =	vmax.f32 v3, v9;
	v3 =	vmin.f32 v3, v9  }
0x75: {  	v56 =	vmax.f32 v7, v5;
	v5 =	vmin.f32 v7, v5;
	v58 =	vmax.f32 v53, v54  }
0x76: {  	v4 =	vmin.f32 v53, v54;
	v60 =	vmax.f32 v2, v6;
	v2 =	vmin.f32 v2, v6  }
0x77: {  	v62 =	vmax.f32 v55, v56;
	v8 =	vmin.f32 v55, v56;
	v6 =	vsub.s32 v1, v61  }
0x78: {  	v23 =	vmax.f32 v3, v5;
	v5 =	vmin.f32 v3, v5;
	v26 =	vadd.s32 $0x1C80, v6  }
0x79: {  	v16 =	vld.idx.msk [tilespmem:v24+s2+$0x0], $0xffff;
	v54 =	vand.u32 $0x38, v15;
	v25 =	vmax.f32 v60, v4;
	v28 =	vadd.s32 $0x1D00, v6  }
0x7a: {  	v4 =	vmin.f32 v60, v4;
	v27 =	vmax.f32 v23, v8;
	v29 =	vadd.s32 $0x1D80, v6  }
0x7b: {  	v8 =	vmin.f32 v23, v8;
	v3 =	vmax.f32 v58, v62;
	v31 =	vadd.s32 $0x1E00, v6  }
0x7c: {  	v49 =	vld.idx.msk [tilespmem:v37+s2+$0x0], $0xffff;
	v12 =	vmin.f32 v58, v62;
	v30 =	vmax.f32 v2, v5;
	v33 =	vadd.s32 $0x1E80, v6  }
0x7d: {  	v2 =	vmin.f32 v2, v5;
	v35 =	vadd.s32 $0x1F00, v6;
	v56 =	vshll.u32 v54, $0x7;
	v18 =	vld.idx.msk [tilespmem:v26+s2+$0x0], $0xffff  }
0x7e: {  	v16 =	vand.u32 $0xFFFFFFC0, v16;
	v32 =	vmax.f32 v25, v27;
	v58 =	vor.u32 v1, v56;
	v19 =	vld.idx.msk [tilespmem:v28+s2+$0x0], $0xffff  }
0x7f: {  	v7 =	vmin.f32 v25, v27;
	v34 =	vmax.f32 v4, v8;
	v60 =	vxor.u32 $0x1C00, v58;
	v40 =	vld.idx.msk [tilespmem:v29+s2+$0x0], $0xffff  }
0x80: {  	v36 =	vmin.f32 v4, v8;
	v45 =	vor.u32 v59, v16;
	v4 =	vmax.f32 v32, v12;
	v43 =	vld.idx.msk [tilespmem:v31+s2+$0x0], $0xffff  }
0x81: {  	v38 =	vmin.f32 v32, v12;
	v39 =	vmax.f32 v30, v36;
	v5 =	vmin.f32 v30, v36;
	v44 =	vld.idx.msk [tilespmem:v33+s2+$0x0], $0xffff  }
0x82: {  	v13 =	vor.u32 $0x7, v45;
	v22 =	vxor.u32 $0x1F80, v58;
	v6 =	vmax.f32 v34, v38;
	v47 =	vld.idx.msk [tilespmem:v35+s2+$0x0], $0xffff  }
0x83: {  	v41 =	vmin.f32 v34, v38;
	v42 =	vmax.f32 v39, v7;
	v7 =	vmin.f32 v39, v7  }
0x84: {  	v8 =	vmax.f32 v42, v41;
	v9 =	vmin.f32 v42, v41;
	v23 =	vld.idx.msk [tilespmem:v60+s2+$0x0], $0xffff;
	v60 =	vshll.u32 v10, $0x7  }
0x85: {  	v28 =	vsub.s32 v1, v60;
	v46 =	vand.u32 $0xFFFFFFC0, v18;
	v48 =	vand.u32 $0xFFFFFFC0, v19  }
0x86: {  	v12 =	vand.u32 $0xFFFFFFC0, v40;
	v17 =	vand.u32 $0xFFFFFFC0, v43;
	v20 =	vand.u32 $0xFFFFFFC0, v44  }
0x87: {  	v22 =	vld.idx.msk [tilespmem:v22+s2+$0x0], $0xffff;
	v16 =	vand.u32 $0xFFFFFFC0, v47;
	v19 =	vand.u32 $0xFFFFFFC0, v49;
	v14 =	vor.u32 v46, v59  }
0x88: {  	v18 =	vor.u32 v48, v59;
	v12 =	vor.u32 v12, v59;
	v17 =	vor.u32 v17, v59  }
0x89: {  	v20 =	vor.u32 v20, v59;
	v16 =	vor.u32 v16, v59;
	v11 =	vor.u32 v59, v19  }
0x8a: {  	v14 =	vor.u32 $0x6, v14;
	v18 =	vor.u32 $0x5, v18;
	v12 =	vor.u32 $0x4, v12  }
0x8b: {  	v17 =	vor.u32 $0x3, v17;
	v20 =	vor.u32 $0x2, v20;
	v16 =	vor.u32 $0x1, v16  }
0x8c: {  	v23 =	vand.u32 $0xFFFFFFC0, v23;
	v22 =	vand.u32 $0xFFFFFFC0, v22;
	v50 =	vmax.f32 v13, v14  }
0x8d: {  	v13 =	vmin.f32 v13, v14;
	v51 =	vmax.f32 v18, v12;
	v12 =	vmin.f32 v18, v12  }
0x8e: {  	v52 =	vmax.f32 v17, v20;
	v17 =	vmin.f32 v17, v20;
	v53 =	vmax.f32 v16, v11  }
0x8f: {  	v11 =	vmin.f32 v16, v11;
	v16 =	vsub.s32 v1, v56;
	v23 =	vor.u32 v23, v54  }
0x90: {  	v21 =	vor.u32 v54, v22;
	v55 =	vmax.f32 v50, v51;
	v14 =	vmin.f32 v50, v51  }
0x91: {  	v57 =	vmax.f32 v13, v12;
	v12 =	vmin.f32 v13, v12;
	v59 =	vmax.f32 v52, v53  }
0x92: {  	v18 =	vmin.f32 v52, v53;
	v61 =	vmax.f32 v17, v11;
	v62 =	vadd.s32 $0x1C80, v16  }
0x93: {  	v17 =	vmin.f32 v17, v11;
	v33 =	vadd.s32 $0x1D00, v16;
	v35 =	vadd.s32 $0x1D80, v16  }
0x94: {  	v36 =	vadd.s32 $0x1E00, v16;
	v38 =	vadd.s32 $0x1E80, v16;
	v40 =	vadd.s32 $0x1F00, v16  }
0x95: {  	v48 =	vor.u32 $0x7, v23;
	v63 =	vmax.f32 v57, v14;
	v14 =	vmin.f32 v57, v14  }
0x96: {  	v34 =	vmax.f32 v61, v18;
	v18 =	vmin.f32 v61, v18;
	v11 =	vmax.f32 v55, v59  }
0x97: {  	v15 =	vmin.f32 v55, v59;
	v37 =	vmax.f32 v12, v17;
	v12 =	vmin.f32 v12, v17  }
0x98: {  	v39 =	vmax.f32 v63, v34;
	v41 =	vmin.f32 v63, v34;
	v42 =	vmax.f32 v14, v18  }
0x99: {  	v14 =	vmin.f32 v14, v18;
	v3 =	vmax.f32 v3, v12;
	v2 =	vmax.f32 v2, v11  }
0x9a: {  	v13 =	vmax.f32 v39, v15;
	v17 =	vmin.f32 v39, v15;
	v18 =	vmax.f32 v37, v14;
	v24 =	vld.idx.msk [tilespmem:v62+s2+$0x0], $0xffff  }
0x9b: {  	v15 =	vmin.f32 v37, v14;
	v37 =	vadd.s32 $0x1C80, v28;
	v39 =	vadd.s32 $0x1D00, v28;
	v43 =	vld.idx.msk [tilespmem:v33+s2+$0x0], $0xffff  }
0x9c: {  	v14 =	vmax.f32 v42, v17;
	v19 =	vmin.f32 v42, v17;
	v45 =	vmax.f32 v18, v41;
	v44 =	vld.idx.msk [tilespmem:v35+s2+$0x0], $0xffff  }
0x9d: {  	v17 =	vmin.f32 v18, v41;
	v41 =	vadd.s32 $0x1D80, v28;
	v42 =	vadd.s32 $0x1E00, v28;
	v20 =	vld.idx.msk [tilespmem:v36+s2+$0x0], $0xffff  }
0x9e: {  	v4 =	vmax.f32 v4, v15;
	v5 =	vmax.f32 v5, v13;
	v46 =	vld.idx.msk [tilespmem:v38+s2+$0x0], $0xffff;
	v16 =	vmax.f32 v45, v19  }
0x9f: {  	v47 =	vld.idx.msk [tilespmem:v40+s2+$0x0], $0xffff;
	v18 =	vmin.f32 v45, v19;
	v62 =	vor.u32 v1, v60;
	v45 =	vadd.s32 $0x1E80, v28  }
0xa0: {  	v28 =	vadd.s32 $0x1F00, v28;
	v6 =	vmax.f32 v6, v17;
	v7 =	vmax.f32 v7, v14  }
0xa1: {  	v63 =	vxor.u32 $0x1C00, v62;
	v8 =	vmax.f32 v8, v18;
	v9 =	vmax.f32 v9, v16  }
0xa2: {  	v30 =	vld.idx.msk [tilespmem:v41+s2+$0x0], $0xffff;
	v41 =	vmax.f32 v3, v9;
	v3 =	vmin.f32 v3, v9;
	v49 =	vand.u32 $0xFFFFFFC0, v24  }
0xa3: {  	v50 =	vand.u32 $0xFFFFFFC0, v43;
	v51 =	vand.u32 $0xFFFFFFC0, v44;
	v20 =	vand.u32 $0xFFFFFFC0, v20  }
0xa4: {  	v52 =	vand.u32 $0xFFFFFFC0, v46;
	v53 =	vand.u32 $0xFFFFFFC0, v47;
	v23 =	vor.u32 v49, v54  }
0xa5: {  	v24 =	vor.u32 v50, v54;
	v25 =	vor.u32 v51, v54;
	v20 =	vor.u32 v20, v54  }
0xa6: {  	v26 =	vor.u32 v52, v54;
	v27 =	vor.u32 v53, v54;
	v23 =	vor.u32 $0x6, v23  }
0xa7: {  	v24 =	vor.u32 $0x5, v24;
	v25 =	vor.u32 $0x4, v25;
	v20 =	vor.u32 $0x3, v20  }
0xa8: {  	v26 =	vor.u32 $0x2, v26;
	v27 =	vor.u32 $0x1, v27;
	v54 =	vmax.f32 v48, v23  }
0xa9: {  	v19 =	vmin.f32 v48, v23;
	v55 =	vmax.f32 v24, v25;
	v24 =	vmin.f32 v24, v25  }
0xaa: {  	v56 =	vmax.f32 v20, v26;
	v20 =	vmin.f32 v20, v26;
	v57 =	vmax.f32 v27, v21  }
0xab: {  	v21 =	vmin.f32 v27, v21;
	v48 =	vxor.u32 $0x1F80, v62;
	v27 =	vld.idx.msk [tilespmem:v42+s2+$0x0], $0xffff;
	v42 =	vmax.f32 v4, v7  }
0xac: {  	v4 =	vmin.f32 v4, v7;
	v58 =	vmax.f32 v54, v55;
	v22 =	vmin.f32 v54, v55  }
0xad: {  	v28 =	vld.idx.msk [tilespmem:v28+s2+$0x0], $0xffff;
	v59 =	vmax.f32 v19, v24;
	v19 =	vmin.f32 v19, v24;
	v61 =	vmax.f32 v56, v57  }
0xae: {  	v25 =	vmin.f32 v56, v57;
	v36 =	vmax.f32 v20, v21;
	v20 =	vmin.f32 v20, v21  }
0xaf: {  	v44 =	vld.idx.msk [tilespmem:v63+s2+$0x0], $0xffff;
	v30 =	vand.u32 $0xFFFFFFC0, v30;
	v38 =	vmax.f32 v59, v22;
	v22 =	vmin.f32 v59, v22  }
0xb0: {  	v40 =	vmax.f32 v36, v25;
	v25 =	vmin.f32 v36, v25;
	v33 =	vmax.f32 v58, v61  }
0xb1: {  	v24 =	vmin.f32 v58, v61;
	v43 =	vmax.f32 v19, v20;
	v19 =	vmin.f32 v19, v20  }
0xb2: {  	v30 =	vor.u32 v30, v10;
	v28 =	vand.u32 $0xFFFFFFC0, v28;
	v46 =	vmax.f32 v38, v40  }
0xb3: {  	v31 =	vmin.f32 v38, v40;
	v47 =	vmax.f32 v22, v25;
	v22 =	vmin.f32 v22, v25  }
0xb4: {  	v20 =	vand.u32 $0xFFFFFFC0, v44;
	v30 =	vor.u32 $0x4, v30;
	v28 =	vor.u32 v28, v10  }
0xb5: {  	v23 =	vld.idx.msk [tilespmem:v39+s2+$0x0], $0xffff;
	v44 =	vmax.f32 v8, v2;
	v2 =	vmin.f32 v8, v2;
	v29 =	vmax.f32 v46, v24  }
0xb6: {  	v26 =	vld.idx.msk [tilespmem:v45+s2+$0x0], $0xffff;
	v24 =	vmin.f32 v46, v24;
	v49 =	vmax.f32 v43, v22;
	v22 =	vmin.f32 v43, v22  }
0xb7: {  	v20 =	vor.u32 v20, v10;
	v28 =	vor.u32 $0x1, v28;
	v43 =	vmax.f32 v6, v5  }
0xb8: {  	v5 =	vmin.f32 v6, v5;
	v46 =	vmax.f32 v42, v44;
	v6 =	vmin.f32 v42, v44  }
0xb9: {  	v21 =	vld.idx.msk [tilespmem:v37+s2+$0x0], $0xffff;
	v34 =	vmax.f32 v47, v24;
	v24 =	vmin.f32 v47, v24;
	v50 =	vmax.f32 v49, v31  }
0xba: {  	v31 =	vmin.f32 v49, v31;
	v20 =	vor.u32 $0x7, v20;
	v23 =	vand.u32 $0xFFFFFFC0, v23  }
0xbb: {  	v27 =	vand.u32 $0xFFFFFFC0, v27;
	v26 =	vand.u32 $0xFFFFFFC0, v26;
	v45 =	vmax.f32 v41, v43  }
0xbc: {  	v7 =	vmin.f32 v41, v43;
	v47 =	vmax.f32 v3, v5;
	v3 =	vmin.f32 v3, v5  }
0xbd: {  	v25 =	vld.idx.msk [tilespmem:v48+s2+$0x0], $0xffff;
	v48 =	vmax.f32 v4, v2;
	v2 =	vmin.f32 v4, v2;
	v35 =	vmax.f32 v50, v24  }
0xbe: {  	v21 =	vand.u32 $0xFFFFFFC0, v21;
	v24 =	vmin.f32 v50, v24;
	v23 =	vor.u32 v23, v10  }
0xbf: {  	v27 =	vor.u32 v27, v10;
	v26 =	vor.u32 v26, v10;
	v49 =	vmax.f32 v45, v46  }
0xc0: {  	v8 =	vmin.f32 v45, v46;
	v50 =	vmax.f32 v7, v6;
	v6 =	vmin.f32 v7, v6  }
0xc1: {  	v5 =	vmin.f32 v47, v48;
	v21 =	vor.u32 v21, v10;
	v23 =	vor.u32 $0x5, v23  }
0xc2: {  	v27 =	vor.u32 $0x3, v27;
	v26 =	vor.u32 $0x2, v26;
	v21 =	vor.u32 $0x6, v21  }
0xc3: {  	v52 =	vmax.f32 v23, v30;
	v23 =	vmin.f32 v23, v30;
	v53 =	vmax.f32 v27, v26  }
0xc4: {  	v26 =	vmin.f32 v27, v26;
	v51 =	vmax.f32 v20, v21;
	v20 =	vmin.f32 v20, v21  }
0xc5: {  	v25 =	vand.u32 $0xFFFFFFC0, v25;
	v55 =	vmax.f32 v51, v52;
	v21 =	vmin.f32 v51, v52  }
0xc6: {  	v56 =	vmax.f32 v20, v23;
	v20 =	vmin.f32 v20, v23;
	v51 =	vmax.f32 v47, v48  }
0xc7: {  	v52 =	vmax.f32 v3, v2;
	v2 =	vmin.f32 v3, v2;
	v10 =	vor.u32 v10, v25  }
0xc8: {  	v59 =	vmax.f32 v56, v21;
	v54 =	vmax.f32 v28, v10;
	v10 =	vmin.f32 v28, v10  }
0xc9: {  	v21 =	vmin.f32 v56, v21;
	v27 =	vmin.f32 v53, v54;
	v58 =	vmax.f32 v26, v10  }
0xca: {  	v57 =	vmax.f32 v53, v54;
	v10 =	vmin.f32 v26, v10;
	v60 =	vmax.f32 v58, v27  }
0xcb: {  	v27 =	vmin.f32 v58, v27;
	v61 =	vmax.f32 v55, v57;
	v23 =	vmin.f32 v55, v57  }
0xcc: {  	v62 =	vmax.f32 v20, v10;
	v10 =	vmin.f32 v20, v10;
	v63 =	vmax.f32 v59, v60  }
0xcd: {  	v25 =	vmin.f32 v59, v60;
	v32 =	vmax.f32 v21, v27;
	v21 =	vmin.f32 v21, v27  }
0xce: {  	v3 =	vmax.f32 v33, v10;
	v59 =	vmax.f32 v19, v61;
	v36 =	vmax.f32 v63, v23  }
0xcf: {  	v20 =	vmin.f32 v63, v23;
	v37 =	vmax.f32 v62, v21;
	v21 =	vmin.f32 v62, v21  }
0xd0: {  	v38 =	vmax.f32 v32, v20;
	v20 =	vmin.f32 v32, v20;
	v39 =	vmax.f32 v37, v25  }
0xd1: {  	v23 =	vmin.f32 v37, v25;
	v53 =	vmax.f32 v29, v21;
	v58 =	vmax.f32 v22, v36  }
0xd2: {  	v40 =	vmax.f32 v39, v20;
	v20 =	vmin.f32 v39, v20;
	v54 =	vmax.f32 v34, v23  }
0xd3: {  	v57 =	vmax.f32 v31, v38;
	v55 =	vmax.f32 v35, v20;
	v56 =	vmax.f32 v24, v40  }
0xd4: {  	v61 =	vmax.f32 v53, v57;
	v10 =	vmin.f32 v53, v57;
	v62 =	vmax.f32 v54, v58  }
0xd5: {  	v12 =	vmin.f32 v54, v58;
	v60 =	vmax.f32 v3, v56;
	v3 =	vmin.f32 v3, v56  }
0xd6: {  	v63 =	vmax.f32 v55, v59;
	v13 =	vmin.f32 v55, v59;
	v21 =	vmax.f32 v60, v62  }
0xd7: {  	v15 =	vmin.f32 v60, v62;
	v22 =	vmax.f32 v61, v63;
	v14 =	vmin.f32 v61, v63  }
0xd8: {  	v23 =	vmax.f32 v3, v12;
	v3 =	vmin.f32 v3, v12;
	v24 =	vmax.f32 v10, v13  }
0xd9: {  	v10 =	vmin.f32 v10, v13;
	v25 =	vmax.f32 v21, v22;
	v17 =	vmin.f32 v21, v22  }
0xda: {  	v26 =	vmax.f32 v15, v14;
	v14 =	vmin.f32 v15, v14;
	v27 =	vmax.f32 v23, v24  }
0xdb: {  	v12 =	vmin.f32 v23, v24;
	v28 =	vmax.f32 v3, v10;
	v3 =	vmin.f32 v3, v10  }
0xdc: {  	v3 =	vmax.f32 v49, v3;
	v29 =	vmax.f32 v8, v28;
	v30 =	vmax.f32 v50, v12  }
0xdd: {  	v6 =	vmax.f32 v6, v27;
	v7 =	vmax.f32 v51, v14;
	v5 =	vmax.f32 v5, v26  }
0xde: {  	v9 =	vmax.f32 v52, v17;
	v2 =	vmax.f32 v2, v25;
	v31 =	vmax.f32 v3, v7  }
0xdf: {  	v32 =	vmax.f32 v29, v5;
	v12 =	vmax.f32 v30, v9;
	v13 =	vmax.f32 v6, v2  }
0xe0: {  	v33 =	vmax.f32 v31, v12;
	v34 =	vmax.f32 v32, v13  }
0xe1: {  	v35 =	vmax.f32 v33, v34  }
0xe2: {  	v36 =	vand.u32 $0xFFFFFFC0, v35  }
0xe3: {  	v14 =	vmin.f32 v33, v34;
	v37 =	vadd.f32 $0.0e+00, v36  }
0xe4: {  	v10 =	vmin.f32 v31, v12;
	v11 =	vmin.f32 v32, v13;
	v38 =	vand.u32 $0xFFFFFFC0, v14  }
0xe5: {  	v3 =	vmin.f32 v3, v7;
	v39 =	vmax.f32 v10, v11;
	v40 =	vadd.f32 v38, v37  }
0xe6: {  	v4 =	vmin.f32 v29, v5;
	v41 =	vmin.f32 v30, v9;
	v42 =	vand.u32 $0xFFFFFFC0, v39  }
0xe7: {  	v2 =	vmin.f32 v6, v2;
	v43 =	vmin.f32 v10, v11;
	v44 =	vadd.f32 v42, v40  }
0xe8: {  	v45 =	vmax.f32 v3, v41;
	v46 =	vmax.f32 v4, v2;
	v47 =	vand.u32 $0xFFFFFFC0, v43  }
0xe9: {  	v48 =	vmax.f32 v45, v46;
	v9 =	vadd.f32 v47, v44  }
0xea: {  	v49 =	vand.u32 $0xFFFFFFC0, v48  }
0xeb: {  	v10 =	vmin.f32 v45, v46;
	v9 =	vadd.f32 v49, v9  }
0xec: {  	v3 =	vmin.f32 v3, v41;
	v2 =	vmin.f32 v4, v2;
	v50 =	vand.u32 $0xFFFFFFC0, v10  }
0xed: {  	v5 =	vmax.f32 v3, v2;
	v9 =	vadd.f32 v50, v9  }
0xee: {  	v51 =	vand.u32 $0xFFFFFFC0, v5  }
0xef: {  	v2 =	vmin.f32 v3, v2;
	v3 =	vadd.f32 v51, v9  }
0xf0: {  	v52 =	vand.u32 $0xFFFFFFC0, v2  }
0xf1: {  	v3 =	vadd.f32 v52, v3;
	_ =	sdelay $0x1  }
0xf2: {  	v3 =	vadd.f32 $9.999999970e-07, v3;
	_ =	sdelay $0x1  }
0xf3: {  	(erf) = vrcp.f32 v3;
	_ =	sdelay $0x6  }
0xf4: {  	v1 =	vshll.u32 v1, $0x3;
	_ =	sdelay $0x1  }
0xf5: {  	v53 =	vor.u32 $0x1, v1;
	v3 =	vpop (erf)  }
0xf6: {  	v17 =	vmul.f32 v36, v3  }
0xf7: {  	v54 =	vor.u32 $0x2, v1  }
0xf8: {  	v16 =	vandn.u32 $0x3F, v35;
	v12 =	vmul.f32 v38, v3;
	[tilespmem:v1+s8+$0x0] =	vst.idx.msk $0xffff, v17  }
0xf9: {  	v55 =	vor.u32 $0x3, v1;
	[tilespmem:v1+s9+$0x0] =	vst.idx.msk $0xffff, v16  }
0xfa: {  	v14 =	vandn.u32 $0x3F, v14;
	v8 =	vmul.f32 v42, v3;
	[tilespmem:v53+s8+$0x0] =	vst.idx.msk $0xffff, v12  }
0xfb: {  	v56 =	vor.u32 $0x4, v1;
	[tilespmem:v53+s9+$0x0] =	vst.idx.msk $0xffff, v14  }
0xfc: {  	v7 =	vandn.u32 $0x3F, v39;
	v57 =	vmul.f32 v47, v3;
	[tilespmem:v54+s8+$0x0] =	vst.idx.msk $0xffff, v8  }
0xfd: {  	v58 =	vor.u32 $0x5, v1;
	[tilespmem:v54+s9+$0x0] =	vst.idx.msk $0xffff, v7  }
0xfe: {  	v6 =	vandn.u32 $0x3F, v43;
	v59 =	vmul.f32 v49, v3;
	[tilespmem:v55+s8+$0x0] =	vst.idx.msk $0xffff, v57  }
0xff: {  	v60 =	vor.u32 $0x6, v1;
	[tilespmem:v55+s9+$0x0] =	vst.idx.msk $0xffff, v6  }
0x100: {  	v61 =	vandn.u32 $0x3F, v48;
	v4 =	vmul.f32 v50, v3;
	[tilespmem:v56+s8+$0x0] =	vst.idx.msk $0xffff, v59  }
0x101: {  	v1 =	vor.u32 $0x7, v1;
	[tilespmem:v56+s9+$0x0] =	vst.idx.msk $0xffff, v61  }
0x102: {  	p0 =	sne.s32 s14, $0x70;
	v62 =	vandn.u32 $0x3F, v10;
	v63 =	vmul.f32 v51, v3;
	[tilespmem:v58+s8+$0x0] =	vst.idx.msk $0xffff, v4  }
.Ltmp0:
0x103: {  	[tilespmem:v58+s9+$0x0] =	vst.idx.msk $0xffff, v62;
	(pc) =	sbr.rel @p0 .LBB2_2-.Ltmp0, $4  }
0x104: {  	v5 =	vandn.u32 $0x3F, v5;
	v3 =	vmul.f32 v52, v3;
	[tilespmem:v60+s8+$0x0] =	vst.idx.msk $0xffff, v63  }
0x105: {  	[tilespmem:v60+s9+$0x0] =	vst.idx.msk $0xffff, v5  }
0x106: {  	v2 =	vandn.u32 $0x3F, v2;
	[tilespmem:v1+s8+$0x0] =	vst.idx.msk $0xffff, v3  }
0x107: {  	s13 =	sadd.s32 $0x10, s13;
	s14 =	sadd.s32 $0x10, s14;
	[tilespmem:v1+s9+$0x0] =	vst.idx.msk $0xffff, v2  }
0x108: {  	[hbm4b:s4+s2] =	stream.linear.scatter [tilespmem:s8], [sflag:$0x1], $0x400, $0x38;
	[tilespmem:$0x2800] =	vst v63  }
0x109: {  	s12 =	sadd.s32 $0x1, s12  }
0x10a: {  	[hbm4b:s5+s2] =	stream.linear.scatter [tilespmem:s9], [sflag:$0x2], $0x400, $0x38;
	[tilespmem:$0x2800] =	vst v63  }
0x10b: {  	p0 =	sne.s32 s12, s6;
	_ =	swait.ge [sflag:s10], $0x400  }
.Ltmp1:
0x10c: {  	[sflag:s10] =	ssyncset.done $0x0;
	(pc) =	sbr.rel @p0 .LBB2_1-.Ltmp1, $4  }
0x10d: {  	[sflag:s10] =	ssyncadd.s32 $0xFFFFFC00  }
0x10e: {  	_ =	swait.ge [sflag:s11], $0x400  }
0x10f: {  	[sflag:s11] =	ssyncset.done $0x0  }
0x110: {  	[sflag:s11] =	ssyncadd.s32 $0xFFFFFC00  }
0x111: {  	_ =	sfence.sel $0x180000  }
0x112: {  	[bflag:$0x0] =	sbarrier.arrive $0xFFFF  }
0x113: {  	p0 =	sne.s32 s0, $0x0;
	_ =	strace $0x9000004A  }
0x114: {  	s0 =	sadd.s32 @!p0 $0x100000, s1;
	[bflag:$0x2] =	sbarrier.arrive $0xFFFF  }
0x115: {  	[sflag:s0] =	ssyncadd.tile.s32 @!p0 $0x1;
	_ =	shalt  }
.Lfunc_end2:
_tile_overlayer_lowered:
.L_overlay_start_2:
0x116: {  	(tag) =	ssettag $0x2  }
0x117: {  	s0 =	rddreg [dreg:$0x0];
	s2 =	stileid.u32  }
0x118: {  	s1 =	rddreg [dreg:$0x1];
	p0 =	sne.s32 s2, $0x0  }
0x119: {  	s3 =	rddreg [dreg:$0x2];
	[bflag:$0x3] =	sbarrier.arrive $0xFFFF;
	s2 =	simm.s32 @!p0 $0x1C03  }
0x11a: {  	[timem:s3], [sflag:s2] =	dma.local @!p0 [hbm:s0], s1  }
0x11b: {  	s0 =	simm.s32 @!p0 $0x3  }
0x11c: {  	_ =	swait.ge @!p0 [sflag:s0], s1  }
0x11d: {  	s1 =	ssub.s32 @!p0 $0x0, s1;
	[sflag:s0] =	ssyncset.done @!p0 $0x0  }
0x11e: {  	[sflag:s0] =	ssyncadd.s32 @!p0 s1  }
0x11f: {  	[bflag:$0x3] =	sbarrier.arrive $0xFFFF  }
0x120: {  	_ =	shalt  }

</sc_bundles>
